<compile_context>
chip_gen: v7x
topology: tpu7x:2x2x1
jax: 0.10.2.dev20260603
libtpu: 0.0.44.dev20260713+nightly
codegen_flags: <defaults>
</compile_context>

<pallas_src>
import functools

import jax
import jax.numpy as jnp
from jax import lax
from jax.experimental import pallas as pl
from jax.experimental.pallas import tpu as pltpu
from jax.experimental.pallas import tpu_sc as plsc

N = 10000
E = 320000
D = 128
D_EDGE = 16

_NC = 2
_NS = 16
_NW = _NC * _NS
_CHUNK = 128
_NCHUNK = E // _CHUNK
_NHALF = _NCHUNK // 2
_CPW = 40
_NK_LAST = _NHALF - (_NW - 1) * _CPW
_EH = E // 2
_SPW = 80
_SK_LAST = _NCHUNK - (_NW - 1) * _SPW
_ROWS_A = 624
_ROWS_LAST = N - (_NS - 1) * _ROWS_A


def _silu(v):
    return v * jax.nn.sigmoid(v)


def _lin_body(h_ref, w_ref, b_ref, o_ref):
    o_ref[...] = (
        jnp.dot(h_ref[...], w_ref[...], preferred_element_type=jnp.float32)
        + b_ref[...]
    )


def _linear(h, w, b):
    blk = 1000
    return pl.pallas_call(
        _lin_body,
        grid=(N // blk,),
        in_specs=[
            pl.BlockSpec((blk, D), lambda i: (i, 0)),
            pl.BlockSpec((D, D), lambda i: (0, 0)),
            pl.BlockSpec((1, D), lambda i: (0, 0)),
        ],
        out_specs=pl.BlockSpec((blk, D), lambda i: (i, 0)),
        out_shape=jax.ShapeDtypeStruct((N, D), jnp.float32),
    )(h, w, b.reshape(1, D))


def _gather_body(x_hbm, row_hbm, col_hbm, xr_hbm, xc_hbm,
                 idx_r, idx_c, br, bc, xs,
                 sem_g, swr, swc):
    cidx = lax.axis_index("c")
    sid = lax.axis_index("s")
    wid = sid * _NC + cidx
    cstart = wid * _CPW
    nk = jnp.where(wid == _NW - 1, _NK_LAST, _CPW)

    pltpu.sync_copy(row_hbm.at[pl.ds(cstart, _CPW)], idx_r)
    pltpu.sync_copy(col_hbm.at[pl.ds(cstart, _CPW)], idx_c)

    @pl.when(sid < _NS - 1)
    def _():
        pltpu.sync_copy(x_hbm.at[pl.ds(sid * _ROWS_A, _ROWS_A)],
                        xs.at[pl.ds(sid * _ROWS_A, _ROWS_A)])

    @pl.when(sid == _NS - 1)
    def _():
        pltpu.sync_copy(x_hbm.at[pl.ds((_NS - 1) * _ROWS_A, _ROWS_LAST)],
                        xs.at[pl.ds((_NS - 1) * _ROWS_A, _ROWS_LAST)])

    plsc.subcore_barrier()

    def body(k, _):
        cid = cstart + k

        @pl.when(k >= 1)
        def _():
            pltpu.make_async_copy(br, xr_hbm.at[pl.ds(0, _CHUNK)], swr).wait()
            pltpu.make_async_copy(bc, xc_hbm.at[pl.ds(0, _CHUNK)], swc).wait()

        gr = pltpu.async_copy(xs.at[idx_r.at[k]], br, sem_g)
        gc = pltpu.async_copy(xs.at[idx_c.at[k]], bc, sem_g)
        gr.wait()
        gc.wait()
        pltpu.async_copy(br, xr_hbm.at[pl.ds(cid * _CHUNK, _CHUNK)], swr)
        pltpu.async_copy(bc, xc_hbm.at[pl.ds(cid * _CHUNK, _CHUNK)], swc)
        return 0

    lax.fori_loop(0, nk, body, 0)

    @pl.when(nk >= 1)
    def _():
        pltpu.make_async_copy(br, xr_hbm.at[pl.ds(0, _CHUNK)], swr).wait()
        pltpu.make_async_copy(bc, xc_hbm.at[pl.ds(0, _CHUNK)], swc).wait()


def _edge_gather(x, row2d, col2d):
    kfn = pl.kernel(
        _gather_body,
        out_type=[
            jax.ShapeDtypeStruct((_EH, D), jnp.float32),
            jax.ShapeDtypeStruct((_EH, D), jnp.float32),
        ],
        mesh=plsc.VectorSubcoreMesh(core_axis_name="c", subcore_axis_name="s"),
        scratch_types=[
            pltpu.VMEM((_CPW, _CHUNK), jnp.int32),
            pltpu.VMEM((_CPW, _CHUNK), jnp.int32),
            pltpu.VMEM((_CHUNK, D), jnp.float32),
            pltpu.VMEM((_CHUNK, D), jnp.float32),
            pltpu.VMEM_SHARED((N, D), jnp.float32),
            pltpu.SemaphoreType.DMA,
            pltpu.SemaphoreType.DMA,
            pltpu.SemaphoreType.DMA,
        ],
    )
    return kfn(x, row2d, col2d)


def _edge_body(xr_ref, xc_ref, ea_ref, em_ref,
               a1r_ref, a1c_ref, a1e_ref, ab1_ref, aw2_ref, ab2_ref,
               e1r_ref, e1c_ref, e1e_ref, eb1_ref, ew2_ref, eb2_ref,
               o_ref):
    xr = xr_ref[...]
    xc = xc_ref[...]
    ea = ea_ref[...]
    f32 = jnp.float32
    t_att = (
        jnp.dot(xr, a1r_ref[...], preferred_element_type=f32)
        + jnp.dot(xc, a1c_ref[...], preferred_element_type=f32)
        + jnp.dot(ea, a1e_ref[...], preferred_element_type=f32)
        + ab1_ref[...]
    )
    s = _silu(t_att)
    logit = jnp.sum(s * aw2_ref[...], axis=-1, keepdims=True) + ab2_ref[...]
    att = jax.nn.sigmoid(logit) * em_ref[...]
    t_edge = (
        jnp.dot(xr, e1r_ref[...], preferred_element_type=f32)
        + jnp.dot(xc, e1c_ref[...], preferred_element_type=f32)
        + jnp.dot(ea, e1e_ref[...], preferred_element_type=f32)
        + eb1_ref[...]
    )
    u = _silu(t_edge)
    m = _silu(jnp.dot(u, ew2_ref[...], preferred_element_type=f32) + eb2_ref[...])
    o_ref[...] = m * att


def _edge_mlp(half, xr, xc, edge_attr, edge_mask,
              att_W1, att_b1, att_W2, att_b2,
              edge_W1, edge_b1, edge_W2, edge_b2):
    be = 2000
    off = half * (_EH // be)
    full = lambda r, c: pl.BlockSpec((r, c), lambda i: (0, 0))
    return pl.pallas_call(
        _edge_body,
        grid=(_EH // be,),
        in_specs=[
            pl.BlockSpec((be, D), lambda i: (i, 0)),
            pl.BlockSpec((be, D), lambda i: (i, 0)),
            pl.BlockSpec((be, D_EDGE), lambda i: (i + off, 0)),
            pl.BlockSpec((be, 1), lambda i: (i + off, 0)),
            full(D, D), full(D, D), full(D_EDGE, D), full(1, D),
            full(1, D), full(1, 1),
            full(D, D), full(D, D), full(D_EDGE, D), full(1, D),
            full(D, D), full(1, D),
        ],
        out_specs=pl.BlockSpec((be, D), lambda i: (i, 0)),
        out_shape=jax.ShapeDtypeStruct((_EH, D), jnp.float32),
    )(
        xr, xc, edge_attr, edge_mask,
        att_W1[:D], att_W1[D:2 * D], att_W1[2 * D:], att_b1.reshape(1, D),
        att_W2.reshape(1, D), att_b2.reshape(1, 1),
        edge_W1[:D], edge_W1[D:2 * D], edge_W1[2 * D:], edge_b1.reshape(1, D),
        edge_W2, edge_b2.reshape(1, D),
    )


def _scatter_body(upd_hbm, row_hbm, out_hbm, idxb, b0, b1, zbuf, acc,
                  sl0, sl1):
    cidx = lax.axis_index("c")
    sid = lax.axis_index("s")
    wid = sid * _NC + cidx
    cstart = wid * _CPW
    nk = jnp.where(wid == _NW - 1, _NK_LAST, _CPW)

    pltpu.sync_copy(row_hbm.at[pl.ds(cstart, _CPW)], idxb)

    def zbody(i, _):
        r = i // (D // 16)
        c = i % (D // 16)
        zbuf[r, pl.ds(c * 16, 16)] = jnp.zeros((16,), jnp.float32)
        return 0

    lax.fori_loop(0, 16 * (D // 16), zbody, 0)

    base = sid * _ROWS_A
    nrows = jnp.where(sid == _NS - 1, _ROWS_LAST, _ROWS_A)

    def zcopy(t, _):
        pltpu.sync_copy(zbuf, acc.at[pl.ds(base + t * 16, 16)])
        return 0

    lax.fori_loop(0, nrows // 16, zcopy, 0)
    plsc.subcore_barrier()

    @pl.when(nk >= 1)
    def _():
        pltpu.async_copy(upd_hbm.at[pl.ds(cstart * _CHUNK, _CHUNK)], b0, sl0)

    def step(k, bcur, scur, bnext, snext):
        @pl.when(k + 1 < nk)
        def _():
            pltpu.async_copy(
                upd_hbm.at[pl.ds((cstart + k + 1) * _CHUNK, _CHUNK)],
                bnext, snext)

        pltpu.make_async_copy(upd_hbm.at[pl.ds(0, _CHUNK)], bcur, scur).wait()
        pltpu.sync_copy(bcur, acc.at[idxb.at[k]], add=True)

    def body(k, _):
        @pl.when(k % 2 == 0)
        def _():
            step(k, b0, sl0, b1, sl1)

        @pl.when(k % 2 == 1)
        def _():
            step(k, b1, sl1, b0, sl0)

        return 0

    lax.fori_loop(0, nk, body, 0)
    plsc.subcore_barrier()

    @pl.when(sid < _NS - 1)
    def _():
        pltpu.sync_copy(
            acc.at[pl.ds(sid * _ROWS_A, _ROWS_A)],
            out_hbm.at[cidx, pl.ds(sid * _ROWS_A, _ROWS_A)],
        )

    @pl.when(sid == _NS - 1)
    def _():
        pltpu.sync_copy(
            acc.at[pl.ds((_NS - 1) * _ROWS_A, _ROWS_LAST)],
            out_hbm.at[cidx, pl.ds((_NS - 1) * _ROWS_A, _ROWS_LAST)],
        )


def _scatter_add(agg_e, row2d):
    kfn = pl.kernel(
        _scatter_body,
        out_type=jax.ShapeDtypeStruct((_NC, N, D), jnp.float32),
        mesh=plsc.VectorSubcoreMesh(core_axis_name="c", subcore_axis_name="s"),
        scratch_types=[
            pltpu.VMEM((_CPW, _CHUNK), jnp.int32),
            pltpu.VMEM((_CHUNK, D), jnp.float32),
            pltpu.VMEM((_CHUNK, D), jnp.float32),
            pltpu.VMEM((16, D), jnp.float32),
            pltpu.VMEM_SHARED((N, D), jnp.float32),
            pltpu.SemaphoreType.DMA,
            pltpu.SemaphoreType.DMA,
        ],
    )
    return kfn(agg_e, row2d)


def _node_body(x_ref, p_ref, q_ref, nm_ref, w1x_ref, w1a_ref, b1_ref, w2_ref,
               b2_ref, o_ref):
    f32 = jnp.float32
    x = x_ref[...]
    agg = (p_ref[0] + p_ref[1]) + (q_ref[0] + q_ref[1])
    t = (
        jnp.dot(x, w1x_ref[...], preferred_element_type=f32)
        + jnp.dot(agg, w1a_ref[...], preferred_element_type=f32)
        + b1_ref[...]
    )
    o_ref[...] = (
        x + jnp.dot(_silu(t), w2_ref[...], preferred_element_type=f32)
        + b2_ref[...]
    ) * nm_ref[...]


def _node_mlp(x, part0, part1, node_mask, node_W1, node_b1, node_W2, node_b2):
    blk = 1000
    full = lambda r, c: pl.BlockSpec((r, c), lambda i: (0, 0))
    return pl.pallas_call(
        _node_body,
        grid=(N // blk,),
        in_specs=[
            pl.BlockSpec((blk, D), lambda i: (i, 0)),
            pl.BlockSpec((_NC, blk, D), lambda i: (0, i, 0)),
            pl.BlockSpec((_NC, blk, D), lambda i: (0, i, 0)),
            pl.BlockSpec((blk, 1), lambda i: (i, 0)),
            full(D, D), full(D, D), full(1, D), full(D, D), full(1, D),
        ],
        out_specs=pl.BlockSpec((blk, D), lambda i: (i, 0)),
        out_shape=jax.ShapeDtypeStruct((N, D), jnp.float32),
    )(
        x, part0, part1, node_mask,
        node_W1[:D], node_W1[D:], node_b1.reshape(1, D),
        node_W2, node_b2.reshape(1, D),
    )


def kernel(h, edge_attr, edges, node_mask, edge_mask, W_lin, b_lin,
           node_W1, node_b1, node_W2, node_b2,
           att_W1, att_b1, att_W2, att_b2,
           edge_W1, edge_b1, edge_W2, edge_b2):
    row2d = edges[0].reshape(_NCHUNK, _CHUNK)
    col2d = edges[1].reshape(_NCHUNK, _CHUNK)
    padc = _NW * _CPW - _NHALF
    rh = [jnp.pad(row2d[hf * _NHALF:(hf + 1) * _NHALF], ((0, padc), (0, 0)))
          for hf in range(2)]
    ch = [jnp.pad(col2d[hf * _NHALF:(hf + 1) * _NHALF], ((0, padc), (0, 0)))
          for hf in range(2)]
    x = _linear(h, W_lin, b_lin)
    xr0, xc0 = _edge_gather(x, rh[0], ch[0])
    xr1, xc1 = _edge_gather(x, rh[1], ch[1])
    a0 = _edge_mlp(0, xr0, xc0, edge_attr, edge_mask,
                   att_W1, att_b1, att_W2, att_b2,
                   edge_W1, edge_b1, edge_W2, edge_b2)
    a1 = _edge_mlp(1, xr1, xc1, edge_attr, edge_mask,
                   att_W1, att_b1, att_W2, att_b2,
                   edge_W1, edge_b1, edge_W2, edge_b2)
    p0 = _scatter_add(a0, rh[0])
    p1 = _scatter_add(a1, rh[1])
    return _node_mlp(x, p0, p1, node_mask, node_W1, node_b1, node_W2, node_b2)

# --- scband reference (transcript-rebuilt; emitter-appended) ---
"""Pipeline reference for scband-gclayer-39926015983993 (READ-ONLY COPY).

The authoritative reference and input builder live on the scoring server;
editing this copy changes nothing except your own understanding.
"""

import jax, jax.numpy as jnp
import numpy as np

N = 10000
E = 320000
D = 128
D_EDGE = 16

def _glorot(key, fan_in, fan_out):
    lim = float(np.sqrt(6.0 / (fan_in + fan_out)))
    return jax.random.uniform(key, (fan_in, fan_out), jnp.float32, -lim, lim)

def setup_inputs(seed: int = 0):
    key = jax.random.key(seed)
    ks = jax.random.split(key, 24)
    inp = {}
    inp["h"] = jax.random.normal(ks[0], (N, D), jnp.float32)
    inp["edge_attr"] = jax.random.normal(ks[1], (E, D_EDGE), jnp.float32)
    inp["edges"] = jax.random.randint(ks[2], (2, E), 0, N, jnp.int32)
    inp["node_mask"] = jnp.ones((N, 1), jnp.float32)
    inp["edge_mask"] = jnp.ones((E, 1), jnp.float32)
    inp["W_lin"] = _glorot(ks[3], D, D); inp["b_lin"] = jnp.zeros((D,), jnp.float32)
    inp["node_W1"] = _glorot(ks[4], 2 * D, D); inp["node_b1"] = jnp.zeros((D,), jnp.float32)
    inp["node_W2"] = _glorot(ks[5], D, D); inp["node_b2"] = jnp.zeros((D,), jnp.float32)
    inp["att_W1"] = _glorot(ks[6], 2 * D + D_EDGE, D); inp["att_b1"] = jnp.zeros((D,), jnp.float32)
    inp["att_W2"] = _glorot(ks[7], D, 1); inp["att_b2"] = jnp.zeros((1,), jnp.float32)
    inp["edge_W1"] = _glorot(ks[8], 2 * D + D_EDGE, D); inp["edge_b1"] = jnp.zeros((D,), jnp.float32)
    inp["edge_W2"] = _glorot(ks[9], D, D); inp["edge_b2"] = jnp.zeros((D,), jnp.float32)
    return inp

def reference(h, edge_attr, edges, node_mask, edge_mask, W_lin, b_lin, node_W1, node_b1, node_W2, node_b2, att_W1, att_b1, att_W2, att_b2, edge_W1, edge_b1, edge_W2, edge_b2):
    # h = self.linear(h)
    x = h @ W_lin + b_lin
    row, col = edges[0], edges[1]
    xr = jnp.take(x, row, axis=0)
    xc = jnp.take(x, col, axis=0)
    cat = jnp.concatenate([xr, xc, edge_attr], axis=-1)
    # DenseAtt: MLP(2*d+edge_dim -> d -> SiLU -> 1) -> sigmoid, masked by edge_mask
    att = jax.nn.sigmoid(jax.nn.silu(cat @ att_W1 + att_b1) @ att_W2 + att_b2) * edge_mask
    # edge_mlp with act after both linears
    m = jax.nn.silu(jax.nn.silu(cat @ edge_W1 + edge_b1) @ edge_W2 + edge_b2)
    agg_e = m * att
    # unsorted_segment_sum with aggregation 'sum' and normalization_factor=1
    agg = jax.ops.segment_sum(agg_e, row, num_segments=N) / 1.0
    z = jnp.concatenate([x, agg], axis=1)
    out = x + (jax.nn.silu(z @ node_W1 + node_b1) @ node_W2 + node_b2)
    out = out * node_mask
    return out

if __name__ == "__main__":
    import jax
    _d = setup_inputs()
    print(jax.jit(kernel)(*tuple(_d.values())))

</pallas_src>

<mosaic_0001>
#map = affine_map<(d0, d1) -> (0, 0)>
module attributes {stable_mosaic.version = 14 : i64} {
  func.func @_gather_body(%arg0: i32, %arg1: i32, %arg2: memref<10000x128xf32, #tpu.memory_space<hbm>>, %arg3: memref<1280x128xi32, #tpu.memory_space<hbm>>, %arg4: memref<1280x128xi32, #tpu.memory_space<hbm>>, %arg5: memref<160000x128xf32, #tpu.memory_space<hbm>>, %arg6: memref<160000x128xf32, #tpu.memory_space<hbm>>, %arg7: memref<40x128xi32, #tpu.memory_space<vmem>>, %arg8: memref<40x128xi32, #tpu.memory_space<vmem>>, %arg9: memref<128x128xf32, #tpu.memory_space<vmem>>, %arg10: memref<128x128xf32, #tpu.memory_space<vmem>>, %arg11: memref<10000x128xf32, #tpu.memory_space<vmem_shared>>, %arg12: memref<!tpu.dma_semaphore, #tpu.memory_space<semaphore_mem>>, %arg13: memref<!tpu.dma_semaphore, #tpu.memory_space<semaphore_mem>>, %arg14: memref<!tpu.dma_semaphore, #tpu.memory_space<semaphore_mem>>) attributes {dimension_semantics = [#tpu.dimension_semantics<core_parallel>, #tpu.dimension_semantics<subcore_parallel>], iteration_bounds = array<i64: 2, 16>, scalar_prefetch = 0 : i64, scratch_operands = 8 : i64, tpu.core_type = #tpu.core_type<sc_vector_subcore>, window_params = [{transform_indices = #map}, {transform_indices = #map}, {transform_indices = #map}, {transform_indices = #map}, {transform_indices = #map}]} {
    %mul3A = arith.constant 2 : i32
    %mul3A_0 = arith.muli %arg1, %mul3A : i32
    %add3A = arith.addi %mul3A_0, %arg0 : i32
    %mul3A_1 = arith.constant 40 : i32
    %mul3A_2 = arith.muli %add3A, %mul3A_1 : i32
    %eq3A = arith.constant 31 : i32
    %eq3A_3 = arith.cmpi eq, %add3A, %eq3A : i32
    %jit3A = arith.constant 10 : i32
    %jit3A_4 = arith.constant 40 : i32
    %select_n3A = arith.select %eq3A_3, %jit3A, %jit3A_4 : i32
    "tpu.region"() ({
      %run_scoped3A = tpu.sem_alloc : memref<!tpu.dma_semaphore, #tpu.memory_space<semaphore_mem>>
      %dma_start3A = arith.constant 0 : i32
      %dma_start3A_27 = tpu.memref_slice %arg3[%mul3A_2, %dma_start3A] : memref<1280x128xi32, #tpu.memory_space<hbm>> -> memref<40x128xi32, #tpu.memory_space<hbm>>
      %dma_start3A_28 = arith.constant 0 : i32
      %dma_start3A_29 = tpu.memref_slice %arg3[%mul3A_2, %dma_start3A_28] : memref<1280x128xi32, #tpu.memory_space<hbm>> -> memref<40x128xi32, #tpu.memory_space<hbm>>
      tpu.enqueue_dma source(%dma_start3A_29 : memref<40x128xi32, #tpu.memory_space<hbm>>) target(%arg7 : memref<40x128xi32, #tpu.memory_space<vmem>>) target_semaphore(%run_scoped3A : memref<!tpu.dma_semaphore, #tpu.memory_space<semaphore_mem>>)
      %dma_wait3A = arith.constant 0 : i32
      %dma_wait3A_30 = tpu.memref_slice %arg3[%mul3A_2, %dma_wait3A] : memref<1280x128xi32, #tpu.memory_space<hbm>> -> memref<40x128xi32, #tpu.memory_space<hbm>>
      %dma_wait3A_31 = arith.constant 0 : i32
      %dma_wait3A_32 = tpu.memref_slice %arg3[%mul3A_2, %dma_wait3A_31] : memref<1280x128xi32, #tpu.memory_space<hbm>> -> memref<40x128xi32, #tpu.memory_space<hbm>>
      tpu.wait_dma2 semaphore(%run_scoped3A : memref<!tpu.dma_semaphore, #tpu.memory_space<semaphore_mem>>) src(%dma_wait3A_32 : memref<40x128xi32, #tpu.memory_space<hbm>>) dst(%arg7 : memref<40x128xi32, #tpu.memory_space<vmem>>)
      tpu.yield
    }) : () -> ()
    "tpu.region"() ({
      %run_scoped3A = tpu.sem_alloc : memref<!tpu.dma_semaphore, #tpu.memory_space<semaphore_mem>>
      %dma_start3A = arith.constant 0 : i32
      %dma_start3A_27 = tpu.memref_slice %arg4[%mul3A_2, %dma_start3A] : memref<1280x128xi32, #tpu.memory_space<hbm>> -> memref<40x128xi32, #tpu.memory_space<hbm>>
      %dma_start3A_28 = arith.constant 0 : i32
      %dma_start3A_29 = tpu.memref_slice %arg4[%mul3A_2, %dma_start3A_28] : memref<1280x128xi32, #tpu.memory_space<hbm>> -> memref<40x128xi32, #tpu.memory_space<hbm>>
      tpu.enqueue_dma source(%dma_start3A_29 : memref<40x128xi32, #tpu.memory_space<hbm>>) target(%arg8 : memref<40x128xi32, #tpu.memory_space<vmem>>) target_semaphore(%run_scoped3A : memref<!tpu.dma_semaphore, #tpu.memory_space<semaphore_mem>>)
      %dma_wait3A = arith.constant 0 : i32
      %dma_wait3A_30 = tpu.memref_slice %arg4[%mul3A_2, %dma_wait3A] : memref<1280x128xi32, #tpu.memory_space<hbm>> -> memref<40x128xi32, #tpu.memory_space<hbm>>
      %dma_wait3A_31 = arith.constant 0 : i32
      %dma_wait3A_32 = tpu.memref_slice %arg4[%mul3A_2, %dma_wait3A_31] : memref<1280x128xi32, #tpu.memory_space<hbm>> -> memref<40x128xi32, #tpu.memory_space<hbm>>
      tpu.wait_dma2 semaphore(%run_scoped3A : memref<!tpu.dma_semaphore, #tpu.memory_space<semaphore_mem>>) src(%dma_wait3A_32 : memref<40x128xi32, #tpu.memory_space<hbm>>) dst(%arg8 : memref<40x128xi32, #tpu.memory_space<vmem>>)
      tpu.yield
    }) : () -> ()
    %lt3A = arith.constant 15 : i32
    %lt3A_5 = arith.cmpi slt, %arg1, %lt3A : i32
    %convert_element_type3A = arith.extui %lt3A_5 : i1 to i32
    %cond3A = arith.constant 0 : i32
    %cond3A_6 = arith.cmpi ne, %convert_element_type3A, %cond3A : i32
    scf.if %cond3A_6 {
      %mul3A_27 = arith.constant 624 : i32
      %mul3A_28 = arith.muli %arg1, %mul3A_27 : i32
      %mul3A_29 = arith.constant 624 : i32
      %mul3A_30 = arith.muli %arg1, %mul3A_29 : i32
      "tpu.region"() ({
        %run_scoped3A = tpu.sem_alloc : memref<!tpu.dma_semaphore, #tpu.memory_space<semaphore_mem>>
        %dma_start3A = arith.constant 0 : i32
        %dma_start3A_31 = tpu.memref_slice %arg11[%mul3A_30, %dma_start3A] : memref<10000x128xf32, #tpu.memory_space<vmem_shared>> -> memref<624x128xf32, #tpu.memory_space<vmem_shared>>
        %dma_start3A_32 = arith.constant 0 : i32
        %dma_start3A_33 = tpu.memref_slice %arg2[%mul3A_28, %dma_start3A_32] : memref<10000x128xf32, #tpu.memory_space<hbm>> -> memref<624x128xf32, #tpu.memory_space<hbm>>
        tpu.enqueue_dma source(%dma_start3A_33 : memref<624x128xf32, #tpu.memory_space<hbm>>) target(%dma_start3A_31 : memref<624x128xf32, #tpu.memory_space<vmem_shared>>) target_semaphore(%run_scoped3A : memref<!tpu.dma_semaphore, #tpu.memory_space<semaphore_mem>>)
        %dma_wait3A = arith.constant 0 : i32
        %dma_wait3A_34 = tpu.memref_slice %arg11[%mul3A_30, %dma_wait3A] : memref<10000x128xf32, #tpu.memory_space<vmem_shared>> -> memref<624x128xf32, #tpu.memory_space<vmem_shared>>
        %dma_wait3A_35 = arith.constant 0 : i32
        %dma_wait3A_36 = tpu.memref_slice %arg2[%mul3A_28, %dma_wait3A_35] : memref<10000x128xf32, #tpu.memory_space<hbm>> -> memref<624x128xf32, #tpu.memory_space<hbm>>
        tpu.wait_dma2 semaphore(%run_scoped3A : memref<!tpu.dma_semaphore, #tpu.memory_space<semaphore_mem>>) src(%dma_wait3A_36 : memref<624x128xf32, #tpu.memory_space<hbm>>) dst(%dma_wait3A_34 : memref<624x128xf32, #tpu.memory_space<vmem_shared>>)
        tpu.yield
      }) : () -> ()
    } else {
    }
    %eq3A_7 = arith.constant 15 : i32
    %eq3A_8 = arith.cmpi eq, %arg1, %eq3A_7 : i32
    %convert_element_type3A_9 = arith.extui %eq3A_8 : i1 to i32
    %cond3A_10 = arith.constant 0 : i32
    %cond3A_11 = arith.cmpi ne, %convert_element_type3A_9, %cond3A_10 : i32
    scf.if %cond3A_11 {
      "tpu.region"() ({
        %run_scoped3A = tpu.sem_alloc : memref<!tpu.dma_semaphore, #tpu.memory_space<semaphore_mem>>
        %dma_start3A = arith.constant 9360 : i32
        %dma_start3A_27 = arith.constant 0 : i32
        %dma_start3A_28 = tpu.memref_slice %arg11[%dma_start3A, %dma_start3A_27] : memref<10000x128xf32, #tpu.memory_space<vmem_shared>> -> memref<640x128xf32, #tpu.memory_space<vmem_shared>>
        %dma_start3A_29 = arith.constant 9360 : i32
        %dma_start3A_30 = arith.constant 0 : i32
        %dma_start3A_31 = tpu.memref_slice %arg2[%dma_start3A_29, %dma_start3A_30] : memref<10000x128xf32, #tpu.memory_space<hbm>> -> memref<640x128xf32, #tpu.memory_space<hbm>>
        tpu.enqueue_dma source(%dma_start3A_31 : memref<640x128xf32, #tpu.memory_space<hbm>>) target(%dma_start3A_28 : memref<640x128xf32, #tpu.memory_space<vmem_shared>>) target_semaphore(%run_scoped3A : memref<!tpu.dma_semaphore, #tpu.memory_space<semaphore_mem>>)
        %dma_wait3A = arith.constant 9360 : i32
        %dma_wait3A_32 = arith.constant 0 : i32
        %dma_wait3A_33 = tpu.memref_slice %arg11[%dma_wait3A, %dma_wait3A_32] : memref<10000x128xf32, #tpu.memory_space<vmem_shared>> -> memref<640x128xf32, #tpu.memory_space<vmem_shared>>
        %dma_wait3A_34 = arith.constant 9360 : i32
        %dma_wait3A_35 = arith.constant 0 : i32
        %dma_wait3A_36 = tpu.memref_slice %arg2[%dma_wait3A_34, %dma_wait3A_35] : memref<10000x128xf32, #tpu.memory_space<hbm>> -> memref<640x128xf32, #tpu.memory_space<hbm>>
        tpu.wait_dma2 semaphore(%run_scoped3A : memref<!tpu.dma_semaphore, #tpu.memory_space<semaphore_mem>>) src(%dma_wait3A_36 : memref<640x128xf32, #tpu.memory_space<hbm>>) dst(%dma_wait3A_33 : memref<640x128xf32, #tpu.memory_space<vmem_shared>>)
        tpu.yield
      }) : () -> ()
    } else {
    }
    %barrier3A = arith.constant 0 : index
    tpu.barrier barrier_id(%barrier3A)
    %while3A = arith.constant 0 : i32
    %while3A_12 = arith.constant 0 : i32
    %while3A_13 = arith.subi %select_n3A, %while3A : i32
    %while3A_14 = arith.addi %while3A, %while3A_13 : i32
    %while3A_15 = arith.constant 1 : i32
    %while3A_16 = arith.divsi %while3A_13, %while3A_15 : i32
    %while3A_17 = arith.muli %while3A_16, %while3A_15 : i32
    %while3A_18 = arith.addi %while3A, %while3A_17 : i32
    %while3A_19 = arith.constant 1 : i32
    %while3A_20 = scf.for %while3A_27 = %while3A to %while3A_18 step %while3A_19 iter_args(%while3A_28 = %while3A_12) -> (i32)  : i32 {
      %add3A_29 = arith.addi %mul3A_2, %while3A_27 : i32
      %ge3A_30 = arith.constant 1 : i32
      %ge3A_31 = arith.cmpi sge, %while3A_27, %ge3A_30 : i32
      %convert_element_type3A_32 = arith.extui %ge3A_31 : i1 to i32
      %cond3A_33 = arith.constant 0 : i32
      %cond3A_34 = arith.cmpi ne, %convert_element_type3A_32, %cond3A_33 : i32
      scf.if %cond3A_34 {
        %dma_wait3A_70 = arith.constant 0 : i32
        %dma_wait3A_71 = arith.constant 0 : i32
        %dma_wait3A_72 = tpu.memref_slice %arg5[%dma_wait3A_70, %dma_wait3A_71] : memref<160000x128xf32, #tpu.memory_space<hbm>> -> memref<128x128xf32, #tpu.memory_space<hbm>>
        %dma_wait3A_73 = arith.constant 0 : i32
        %dma_wait3A_74 = arith.constant 0 : i32
        %dma_wait3A_75 = tpu.memref_slice %arg5[%dma_wait3A_73, %dma_wait3A_74] : memref<160000x128xf32, #tpu.memory_space<hbm>> -> memref<128x128xf32, #tpu.memory_space<hbm>>
        tpu.wait_dma2 semaphore(%arg13 : memref<!tpu.dma_semaphore, #tpu.memory_space<semaphore_mem>>) src(%arg9 : memref<128x128xf32, #tpu.memory_space<vmem>>) dst(%dma_wait3A_75 : memref<128x128xf32, #tpu.memory_space<hbm>>)
        %dma_wait3A_76 = arith.constant 0 : i32
        %dma_wait3A_77 = arith.constant 0 : i32
        %dma_wait3A_78 = tpu.memref_slice %arg6[%dma_wait3A_76, %dma_wait3A_77] : memref<160000x128xf32, #tpu.memory_space<hbm>> -> memref<128x128xf32, #tpu.memory_space<hbm>>
        %dma_wait3A_79 = arith.constant 0 : i32
        %dma_wait3A_80 = arith.constant 0 : i32
        %dma_wait3A_81 = tpu.memref_slice %arg6[%dma_wait3A_79, %dma_wait3A_80] : memref<160000x128xf32, #tpu.memory_space<hbm>> -> memref<128x128xf32, #tpu.memory_space<hbm>>
        tpu.wait_dma2 semaphore(%arg14 : memref<!tpu.dma_semaphore, #tpu.memory_space<semaphore_mem>>) src(%arg10 : memref<128x128xf32, #tpu.memory_space<vmem>>) dst(%dma_wait3A_81 : memref<128x128xf32, #tpu.memory_space<hbm>>)
      } else {
      }
      %dma_start3A = arith.constant 0 : i32
      %dma_start3A_35 = tpu.memref_slice %arg7[%while3A_27, %dma_start3A] : memref<40x128xi32, #tpu.memory_space<vmem>> -> memref<1x128xi32, #tpu.memory_space<vmem>>
      %dma_start3A_36 = tpu.memref_squeeze %dma_start3A_35 : memref<1x128xi32, #tpu.memory_space<vmem>> -> memref<128xi32, #tpu.memory_space<vmem>>
      %dma_start3A_37 = arith.constant 0 : i32
      %dma_start3A_38 = arith.constant 0 : i32
      %dma_start3A_39 = tpu.memref_slice %arg11[%dma_start3A_37, %dma_start3A_38] : memref<10000x128xf32, #tpu.memory_space<vmem_shared>> -> memref<10000x128xf32, #tpu.memory_space<vmem_shared>>
      tpu.enqueue_indirect_dma source(%dma_start3A_39 : memref<10000x128xf32, #tpu.memory_space<vmem_shared>>) target(%arg9 : memref<128x128xf32, #tpu.memory_space<vmem>>) offsets(%dma_start3A_36 : memref<128xi32, #tpu.memory_space<vmem>>) semaphore(%arg12 : memref<!tpu.dma_semaphore, #tpu.memory_space<semaphore_mem>>)
      %dma_start3A_40 = arith.constant 0 : i32
      %dma_start3A_41 = tpu.memref_slice %arg8[%while3A_27, %dma_start3A_40] : memref<40x128xi32, #tpu.memory_space<vmem>> -> memref<1x128xi32, #tpu.memory_space<vmem>>
      %dma_start3A_42 = tpu.memref_squeeze %dma_start3A_41 : memref<1x128xi32, #tpu.memory_space<vmem>> -> memref<128xi32, #tpu.memory_space<vmem>>
      %dma_start3A_43 = arith.constant 0 : i32
      %dma_start3A_44 = arith.constant 0 : i32
      %dma_start3A_45 = tpu.memref_slice %arg11[%dma_start3A_43, %dma_start3A_44] : memref<10000x128xf32, #tpu.memory_space<vmem_shared>> -> memref<10000x128xf32, #tpu.memory_space<vmem_shared>>
      tpu.enqueue_indirect_dma source(%dma_start3A_45 : memref<10000x128xf32, #tpu.memory_space<vmem_shared>>) target(%arg10 : memref<128x128xf32, #tpu.memory_space<vmem>>) offsets(%dma_start3A_42 : memref<128xi32, #tpu.memory_space<vmem>>) semaphore(%arg12 : memref<!tpu.dma_semaphore, #tpu.memory_space<semaphore_mem>>)
      %dma_wait3A = arith.constant 0 : i32
      %dma_wait3A_46 = tpu.memref_slice %arg7[%while3A_27, %dma_wait3A] : memref<40x128xi32, #tpu.memory_space<vmem>> -> memref<1x128xi32, #tpu.memory_space<vmem>>
      %dma_wait3A_47 = tpu.memref_squeeze %dma_wait3A_46 : memref<1x128xi32, #tpu.memory_space<vmem>> -> memref<128xi32, #tpu.memory_space<vmem>>
      %dma_wait3A_48 = arith.constant 0 : i32
      %dma_wait3A_49 = arith.constant 0 : i32
      %dma_wait3A_50 = tpu.memref_slice %arg11[%dma_wait3A_48, %dma_wait3A_49] : memref<10000x128xf32, #tpu.memory_space<vmem_shared>> -> memref<10000x128xf32, #tpu.memory_space<vmem_shared>>
      tpu.wait_indirect_dma semaphore(%arg12 : memref<!tpu.dma_semaphore, #tpu.memory_space<semaphore_mem>>) src(%dma_wait3A_50 : memref<10000x128xf32, #tpu.memory_space<vmem_shared>>) dst(%arg9 : memref<128x128xf32, #tpu.memory_space<vmem>>)
      %dma_wait3A_51 = arith.constant 0 : i32
      %dma_wait3A_52 = tpu.memref_slice %arg8[%while3A_27, %dma_wait3A_51] : memref<40x128xi32, #tpu.memory_space<vmem>> -> memref<1x128xi32, #tpu.memory_space<vmem>>
      %dma_wait3A_53 = tpu.memref_squeeze %dma_wait3A_52 : memref<1x128xi32, #tpu.memory_space<vmem>> -> memref<128xi32, #tpu.memory_space<vmem>>
      %dma_wait3A_54 = arith.constant 0 : i32
      %dma_wait3A_55 = arith.constant 0 : i32
      %dma_wait3A_56 = tpu.memref_slice %arg11[%dma_wait3A_54, %dma_wait3A_55] : memref<10000x128xf32, #tpu.memory_space<vmem_shared>> -> memref<10000x128xf32, #tpu.memory_space<vmem_shared>>
      tpu.wait_indirect_dma semaphore(%arg12 : memref<!tpu.dma_semaphore, #tpu.memory_space<semaphore_mem>>) src(%dma_wait3A_56 : memref<10000x128xf32, #tpu.memory_space<vmem_shared>>) dst(%arg10 : memref<128x128xf32, #tpu.memory_space<vmem>>)
      %mul3A_57 = arith.constant 128 : i32
      %mul3A_58 = arith.muli %add3A_29, %mul3A_57 : i32
      %dma_start3A_59 = arith.constant 0 : i32
      %dma_start3A_60 = tpu.memref_slice %arg5[%mul3A_58, %dma_start3A_59] : memref<160000x128xf32, #tpu.memory_space<hbm>> -> memref<128x128xf32, #tpu.memory_space<hbm>>
      %dma_start3A_61 = arith.constant 0 : i32
      %dma_start3A_62 = tpu.memref_slice %arg5[%mul3A_58, %dma_start3A_61] : memref<160000x128xf32, #tpu.memory_space<hbm>> -> memref<128x128xf32, #tpu.memory_space<hbm>>
      tpu.enqueue_dma source(%arg9 : memref<128x128xf32, #tpu.memory_space<vmem>>) target(%dma_start3A_62 : memref<128x128xf32, #tpu.memory_space<hbm>>) target_semaphore(%arg13 : memref<!tpu.dma_semaphore, #tpu.memory_space<semaphore_mem>>)
      %mul3A_63 = arith.constant 128 : i32
      %mul3A_64 = arith.muli %add3A_29, %mul3A_63 : i32
      %dma_start3A_65 = arith.constant 0 : i32
      %dma_start3A_66 = tpu.memref_slice %arg6[%mul3A_64, %dma_start3A_65] : memref<160000x128xf32, #tpu.memory_space<hbm>> -> memref<128x128xf32, #tpu.memory_space<hbm>>
      %dma_start3A_67 = arith.constant 0 : i32
      %dma_start3A_68 = tpu.memref_slice %arg6[%mul3A_64, %dma_start3A_67] : memref<160000x128xf32, #tpu.memory_space<hbm>> -> memref<128x128xf32, #tpu.memory_space<hbm>>
      tpu.enqueue_dma source(%arg10 : memref<128x128xf32, #tpu.memory_space<vmem>>) target(%dma_start3A_68 : memref<128x128xf32, #tpu.memory_space<hbm>>) target_semaphore(%arg14 : memref<!tpu.dma_semaphore, #tpu.memory_space<semaphore_mem>>)
      %while3A_69 = arith.constant 0 : i32
      scf.yield %while3A_69 : i32
    }
    %while3A_21 = arith.constant 1 : i32
    %while3A_22 = scf.for %while3A_27 = %while3A_18 to %while3A_14 step %while3A_21 iter_args(%while3A_28 = %while3A_20) -> (i32)  : i32 {
      %add3A_29 = arith.addi %mul3A_2, %while3A_27 : i32
      %ge3A_30 = arith.constant 1 : i32
      %ge3A_31 = arith.cmpi sge, %while3A_27, %ge3A_30 : i32
      %convert_element_type3A_32 = arith.extui %ge3A_31 : i1 to i32
      %cond3A_33 = arith.constant 0 : i32
      %cond3A_34 = arith.cmpi ne, %convert_element_type3A_32, %cond3A_33 : i32
      scf.if %cond3A_34 {
        %dma_wait3A_70 = arith.constant 0 : i32
        %dma_wait3A_71 = arith.constant 0 : i32
        %dma_wait3A_72 = tpu.memref_slice %arg5[%dma_wait3A_70, %dma_wait3A_71] : memref<160000x128xf32, #tpu.memory_space<hbm>> -> memref<128x128xf32, #tpu.memory_space<hbm>>
        %dma_wait3A_73 = arith.constant 0 : i32
        %dma_wait3A_74 = arith.constant 0 : i32
        %dma_wait3A_75 = tpu.memref_slice %arg5[%dma_wait3A_73, %dma_wait3A_74] : memref<160000x128xf32, #tpu.memory_space<hbm>> -> memref<128x128xf32, #tpu.memory_space<hbm>>
        tpu.wait_dma2 semaphore(%arg13 : memref<!tpu.dma_semaphore, #tpu.memory_space<semaphore_mem>>) src(%arg9 : memref<128x128xf32, #tpu.memory_space<vmem>>) dst(%dma_wait3A_75 : memref<128x128xf32, #tpu.memory_space<hbm>>)
        %dma_wait3A_76 = arith.constant 0 : i32
        %dma_wait3A_77 = arith.constant 0 : i32
        %dma_wait3A_78 = tpu.memref_slice %arg6[%dma_wait3A_76, %dma_wait3A_77] : memref<160000x128xf32, #tpu.memory_space<hbm>> -> memref<128x128xf32, #tpu.memory_space<hbm>>
        %dma_wait3A_79 = arith.constant 0 : i32
        %dma_wait3A_80 = arith.constant 0 : i32
        %dma_wait3A_81 = tpu.memref_slice %arg6[%dma_wait3A_79, %dma_wait3A_80] : memref<160000x128xf32, #tpu.memory_space<hbm>> -> memref<128x128xf32, #tpu.memory_space<hbm>>
        tpu.wait_dma2 semaphore(%arg14 : memref<!tpu.dma_semaphore, #tpu.memory_space<semaphore_mem>>) src(%arg10 : memref<128x128xf32, #tpu.memory_space<vmem>>) dst(%dma_wait3A_81 : memref<128x128xf32, #tpu.memory_space<hbm>>)
      } else {
      }
      %dma_start3A = arith.constant 0 : i32
      %dma_start3A_35 = tpu.memref_slice %arg7[%while3A_27, %dma_start3A] : memref<40x128xi32, #tpu.memory_space<vmem>> -> memref<1x128xi32, #tpu.memory_space<vmem>>
      %dma_start3A_36 = tpu.memref_squeeze %dma_start3A_35 : memref<1x128xi32, #tpu.memory_space<vmem>> -> memref<128xi32, #tpu.memory_space<vmem>>
      %dma_start3A_37 = arith.constant 0 : i32
      %dma_start3A_38 = arith.constant 0 : i32
      %dma_start3A_39 = tpu.memref_slice %arg11[%dma_start3A_37, %dma_start3A_38] : memref<10000x128xf32, #tpu.memory_space<vmem_shared>> -> memref<10000x128xf32, #tpu.memory_space<vmem_shared>>
      tpu.enqueue_indirect_dma source(%dma_start3A_39 : memref<10000x128xf32, #tpu.memory_space<vmem_shared>>) target(%arg9 : memref<128x128xf32, #tpu.memory_space<vmem>>) offsets(%dma_start3A_36 : memref<128xi32, #tpu.memory_space<vmem>>) semaphore(%arg12 : memref<!tpu.dma_semaphore, #tpu.memory_space<semaphore_mem>>)
      %dma_start3A_40 = arith.constant 0 : i32
      %dma_start3A_41 = tpu.memref_slice %arg8[%while3A_27, %dma_start3A_40] : memref<40x128xi32, #tpu.memory_space<vmem>> -> memref<1x128xi32, #tpu.memory_space<vmem>>
      %dma_start3A_42 = tpu.memref_squeeze %dma_start3A_41 : memref<1x128xi32, #tpu.memory_space<vmem>> -> memref<128xi32, #tpu.memory_space<vmem>>
      %dma_start3A_43 = arith.constant 0 : i32
      %dma_start3A_44 = arith.constant 0 : i32
      %dma_start3A_45 = tpu.memref_slice %arg11[%dma_start3A_43, %dma_start3A_44] : memref<10000x128xf32, #tpu.memory_space<vmem_shared>> -> memref<10000x128xf32, #tpu.memory_space<vmem_shared>>
      tpu.enqueue_indirect_dma source(%dma_start3A_45 : memref<10000x128xf32, #tpu.memory_space<vmem_shared>>) target(%arg10 : memref<128x128xf32, #tpu.memory_space<vmem>>) offsets(%dma_start3A_42 : memref<128xi32, #tpu.memory_space<vmem>>) semaphore(%arg12 : memref<!tpu.dma_semaphore, #tpu.memory_space<semaphore_mem>>)
      %dma_wait3A = arith.constant 0 : i32
      %dma_wait3A_46 = tpu.memref_slice %arg7[%while3A_27, %dma_wait3A] : memref<40x128xi32, #tpu.memory_space<vmem>> -> memref<1x128xi32, #tpu.memory_space<vmem>>
      %dma_wait3A_47 = tpu.memref_squeeze %dma_wait3A_46 : memref<1x128xi32, #tpu.memory_space<vmem>> -> memref<128xi32, #tpu.memory_space<vmem>>
      %dma_wait3A_48 = arith.constant 0 : i32
      %dma_wait3A_49 = arith.constant 0 : i32
      %dma_wait3A_50 = tpu.memref_slice %arg11[%dma_wait3A_48, %dma_wait3A_49] : memref<10000x128xf32, #tpu.memory_space<vmem_shared>> -> memref<10000x128xf32, #tpu.memory_space<vmem_shared>>
      tpu.wait_indirect_dma semaphore(%arg12 : memref<!tpu.dma_semaphore, #tpu.memory_space<semaphore_mem>>) src(%dma_wait3A_50 : memref<10000x128xf32, #tpu.memory_space<vmem_shared>>) dst(%arg9 : memref<128x128xf32, #tpu.memory_space<vmem>>)
      %dma_wait3A_51 = arith.constant 0 : i32
      %dma_wait3A_52 = tpu.memref_slice %arg8[%while3A_27, %dma_wait3A_51] : memref<40x128xi32, #tpu.memory_space<vmem>> -> memref<1x128xi32, #tpu.memory_space<vmem>>
      %dma_wait3A_53 = tpu.memref_squeeze %dma_wait3A_52 : memref<1x128xi32, #tpu.memory_space<vmem>> -> memref<128xi32, #tpu.memory_space<vmem>>
      %dma_wait3A_54 = arith.constant 0 : i32
      %dma_wait3A_55 = arith.constant 0 : i32
      %dma_wait3A_56 = tpu.memref_slice %arg11[%dma_wait3A_54, %dma_wait3A_55] : memref<10000x128xf32, #tpu.memory_space<vmem_shared>> -> memref<10000x128xf32, #tpu.memory_space<vmem_shared>>
      tpu.wait_indirect_dma semaphore(%arg12 : memref<!tpu.dma_semaphore, #tpu.memory_space<semaphore_mem>>) src(%dma_wait3A_56 : memref<10000x128xf32, #tpu.memory_space<vmem_shared>>) dst(%arg10 : memref<128x128xf32, #tpu.memory_space<vmem>>)
      %mul3A_57 = arith.constant 128 : i32
      %mul3A_58 = arith.muli %add3A_29, %mul3A_57 : i32
      %dma_start3A_59 = arith.constant 0 : i32
      %dma_start3A_60 = tpu.memref_slice %arg5[%mul3A_58, %dma_start3A_59] : memref<160000x128xf32, #tpu.memory_space<hbm>> -> memref<128x128xf32, #tpu.memory_space<hbm>>
      %dma_start3A_61 = arith.constant 0 : i32
      %dma_start3A_62 = tpu.memref_slice %arg5[%mul3A_58, %dma_start3A_61] : memref<160000x128xf32, #tpu.memory_space<hbm>> -> memref<128x128xf32, #tpu.memory_space<hbm>>
      tpu.enqueue_dma source(%arg9 : memref<128x128xf32, #tpu.memory_space<vmem>>) target(%dma_start3A_62 : memref<128x128xf32, #tpu.memory_space<hbm>>) target_semaphore(%arg13 : memref<!tpu.dma_semaphore, #tpu.memory_space<semaphore_mem>>)
      %mul3A_63 = arith.constant 128 : i32
      %mul3A_64 = arith.muli %add3A_29, %mul3A_63 : i32
      %dma_start3A_65 = arith.constant 0 : i32
      %dma_start3A_66 = tpu.memref_slice %arg6[%mul3A_64, %dma_start3A_65] : memref<160000x128xf32, #tpu.memory_space<hbm>> -> memref<128x128xf32, #tpu.memory_space<hbm>>
      %dma_start3A_67 = arith.constant 0 : i32
      %dma_start3A_68 = tpu.memref_slice %arg6[%mul3A_64, %dma_start3A_67] : memref<160000x128xf32, #tpu.memory_space<hbm>> -> memref<128x128xf32, #tpu.memory_space<hbm>>
      tpu.enqueue_dma source(%arg10 : memref<128x128xf32, #tpu.memory_space<vmem>>) target(%dma_start3A_68 : memref<128x128xf32, #tpu.memory_space<hbm>>) target_semaphore(%arg14 : memref<!tpu.dma_semaphore, #tpu.memory_space<semaphore_mem>>)
      %while3A_69 = arith.constant 0 : i32
      scf.yield %while3A_69 : i32
    }
    %ge3A = arith.constant 1 : i32
    %ge3A_23 = arith.cmpi sge, %select_n3A, %ge3A : i32
    %convert_element_type3A_24 = arith.extui %ge3A_23 : i1 to i32
    %cond3A_25 = arith.constant 0 : i32
    %cond3A_26 = arith.cmpi ne, %convert_element_type3A_24, %cond3A_25 : i32
    scf.if %cond3A_26 {
      %dma_wait3A = arith.constant 0 : i32
      %dma_wait3A_27 = arith.constant 0 : i32
      %dma_wait3A_28 = tpu.memref_slice %arg5[%dma_wait3A, %dma_wait3A_27] : memref<160000x128xf32, #tpu.memory_space<hbm>> -> memref<128x128xf32, #tpu.memory_space<hbm>>
      %dma_wait3A_29 = arith.constant 0 : i32
      %dma_wait3A_30 = arith.constant 0 : i32
      %dma_wait3A_31 = tpu.memref_slice %arg5[%dma_wait3A_29, %dma_wait3A_30] : memref<160000x128xf32, #tpu.memory_space<hbm>> -> memref<128x128xf32, #tpu.memory_space<hbm>>
      tpu.wait_dma2 semaphore(%arg13 : memref<!tpu.dma_semaphore, #tpu.memory_space<semaphore_mem>>) src(%arg9 : memref<128x128xf32, #tpu.memory_space<vmem>>) dst(%dma_wait3A_31 : memref<128x128xf32, #tpu.memory_space<hbm>>)
      %dma_wait3A_32 = arith.constant 0 : i32
      %dma_wait3A_33 = arith.constant 0 : i32
      %dma_wait3A_34 = tpu.memref_slice %arg6[%dma_wait3A_32, %dma_wait3A_33] : memref<160000x128xf32, #tpu.memory_space<hbm>> -> memref<128x128xf32, #tpu.memory_space<hbm>>
      %dma_wait3A_35 = arith.constant 0 : i32
      %dma_wait3A_36 = arith.constant 0 : i32
      %dma_wait3A_37 = tpu.memref_slice %arg6[%dma_wait3A_35, %dma_wait3A_36] : memref<160000x128xf32, #tpu.memory_space<hbm>> -> memref<128x128xf32, #tpu.memory_space<hbm>>
      tpu.wait_dma2 semaphore(%arg14 : memref<!tpu.dma_semaphore, #tpu.memory_space<semaphore_mem>>) src(%arg10 : memref<128x128xf32, #tpu.memory_space<vmem>>) dst(%dma_wait3A_37 : memref<128x128xf32, #tpu.memory_space<hbm>>)
    } else {
    }
    return
  }
}

#map = affine_map<(d0, d1) -> (0, 0)>
#map1 = affine_map<(d0, d1) -> (0, 0, 0)>
module attributes {stable_mosaic.version = 14 : i64} {
  func.func @_scatter_body(%arg0: i32, %arg1: i32, %arg2: memref<160000x128xf32, #tpu.memory_space<hbm>>, %arg3: memref<1280x128xi32, #tpu.memory_space<hbm>>, %arg4: memref<2x10000x128xf32, #tpu.memory_space<hbm>>, %arg5: memref<40x128xi32, #tpu.memory_space<vmem>>, %arg6: memref<128x128xf32, #tpu.memory_space<vmem>>, %arg7: memref<128x128xf32, #tpu.memory_space<vmem>>, %arg8: memref<16x128xf32, #tpu.memory_space<vmem>>, %arg9: memref<10000x128xf32, #tpu.memory_space<vmem_shared>>, %arg10: memref<!tpu.dma_semaphore, #tpu.memory_space<semaphore_mem>>, %arg11: memref<!tpu.dma_semaphore, #tpu.memory_space<semaphore_mem>>) attributes {dimension_semantics = [#tpu.dimension_semantics<core_parallel>, #tpu.dimension_semantics<subcore_parallel>], iteration_bounds = array<i64: 2, 16>, scalar_prefetch = 0 : i64, scratch_operands = 7 : i64, tpu.core_type = #tpu.core_type<sc_vector_subcore>, window_params = [{transform_indices = #map}, {transform_indices = #map}, {transform_indices = #map1}]} {
    %mul3A = arith.constant 2 : i32
    %mul3A_0 = arith.muli %arg1, %mul3A : i32
    %add3A = arith.addi %mul3A_0, %arg0 : i32
    %mul3A_1 = arith.constant 40 : i32
    %mul3A_2 = arith.muli %add3A, %mul3A_1 : i32
    %eq3A = arith.constant 31 : i32
    %eq3A_3 = arith.cmpi eq, %add3A, %eq3A : i32
    %jit3A = arith.constant 10 : i32
    %jit3A_4 = arith.constant 40 : i32
    %select_n3A = arith.select %eq3A_3, %jit3A, %jit3A_4 : i32
    "tpu.region"() ({
      %run_scoped3A = tpu.sem_alloc : memref<!tpu.dma_semaphore, #tpu.memory_space<semaphore_mem>>
      %dma_start3A = arith.constant 0 : i32
      %dma_start3A_71 = tpu.memref_slice %arg3[%mul3A_2, %dma_start3A] : memref<1280x128xi32, #tpu.memory_space<hbm>> -> memref<40x128xi32, #tpu.memory_space<hbm>>
      %dma_start3A_72 = arith.constant 0 : i32
      %dma_start3A_73 = tpu.memref_slice %arg3[%mul3A_2, %dma_start3A_72] : memref<1280x128xi32, #tpu.memory_space<hbm>> -> memref<40x128xi32, #tpu.memory_space<hbm>>
      tpu.enqueue_dma source(%dma_start3A_73 : memref<40x128xi32, #tpu.memory_space<hbm>>) target(%arg5 : memref<40x128xi32, #tpu.memory_space<vmem>>) target_semaphore(%run_scoped3A : memref<!tpu.dma_semaphore, #tpu.memory_space<semaphore_mem>>)
      %dma_wait3A = arith.constant 0 : i32
      %dma_wait3A_74 = tpu.memref_slice %arg3[%mul3A_2, %dma_wait3A] : memref<1280x128xi32, #tpu.memory_space<hbm>> -> memref<40x128xi32, #tpu.memory_space<hbm>>
      %dma_wait3A_75 = arith.constant 0 : i32
      %dma_wait3A_76 = tpu.memref_slice %arg3[%mul3A_2, %dma_wait3A_75] : memref<1280x128xi32, #tpu.memory_space<hbm>> -> memref<40x128xi32, #tpu.memory_space<hbm>>
      tpu.wait_dma2 semaphore(%run_scoped3A : memref<!tpu.dma_semaphore, #tpu.memory_space<semaphore_mem>>) src(%dma_wait3A_76 : memref<40x128xi32, #tpu.memory_space<hbm>>) dst(%arg5 : memref<40x128xi32, #tpu.memory_space<vmem>>)
      tpu.yield
    }) : () -> ()
    %scan3A = arith.constant 0 : i32
    %scan3A_5 = arith.constant 0 : i32
    %scan3A_6 = arith.constant 128 : i32
    %scan3A_7 = arith.addi %scan3A_5, %scan3A_6 : i32
    %scan3A_8 = arith.constant 1 : i32
    %scan3A_9 = scf.for %scan3A_71 = %scan3A_5 to %scan3A_7 step %scan3A_8 iter_args(%scan3A_72 = %scan3A) -> (i32)  : i32 {
      %jit3A_73 = arith.constant 8 : i32
      %div3A_74 = arith.divsi %scan3A_71, %jit3A_73 : i32
      %sign3A_75 = arith.constant 0 : i32
      %sign3A_76 = arith.cmpi sgt, %scan3A_71, %sign3A_75 : i32
      %sign3A_77 = arith.extui %sign3A_76 : i1 to i32
      %sign3A_78 = arith.constant 0 : i32
      %sign3A_79 = arith.cmpi slt, %scan3A_71, %sign3A_78 : i32
      %sign3A_80 = arith.extui %sign3A_79 : i1 to i32
      %sign3A_81 = arith.subi %sign3A_77, %sign3A_80 : i32
      %sign3A_82 = arith.constant 0 : i32
      %sign3A_83 = arith.cmpi sgt, %jit3A_73, %sign3A_82 : i32
      %sign3A_84 = arith.extui %sign3A_83 : i1 to i32
      %sign3A_85 = arith.constant 0 : i32
      %sign3A_86 = arith.cmpi slt, %jit3A_73, %sign3A_85 : i32
      %sign3A_87 = arith.extui %sign3A_86 : i1 to i32
      %sign3A_88 = arith.subi %sign3A_84, %sign3A_87 : i32
      %ne3A_89 = arith.cmpi ne, %sign3A_81, %sign3A_88 : i32
      %rem3A_90 = arith.remsi %scan3A_71, %jit3A_73 : i32
      %ne3A_91 = arith.constant 0 : i32
      %ne3A_92 = arith.cmpi ne, %rem3A_90, %ne3A_91 : i32
      %and3A_93 = arith.andi %ne3A_89, %ne3A_92 : i1
      %sub3A_94 = arith.constant 1 : i32
      %sub3A_95 = arith.subi %div3A_74, %sub3A_94 : i32
      %select_n3A_96 = arith.select %and3A_93, %sub3A_95, %div3A_74 : i32
      %jit3A_97 = arith.constant 8 : i32
      %eq3A_98 = arith.constant 0 : i32
      %eq3A_99 = arith.cmpi eq, %jit3A_97, %eq3A_98 : i32
      %jit3A_100 = arith.constant 1 : i32
      %select_n3A_101 = arith.select %eq3A_99, %jit3A_100, %jit3A_97 : i32
      %rem3A_102 = arith.remsi %scan3A_71, %select_n3A_101 : i32
      %ne3A_103 = arith.constant 0 : i32
      %ne3A_104 = arith.cmpi ne, %rem3A_102, %ne3A_103 : i32
      %lt3A_105 = arith.constant 0 : i32
      %lt3A_106 = arith.cmpi slt, %rem3A_102, %lt3A_105 : i32
      %lt3A_107 = arith.constant 0 : i32
      %lt3A_108 = arith.cmpi slt, %select_n3A_101, %lt3A_107 : i32
      %ne3A_109 = arith.xori %lt3A_106, %lt3A_108 : i1
      %and3A_110 = arith.andi %ne3A_109, %ne3A_104 : i1
      %add3A_111 = arith.addi %rem3A_102, %select_n3A_101 : i32
      %select_n3A_112 = arith.select %and3A_110, %add3A_111, %rem3A_102 : i32
      %broadcast_in_dim3A = arith.constant 0.000000e+00 : f32
      %broadcast_in_dim3A_113 = vector.broadcast %broadcast_in_dim3A : f32 to vector<16xf32>
      %mul3A_114 = arith.constant 16 : i32
      %mul3A_115 = arith.muli %select_n3A_112, %mul3A_114 : i32
      %swap3A = arith.index_cast %select_n3A_96 : i32 to index
      %swap3A_116 = arith.index_cast %mul3A_115 : i32 to index
      %swap3A_117 = tpu.vector_load %arg8[%swap3A, %swap3A_116] {strides = array<i32>} : memref<16x128xf32, #tpu.memory_space<vmem>>, vector<1x16xf32>,
      %swap3A_118 = vector.shape_cast %swap3A_117 : vector<1x16xf32> to vector<16xf32>
      %swap3A_119 = vector.shape_cast %broadcast_in_dim3A_113 : vector<16xf32> to vector<1x16xf32>
      tpu.vector_store %arg8[%swap3A, %swap3A_116], %swap3A_119 {strides = array<i32>} : memref<16x128xf32, #tpu.memory_space<vmem>>, vector<1x16xf32>,
      %scan3A_120 = arith.constant 0 : i32
      scf.yield %scan3A_120 : i32
    }
    %scan3A_10 = arith.constant 128 : i32
    %mul3A_11 = arith.constant 624 : i32
    %mul3A_12 = arith.muli %arg1, %mul3A_11 : i32
    %eq3A_13 = arith.constant 15 : i32
    %eq3A_14 = arith.cmpi eq, %arg1, %eq3A_13 : i32
    %jit3A_15 = arith.constant 640 : i32
    %jit3A_16 = arith.constant 624 : i32
    %select_n3A_17 = arith.select %eq3A_14, %jit3A_15, %jit3A_16 : i32
    %jit3A_18 = arith.constant 16 : i32
    %div3A = arith.divsi %select_n3A_17, %jit3A_18 : i32
    %sign3A = arith.constant 0 : i32
    %sign3A_19 = arith.cmpi sgt, %select_n3A_17, %sign3A : i32
    %sign3A_20 = arith.extui %sign3A_19 : i1 to i32
    %sign3A_21 = arith.constant 0 : i32
    %sign3A_22 = arith.cmpi slt, %select_n3A_17, %sign3A_21 : i32
    %sign3A_23 = arith.extui %sign3A_22 : i1 to i32
    %sign3A_24 = arith.subi %sign3A_20, %sign3A_23 : i32
    %sign3A_25 = arith.constant 0 : i32
    %sign3A_26 = arith.cmpi sgt, %jit3A_18, %sign3A_25 : i32
    %sign3A_27 = arith.extui %sign3A_26 : i1 to i32
    %sign3A_28 = arith.constant 0 : i32
    %sign3A_29 = arith.cmpi slt, %jit3A_18, %sign3A_28 : i32
    %sign3A_30 = arith.extui %sign3A_29 : i1 to i32
    %sign3A_31 = arith.subi %sign3A_27, %sign3A_30 : i32
    %ne3A = arith.cmpi ne, %sign3A_24, %sign3A_31 : i32
    %rem3A = arith.remsi %select_n3A_17, %jit3A_18 : i32
    %ne3A_32 = arith.constant 0 : i32
    %ne3A_33 = arith.cmpi ne, %rem3A, %ne3A_32 : i32
    %and3A = arith.andi %ne3A, %ne3A_33 : i1
    %sub3A = arith.constant 1 : i32
    %sub3A_34 = arith.subi %div3A, %sub3A : i32
    %select_n3A_35 = arith.select %and3A, %sub3A_34, %div3A : i32
    %while3A = arith.constant 0 : i32
    %while3A_36 = arith.constant 0 : i32
    %while3A_37 = arith.subi %select_n3A_35, %while3A : i32
    %while3A_38 = arith.addi %while3A, %while3A_37 : i32
    %while3A_39 = arith.constant 1 : i32
    %while3A_40 = arith.divsi %while3A_37, %while3A_39 : i32
    %while3A_41 = arith.muli %while3A_40, %while3A_39 : i32
    %while3A_42 = arith.addi %while3A, %while3A_41 : i32
    %while3A_43 = arith.constant 1 : i32
    %while3A_44 = scf.for %while3A_71 = %while3A to %while3A_42 step %while3A_43 iter_args(%while3A_72 = %while3A_36) -> (i32)  : i32 {
      %mul3A_73 = arith.constant 16 : i32
      %mul3A_74 = arith.muli %while3A_71, %mul3A_73 : i32
      %add3A_75 = arith.addi %mul3A_12, %mul3A_74 : i32
      "tpu.region"() ({
        %run_scoped3A = tpu.sem_alloc : memref<!tpu.dma_semaphore, #tpu.memory_space<semaphore_mem>>
        %dma_start3A = arith.constant 0 : i32
        %dma_start3A_77 = tpu.memref_slice %arg9[%add3A_75, %dma_start3A] : memref<10000x128xf32, #tpu.memory_space<vmem_shared>> -> memref<16x128xf32, #tpu.memory_space<vmem_shared>>
        %dma_start3A_78 = arith.constant 0 : i32
        %dma_start3A_79 = tpu.memref_slice %arg9[%add3A_75, %dma_start3A_78] : memref<10000x128xf32, #tpu.memory_space<vmem_shared>> -> memref<16x128xf32, #tpu.memory_space<vmem_shared>>
        tpu.enqueue_dma source(%arg8 : memref<16x128xf32, #tpu.memory_space<vmem>>) target(%dma_start3A_79 : memref<16x128xf32, #tpu.memory_space<vmem_shared>>) target_semaphore(%run_scoped3A : memref<!tpu.dma_semaphore, #tpu.memory_space<semaphore_mem>>)
        %dma_wait3A = arith.constant 0 : i32
        %dma_wait3A_80 = tpu.memref_slice %arg9[%add3A_75, %dma_wait3A] : memref<10000x128xf32, #tpu.memory_space<vmem_shared>> -> memref<16x128xf32, #tpu.memory_space<vmem_shared>>
        %dma_wait3A_81 = arith.constant 0 : i32
        %dma_wait3A_82 = tpu.memref_slice %arg9[%add3A_75, %dma_wait3A_81] : memref<10000x128xf32, #tpu.memory_space<vmem_shared>> -> memref<16x128xf32, #tpu.memory_space<vmem_shared>>
        tpu.wait_dma2 semaphore(%run_scoped3A : memref<!tpu.dma_semaphore, #tpu.memory_space<semaphore_mem>>) src(%arg8 : memref<16x128xf32, #tpu.memory_space<vmem>>) dst(%dma_wait3A_82 : memref<16x128xf32, #tpu.memory_space<vmem_shared>>)
        tpu.yield
      }) : () -> ()
      %while3A_76 = arith.constant 0 : i32
      scf.yield %while3A_76 : i32
    }
    %while3A_45 = arith.constant 1 : i32
    %while3A_46 = scf.for %while3A_71 = %while3A_42 to %while3A_38 step %while3A_45 iter_args(%while3A_72 = %while3A_44) -> (i32)  : i32 {
      %mul3A_73 = arith.constant 16 : i32
      %mul3A_74 = arith.muli %while3A_71, %mul3A_73 : i32
      %add3A_75 = arith.addi %mul3A_12, %mul3A_74 : i32
      "tpu.region"() ({
        %run_scoped3A = tpu.sem_alloc : memref<!tpu.dma_semaphore, #tpu.memory_space<semaphore_mem>>
        %dma_start3A = arith.constant 0 : i32
        %dma_start3A_77 = tpu.memref_slice %arg9[%add3A_75, %dma_start3A] : memref<10000x128xf32, #tpu.memory_space<vmem_shared>> -> memref<16x128xf32, #tpu.memory_space<vmem_shared>>
        %dma_start3A_78 = arith.constant 0 : i32
        %dma_start3A_79 = tpu.memref_slice %arg9[%add3A_75, %dma_start3A_78] : memref<10000x128xf32, #tpu.memory_space<vmem_shared>> -> memref<16x128xf32, #tpu.memory_space<vmem_shared>>
        tpu.enqueue_dma source(%arg8 : memref<16x128xf32, #tpu.memory_space<vmem>>) target(%dma_start3A_79 : memref<16x128xf32, #tpu.memory_space<vmem_shared>>) target_semaphore(%run_scoped3A : memref<!tpu.dma_semaphore, #tpu.memory_space<semaphore_mem>>)
        %dma_wait3A = arith.constant 0 : i32
        %dma_wait3A_80 = tpu.memref_slice %arg9[%add3A_75, %dma_wait3A] : memref<10000x128xf32, #tpu.memory_space<vmem_shared>> -> memref<16x128xf32, #tpu.memory_space<vmem_shared>>
        %dma_wait3A_81 = arith.constant 0 : i32
        %dma_wait3A_82 = tpu.memref_slice %arg9[%add3A_75, %dma_wait3A_81] : memref<10000x128xf32, #tpu.memory_space<vmem_shared>> -> memref<16x128xf32, #tpu.memory_space<vmem_shared>>
        tpu.wait_dma2 semaphore(%run_scoped3A : memref<!tpu.dma_semaphore, #tpu.memory_space<semaphore_mem>>) src(%arg8 : memref<16x128xf32, #tpu.memory_space<vmem>>) dst(%dma_wait3A_82 : memref<16x128xf32, #tpu.memory_space<vmem_shared>>)
        tpu.yield
      }) : () -> ()
      %while3A_76 = arith.constant 0 : i32
      scf.yield %while3A_76 : i32
    }
    %barrier3A = arith.constant 0 : index
    tpu.barrier barrier_id(%barrier3A)
    %ge3A = arith.constant 1 : i32
    %ge3A_47 = arith.cmpi sge, %select_n3A, %ge3A : i32
    %convert_element_type3A = arith.extui %ge3A_47 : i1 to i32
    %cond3A = arith.constant 0 : i32
    %cond3A_48 = arith.cmpi ne, %convert_element_type3A, %cond3A : i32
    scf.if %cond3A_48 {
      %mul3A_71 = arith.constant 128 : i32
      %mul3A_72 = arith.muli %mul3A_2, %mul3A_71 : i32
      %dma_start3A = arith.constant 0 : i32
      %dma_start3A_73 = tpu.memref_slice %arg2[%mul3A_72, %dma_start3A] : memref<160000x128xf32, #tpu.memory_space<hbm>> -> memref<128x128xf32, #tpu.memory_space<hbm>>
      %dma_start3A_74 = arith.constant 0 : i32
      %dma_start3A_75 = tpu.memref_slice %arg2[%mul3A_72, %dma_start3A_74] : memref<160000x128xf32, #tpu.memory_space<hbm>> -> memref<128x128xf32, #tpu.memory_space<hbm>>
      tpu.enqueue_dma source(%dma_start3A_75 : memref<128x128xf32, #tpu.memory_space<hbm>>) target(%arg6 : memref<128x128xf32, #tpu.memory_space<vmem>>) target_semaphore(%arg10 : memref<!tpu.dma_semaphore, #tpu.memory_space<semaphore_mem>>)
    } else {
    }
    %while3A_49 = arith.constant 0 : i32
    %while3A_50 = arith.constant 0 : i32
    %while3A_51 = arith.subi %select_n3A, %while3A_49 : i32
    %while3A_52 = arith.addi %while3A_49, %while3A_51 : i32
    %while3A_53 = arith.constant 1 : i32
    %while3A_54 = arith.divsi %while3A_51, %while3A_53 : i32
    %while3A_55 = arith.muli %while3A_54, %while3A_53 : i32
    %while3A_56 = arith.addi %while3A_49, %while3A_55 : i32
    %while3A_57 = arith.constant 1 : i32
    %while3A_58 = scf.for %while3A_71 = %while3A_49 to %while3A_56 step %while3A_57 iter_args(%while3A_72 = %while3A_50) -> (i32)  : i32 {
      %jit3A_73 = arith.constant 2 : i32
      %eq3A_74 = arith.constant 0 : i32
      %eq3A_75 = arith.cmpi eq, %jit3A_73, %eq3A_74 : i32
      %jit3A_76 = arith.constant 1 : i32
      %select_n3A_77 = arith.select %eq3A_75, %jit3A_76, %jit3A_73 : i32
      %rem3A_78 = arith.remsi %while3A_71, %select_n3A_77 : i32
      %ne3A_79 = arith.constant 0 : i32
      %ne3A_80 = arith.cmpi ne, %rem3A_78, %ne3A_79 : i32
      %lt3A_81 = arith.constant 0 : i32
      %lt3A_82 = arith.cmpi slt, %rem3A_78, %lt3A_81 : i32
      %lt3A_83 = arith.constant 0 : i32
      %lt3A_84 = arith.cmpi slt, %select_n3A_77, %lt3A_83 : i32
      %ne3A_85 = arith.xori %lt3A_82, %lt3A_84 : i1
      %and3A_86 = arith.andi %ne3A_85, %ne3A_80 : i1
      %add3A_87 = arith.addi %rem3A_78, %select_n3A_77 : i32
      %select_n3A_88 = arith.select %and3A_86, %add3A_87, %rem3A_78 : i32
      %eq3A_89 = arith.constant 0 : i32
      %eq3A_90 = arith.cmpi eq, %select_n3A_88, %eq3A_89 : i32
      %convert_element_type3A_91 = arith.extui %eq3A_90 : i1 to i32
      %cond3A_92 = arith.constant 0 : i32
      %cond3A_93 = arith.cmpi ne, %convert_element_type3A_91, %cond3A_92 : i32
      scf.if %cond3A_93 {
        %add3A_116 = arith.constant 1 : i32
        %add3A_117 = arith.addi %while3A_71, %add3A_116 : i32
        %lt3A_118 = arith.cmpi slt, %add3A_117, %select_n3A : i32
        %convert_element_type3A_119 = arith.extui %lt3A_118 : i1 to i32
        %cond3A_120 = arith.constant 0 : i32
        %cond3A_121 = arith.cmpi ne, %convert_element_type3A_119, %cond3A_120 : i32
        scf.if %cond3A_121 {
          %add3A_127 = arith.addi %mul3A_2, %while3A_71 : i32
          %add3A_128 = arith.constant 1 : i32
          %add3A_129 = arith.addi %add3A_127, %add3A_128 : i32
          %mul3A_130 = arith.constant 128 : i32
          %mul3A_131 = arith.muli %add3A_129, %mul3A_130 : i32
          %dma_start3A = arith.constant 0 : i32
          %dma_start3A_132 = tpu.memref_slice %arg2[%mul3A_131, %dma_start3A] : memref<160000x128xf32, #tpu.memory_space<hbm>> -> memref<128x128xf32, #tpu.memory_space<hbm>>
          %dma_start3A_133 = arith.constant 0 : i32
          %dma_start3A_134 = tpu.memref_slice %arg2[%mul3A_131, %dma_start3A_133] : memref<160000x128xf32, #tpu.memory_space<hbm>> -> memref<128x128xf32, #tpu.memory_space<hbm>>
          tpu.enqueue_dma source(%dma_start3A_134 : memref<128x128xf32, #tpu.memory_space<hbm>>) target(%arg7 : memref<128x128xf32, #tpu.memory_space<vmem>>) target_semaphore(%arg11 : memref<!tpu.dma_semaphore, #tpu.memory_space<semaphore_mem>>)
        } else {
        }
        %dma_wait3A = arith.constant 0 : i32
        %dma_wait3A_122 = arith.constant 0 : i32
        %dma_wait3A_123 = tpu.memref_slice %arg2[%dma_wait3A, %dma_wait3A_122] : memref<160000x128xf32, #tpu.memory_space<hbm>> -> memref<128x128xf32, #tpu.memory_space<hbm>>
        %dma_wait3A_124 = arith.constant 0 : i32
        %dma_wait3A_125 = arith.constant 0 : i32
        %dma_wait3A_126 = tpu.memref_slice %arg2[%dma_wait3A_124, %dma_wait3A_125] : memref<160000x128xf32, #tpu.memory_space<hbm>> -> memref<128x128xf32, #tpu.memory_space<hbm>>
        tpu.wait_dma2 semaphore(%arg10 : memref<!tpu.dma_semaphore, #tpu.memory_space<semaphore_mem>>) src(%dma_wait3A_126 : memref<128x128xf32, #tpu.memory_space<hbm>>) dst(%arg6 : memref<128x128xf32, #tpu.memory_space<vmem>>)
        "tpu.region"() ({
          %run_scoped3A = tpu.sem_alloc : memref<!tpu.dma_semaphore, #tpu.memory_space<semaphore_mem>>
          %dma_start3A = arith.constant 0 : i32
          %dma_start3A_127 = tpu.memref_slice %arg5[%while3A_71, %dma_start3A] : memref<40x128xi32, #tpu.memory_space<vmem>> -> memref<1x128xi32, #tpu.memory_space<vmem>>
          %dma_start3A_128 = tpu.memref_squeeze %dma_start3A_127 : memref<1x128xi32, #tpu.memory_space<vmem>> -> memref<128xi32, #tpu.memory_space<vmem>>
          %dma_start3A_129 = arith.constant 0 : i32
          %dma_start3A_130 = arith.constant 0 : i32
          %dma_start3A_131 = tpu.memref_slice %arg9[%dma_start3A_129, %dma_start3A_130] : memref<10000x128xf32, #tpu.memory_space<vmem_shared>> -> memref<10000x128xf32, #tpu.memory_space<vmem_shared>>
          tpu.enqueue_indirect_dma source(%arg6 : memref<128x128xf32, #tpu.memory_space<vmem>>) target(%dma_start3A_131 : memref<10000x128xf32, #tpu.memory_space<vmem_shared>>) offsets(%dma_start3A_128 : memref<128xi32, #tpu.memory_space<vmem>>) semaphore(%run_scoped3A : memref<!tpu.dma_semaphore, #tpu.memory_space<semaphore_mem>>) {add = true}
          %dma_wait3A_132 = arith.constant 0 : i32
          %dma_wait3A_133 = tpu.memref_slice %arg5[%while3A_71, %dma_wait3A_132] : memref<40x128xi32, #tpu.memory_space<vmem>> -> memref<1x128xi32, #tpu.memory_space<vmem>>
          %dma_wait3A_134 = tpu.memref_squeeze %dma_wait3A_133 : memref<1x128xi32, #tpu.memory_space<vmem>> -> memref<128xi32, #tpu.memory_space<vmem>>
          %dma_wait3A_135 = arith.constant 0 : i32
          %dma_wait3A_136 = arith.constant 0 : i32
          %dma_wait3A_137 = tpu.memref_slice %arg9[%dma_wait3A_135, %dma_wait3A_136] : memref<10000x128xf32, #tpu.memory_space<vmem_shared>> -> memref<10000x128xf32, #tpu.memory_space<vmem_shared>>
          tpu.wait_indirect_dma semaphore(%run_scoped3A : memref<!tpu.dma_semaphore, #tpu.memory_space<semaphore_mem>>) src(%arg6 : memref<128x128xf32, #tpu.memory_space<vmem>>) dst(%dma_wait3A_137 : memref<10000x128xf32, #tpu.memory_space<vmem_shared>>)
          tpu.yield
        }) : () -> ()
      } else {
      }
      %jit3A_94 = arith.constant 2 : i32
      %eq3A_95 = arith.constant 0 : i32
      %eq3A_96 = arith.cmpi eq, %jit3A_94, %eq3A_95 : i32
      %jit3A_97 = arith.constant 1 : i32
      %select_n3A_98 = arith.select %eq3A_96, %jit3A_97, %jit3A_94 : i32
      %rem3A_99 = arith.remsi %while3A_71, %select_n3A_98 : i32
      %ne3A_100 = arith.constant 0 : i32
      %ne3A_101 = arith.cmpi ne, %rem3A_99, %ne3A_100 : i32
      %lt3A_102 = arith.constant 0 : i32
      %lt3A_103 = arith.cmpi slt, %rem3A_99, %lt3A_102 : i32
      %lt3A_104 = arith.constant 0 : i32
      %lt3A_105 = arith.cmpi slt, %select_n3A_98, %lt3A_104 : i32
      %ne3A_106 = arith.xori %lt3A_103, %lt3A_105 : i1
      %and3A_107 = arith.andi %ne3A_106, %ne3A_101 : i1
      %add3A_108 = arith.addi %rem3A_99, %select_n3A_98 : i32
      %select_n3A_109 = arith.select %and3A_107, %add3A_108, %rem3A_99 : i32
      %eq3A_110 = arith.constant 1 : i32
      %eq3A_111 = arith.cmpi eq, %select_n3A_109, %eq3A_110 : i32
      %convert_element_type3A_112 = arith.extui %eq3A_111 : i1 to i32
      %cond3A_113 = arith.constant 0 : i32
      %cond3A_114 = arith.cmpi ne, %convert_element_type3A_112, %cond3A_113 : i32
      scf.if %cond3A_114 {
        %add3A_116 = arith.constant 1 : i32
        %add3A_117 = arith.addi %while3A_71, %add3A_116 : i32
        %lt3A_118 = arith.cmpi slt, %add3A_117, %select_n3A : i32
        %convert_element_type3A_119 = arith.extui %lt3A_118 : i1 to i32
        %cond3A_120 = arith.constant 0 : i32
        %cond3A_121 = arith.cmpi ne, %convert_element_type3A_119, %cond3A_120 : i32
        scf.if %cond3A_121 {
          %add3A_127 = arith.addi %mul3A_2, %while3A_71 : i32
          %add3A_128 = arith.constant 1 : i32
          %add3A_129 = arith.addi %add3A_127, %add3A_128 : i32
          %mul3A_130 = arith.constant 128 : i32
          %mul3A_131 = arith.muli %add3A_129, %mul3A_130 : i32
          %dma_start3A = arith.constant 0 : i32
          %dma_start3A_132 = tpu.memref_slice %arg2[%mul3A_131, %dma_start3A] : memref<160000x128xf32, #tpu.memory_space<hbm>> -> memref<128x128xf32, #tpu.memory_space<hbm>>
          %dma_start3A_133 = arith.constant 0 : i32
          %dma_start3A_134 = tpu.memref_slice %arg2[%mul3A_131, %dma_start3A_133] : memref<160000x128xf32, #tpu.memory_space<hbm>> -> memref<128x128xf32, #tpu.memory_space<hbm>>
          tpu.enqueue_dma source(%dma_start3A_134 : memref<128x128xf32, #tpu.memory_space<hbm>>) target(%arg6 : memref<128x128xf32, #tpu.memory_space<vmem>>) target_semaphore(%arg10 : memref<!tpu.dma_semaphore, #tpu.memory_space<semaphore_mem>>)
        } else {
        }
        %dma_wait3A = arith.constant 0 : i32
        %dma_wait3A_122 = arith.constant 0 : i32
        %dma_wait3A_123 = tpu.memref_slice %arg2[%dma_wait3A, %dma_wait3A_122] : memref<160000x128xf32, #tpu.memory_space<hbm>> -> memref<128x128xf32, #tpu.memory_space<hbm>>
        %dma_wait3A_124 = arith.constant 0 : i32
        %dma_wait3A_125 = arith.constant 0 : i32
        %dma_wait3A_126 = tpu.memref_slice %arg2[%dma_wait3A_124, %dma_wait3A_125] : memref<160000x128xf32, #tpu.memory_space<hbm>> -> memref<128x128xf32, #tpu.memory_space<hbm>>
        tpu.wait_dma2 semaphore(%arg11 : memref<!tpu.dma_semaphore, #tpu.memory_space<semaphore_mem>>) src(%dma_wait3A_126 : memref<128x128xf32, #tpu.memory_space<hbm>>) dst(%arg7 : memref<128x128xf32, #tpu.memory_space<vmem>>)
        "tpu.region"() ({
          %run_scoped3A = tpu.sem_alloc : memref<!tpu.dma_semaphore, #tpu.memory_space<semaphore_mem>>
          %dma_start3A = arith.constant 0 : i32
          %dma_start3A_127 = tpu.memref_slice %arg5[%while3A_71, %dma_start3A] : memref<40x128xi32, #tpu.memory_space<vmem>> -> memref<1x128xi32, #tpu.memory_space<vmem>>
          %dma_start3A_128 = tpu.memref_squeeze %dma_start3A_127 : memref<1x128xi32, #tpu.memory_space<vmem>> -> memref<128xi32, #tpu.memory_space<vmem>>
          %dma_start3A_129 = arith.constant 0 : i32
          %dma_start3A_130 = arith.constant 0 : i32
          %dma_start3A_131 = tpu.memref_slice %arg9[%dma_start3A_129, %dma_start3A_130] : memref<10000x128xf32, #tpu.memory_space<vmem_shared>> -> memref<10000x128xf32, #tpu.memory_space<vmem_shared>>
          tpu.enqueue_indirect_dma source(%arg7 : memref<128x128xf32, #tpu.memory_space<vmem>>) target(%dma_start3A_131 : memref<10000x128xf32, #tpu.memory_space<vmem_shared>>) offsets(%dma_start3A_128 : memref<128xi32, #tpu.memory_space<vmem>>) semaphore(%run_scoped3A : memref<!tpu.dma_semaphore, #tpu.memory_space<semaphore_mem>>) {add = true}
          %dma_wait3A_132 = arith.constant 0 : i32
          %dma_wait3A_133 = tpu.memref_slice %arg5[%while3A_71, %dma_wait3A_132] : memref<40x128xi32, #tpu.memory_space<vmem>> -> memref<1x128xi32, #tpu.memory_space<vmem>>
          %dma_wait3A_134 = tpu.memref_squeeze %dma_wait3A_133 : memref<1x128xi32, #tpu.memory_space<vmem>> -> memref<128xi32, #tpu.memory_space<vmem>>
          %dma_wait3A_135 = arith.constant 0 : i32
          %dma_wait3A_136 = arith.constant 0 : i32
          %dma_wait3A_137 = tpu.memref_slice %arg9[%dma_wait3A_135, %dma_wait3A_136] : memref<10000x128xf32, #tpu.memory_space<vmem_shared>> -> memref<10000x128xf32, #tpu.memory_space<vmem_shared>>
          tpu.wait_indirect_dma semaphore(%run_scoped3A : memref<!tpu.dma_semaphore, #tpu.memory_space<semaphore_mem>>) src(%arg7 : memref<128x128xf32, #tpu.memory_space<vmem>>) dst(%dma_wait3A_137 : memref<10000x128xf32, #tpu.memory_space<vmem_shared>>)
          tpu.yield
        }) : () -> ()
      } else {
      }
      %while3A_115 = arith.constant 0 : i32
      scf.yield %while3A_115 : i32
    }
    %while3A_59 = arith.constant 1 : i32
    %while3A_60 = scf.for %while3A_71 = %while3A_56 to %while3A_52 step %while3A_59 iter_args(%while3A_72 = %while3A_58) -> (i32)  : i32 {
      %jit3A_73 = arith.constant 2 : i32
      %eq3A_74 = arith.constant 0 : i32
      %eq3A_75 = arith.cmpi eq, %jit3A_73, %eq3A_74 : i32
      %jit3A_76 = arith.constant 1 : i32
      %select_n3A_77 = arith.select %eq3A_75, %jit3A_76, %jit3A_73 : i32
      %rem3A_78 = arith.remsi %while3A_71, %select_n3A_77 : i32
      %ne3A_79 = arith.constant 0 : i32
      %ne3A_80 = arith.cmpi ne, %rem3A_78, %ne3A_79 : i32
      %lt3A_81 = arith.constant 0 : i32
      %lt3A_82 = arith.cmpi slt, %rem3A_78, %lt3A_81 : i32
      %lt3A_83 = arith.constant 0 : i32
      %lt3A_84 = arith.cmpi slt, %select_n3A_77, %lt3A_83 : i32
      %ne3A_85 = arith.xori %lt3A_82, %lt3A_84 : i1
      %and3A_86 = arith.andi %ne3A_85, %ne3A_80 : i1
      %add3A_87 = arith.addi %rem3A_78, %select_n3A_77 : i32
      %select_n3A_88 = arith.select %and3A_86, %add3A_87, %rem3A_78 : i32
      %eq3A_89 = arith.constant 0 : i32
      %eq3A_90 = arith.cmpi eq, %select_n3A_88, %eq3A_89 : i32
      %convert_element_type3A_91 = arith.extui %eq3A_90 : i1 to i32
      %cond3A_92 = arith.constant 0 : i32
      %cond3A_93 = arith.cmpi ne, %convert_element_type3A_91, %cond3A_92 : i32
      scf.if %cond3A_93 {
        %add3A_116 = arith.constant 1 : i32
        %add3A_117 = arith.addi %while3A_71, %add3A_116 : i32
        %lt3A_118 = arith.cmpi slt, %add3A_117, %select_n3A : i32
        %convert_element_type3A_119 = arith.extui %lt3A_118 : i1 to i32
        %cond3A_120 = arith.constant 0 : i32
        %cond3A_121 = arith.cmpi ne, %convert_element_type3A_119, %cond3A_120 : i32
        scf.if %cond3A_121 {
          %add3A_127 = arith.addi %mul3A_2, %while3A_71 : i32
          %add3A_128 = arith.constant 1 : i32
          %add3A_129 = arith.addi %add3A_127, %add3A_128 : i32
          %mul3A_130 = arith.constant 128 : i32
          %mul3A_131 = arith.muli %add3A_129, %mul3A_130 : i32
          %dma_start3A = arith.constant 0 : i32
          %dma_start3A_132 = tpu.memref_slice %arg2[%mul3A_131, %dma_start3A] : memref<160000x128xf32, #tpu.memory_space<hbm>> -> memref<128x128xf32, #tpu.memory_space<hbm>>
          %dma_start3A_133 = arith.constant 0 : i32
          %dma_start3A_134 = tpu.memref_slice %arg2[%mul3A_131, %dma_start3A_133] : memref<160000x128xf32, #tpu.memory_space<hbm>> -> memref<128x128xf32, #tpu.memory_space<hbm>>
          tpu.enqueue_dma source(%dma_start3A_134 : memref<128x128xf32, #tpu.memory_space<hbm>>) target(%arg7 : memref<128x128xf32, #tpu.memory_space<vmem>>) target_semaphore(%arg11 : memref<!tpu.dma_semaphore, #tpu.memory_space<semaphore_mem>>)
        } else {
        }
        %dma_wait3A = arith.constant 0 : i32
        %dma_wait3A_122 = arith.constant 0 : i32
        %dma_wait3A_123 = tpu.memref_slice %arg2[%dma_wait3A, %dma_wait3A_122] : memref<160000x128xf32, #tpu.memory_space<hbm>> -> memref<128x128xf32, #tpu.memory_space<hbm>>
        %dma_wait3A_124 = arith.constant 0 : i32
        %dma_wait3A_125 = arith.constant 0 : i32
        %dma_wait3A_126 = tpu.memref_slice %arg2[%dma_wait3A_124, %dma_wait3A_125] : memref<160000x128xf32, #tpu.memory_space<hbm>> -> memref<128x128xf32, #tpu.memory_space<hbm>>
        tpu.wait_dma2 semaphore(%arg10 : memref<!tpu.dma_semaphore, #tpu.memory_space<semaphore_mem>>) src(%dma_wait3A_126 : memref<128x128xf32, #tpu.memory_space<hbm>>) dst(%arg6 : memref<128x128xf32, #tpu.memory_space<vmem>>)
        "tpu.region"() ({
          %run_scoped3A = tpu.sem_alloc : memref<!tpu.dma_semaphore, #tpu.memory_space<semaphore_mem>>
          %dma_start3A = arith.constant 0 : i32
          %dma_start3A_127 = tpu.memref_slice %arg5[%while3A_71, %dma_start3A] : memref<40x128xi32, #tpu.memory_space<vmem>> -> memref<1x128xi32, #tpu.memory_space<vmem>>
          %dma_start3A_128 = tpu.memref_squeeze %dma_start3A_127 : memref<1x128xi32, #tpu.memory_space<vmem>> -> memref<128xi32, #tpu.memory_space<vmem>>
          %dma_start3A_129 = arith.constant 0 : i32
          %dma_start3A_130 = arith.constant 0 : i32
          %dma_start3A_131 = tpu.memref_slice %arg9[%dma_start3A_129, %dma_start3A_130] : memref<10000x128xf32, #tpu.memory_space<vmem_shared>> -> memref<10000x128xf32, #tpu.memory_space<vmem_shared>>
          tpu.enqueue_indirect_dma source(%arg6 : memref<128x128xf32, #tpu.memory_space<vmem>>) target(%dma_start3A_131 : memref<10000x128xf32, #tpu.memory_space<vmem_shared>>) offsets(%dma_start3A_128 : memref<128xi32, #tpu.memory_space<vmem>>) semaphore(%run_scoped3A : memref<!tpu.dma_semaphore, #tpu.memory_space<semaphore_mem>>) {add = true}
          %dma_wait3A_132 = arith.constant 0 : i32
          %dma_wait3A_133 = tpu.memref_slice %arg5[%while3A_71, %dma_wait3A_132] : memref<40x128xi32, #tpu.memory_space<vmem>> -> memref<1x128xi32, #tpu.memory_space<vmem>>
          %dma_wait3A_134 = tpu.memref_squeeze %dma_wait3A_133 : memref<1x128xi32, #tpu.memory_space<vmem>> -> memref<128xi32, #tpu.memory_space<vmem>>
          %dma_wait3A_135 = arith.constant 0 : i32
          %dma_wait3A_136 = arith.constant 0 : i32
          %dma_wait3A_137 = tpu.memref_slice %arg9[%dma_wait3A_135, %dma_wait3A_136] : memref<10000x128xf32, #tpu.memory_space<vmem_shared>> -> memref<10000x128xf32, #tpu.memory_space<vmem_shared>>
          tpu.wait_indirect_dma semaphore(%run_scoped3A : memref<!tpu.dma_semaphore, #tpu.memory_space<semaphore_mem>>) src(%arg6 : memref<128x128xf32, #tpu.memory_space<vmem>>) dst(%dma_wait3A_137 : memref<10000x128xf32, #tpu.memory_space<vmem_shared>>)
          tpu.yield
        }) : () -> ()
      } else {
      }
      %jit3A_94 = arith.constant 2 : i32
      %eq3A_95 = arith.constant 0 : i32
      %eq3A_96 = arith.cmpi eq, %jit3A_94, %eq3A_95 : i32
      %jit3A_97 = arith.constant 1 : i32
      %select_n3A_98 = arith.select %eq3A_96, %jit3A_97, %jit3A_94 : i32
      %rem3A_99 = arith.remsi %while3A_71, %select_n3A_98 : i32
      %ne3A_100 = arith.constant 0 : i32
      %ne3A_101 = arith.cmpi ne, %rem3A_99, %ne3A_100 : i32
      %lt3A_102 = arith.constant 0 : i32
      %lt3A_103 = arith.cmpi slt, %rem3A_99, %lt3A_102 : i32
      %lt3A_104 = arith.constant 0 : i32
      %lt3A_105 = arith.cmpi slt, %select_n3A_98, %lt3A_104 : i32
      %ne3A_106 = arith.xori %lt3A_103, %lt3A_105 : i1
      %and3A_107 = arith.andi %ne3A_106, %ne3A_101 : i1
      %add3A_108 = arith.addi %rem3A_99, %select_n3A_98 : i32
      %select_n3A_109 = arith.select %and3A_107, %add3A_108, %rem3A_99 : i32
      %eq3A_110 = arith.constant 1 : i32
      %eq3A_111 = arith.cmpi eq, %select_n3A_109, %eq3A_110 : i32
      %convert_element_type3A_112 = arith.extui %eq3A_111 : i1 to i32
      %cond3A_113 = arith.constant 0 : i32
      %cond3A_114 = arith.cmpi ne, %convert_element_type3A_112, %cond3A_113 : i32
      scf.if %cond3A_114 {
        %add3A_116 = arith.constant 1 : i32
        %add3A_117 = arith.addi %while3A_71, %add3A_116 : i32
        %lt3A_118 = arith.cmpi slt, %add3A_117, %select_n3A : i32
        %convert_element_type3A_119 = arith.extui %lt3A_118 : i1 to i32
        %cond3A_120 = arith.constant 0 : i32
        %cond3A_121 = arith.cmpi ne, %convert_element_type3A_119, %cond3A_120 : i32
        scf.if %cond3A_121 {
          %add3A_127 = arith.addi %mul3A_2, %while3A_71 : i32
          %add3A_128 = arith.constant 1 : i32
          %add3A_129 = arith.addi %add3A_127, %add3A_128 : i32
          %mul3A_130 = arith.constant 128 : i32
          %mul3A_131 = arith.muli %add3A_129, %mul3A_130 : i32
          %dma_start3A = arith.constant 0 : i32
          %dma_start3A_132 = tpu.memref_slice %arg2[%mul3A_131, %dma_start3A] : memref<160000x128xf32, #tpu.memory_space<hbm>> -> memref<128x128xf32, #tpu.memory_space<hbm>>
          %dma_start3A_133 = arith.constant 0 : i32
          %dma_start3A_134 = tpu.memref_slice %arg2[%mul3A_131, %dma_start3A_133] : memref<160000x128xf32, #tpu.memory_space<hbm>> -> memref<128x128xf32, #tpu.memory_space<hbm>>
          tpu.enqueue_dma source(%dma_start3A_134 : memref<128x128xf32, #tpu.memory_space<hbm>>) target(%arg6 : memref<128x128xf32, #tpu.memory_space<vmem>>) target_semaphore(%arg10 : memref<!tpu.dma_semaphore, #tpu.memory_space<semaphore_mem>>)
        } else {
        }
        %dma_wait3A = arith.constant 0 : i32
        %dma_wait3A_122 = arith.constant 0 : i32
        %dma_wait3A_123 = tpu.memref_slice %arg2[%dma_wait3A, %dma_wait3A_122] : memref<160000x128xf32, #tpu.memory_space<hbm>> -> memref<128x128xf32, #tpu.memory_space<hbm>>
        %dma_wait3A_124 = arith.constant 0 : i32
        %dma_wait3A_125 = arith.constant 0 : i32
        %dma_wait3A_126 = tpu.memref_slice %arg2[%dma_wait3A_124, %dma_wait3A_125] : memref<160000x128xf32, #tpu.memory_space<hbm>> -> memref<128x128xf32, #tpu.memory_space<hbm>>
        tpu.wait_dma2 semaphore(%arg11 : memref<!tpu.dma_semaphore, #tpu.memory_space<semaphore_mem>>) src(%dma_wait3A_126 : memref<128x128xf32, #tpu.memory_space<hbm>>) dst(%arg7 : memref<128x128xf32, #tpu.memory_space<vmem>>)
        "tpu.region"() ({
          %run_scoped3A = tpu.sem_alloc : memref<!tpu.dma_semaphore, #tpu.memory_space<semaphore_mem>>
          %dma_start3A = arith.constant 0 : i32
          %dma_start3A_127 = tpu.memref_slice %arg5[%while3A_71, %dma_start3A] : memref<40x128xi32, #tpu.memory_space<vmem>> -> memref<1x128xi32, #tpu.memory_space<vmem>>
          %dma_start3A_128 = tpu.memref_squeeze %dma_start3A_127 : memref<1x128xi32, #tpu.memory_space<vmem>> -> memref<128xi32, #tpu.memory_space<vmem>>
          %dma_start3A_129 = arith.constant 0 : i32
          %dma_start3A_130 = arith.constant 0 : i32
          %dma_start3A_131 = tpu.memref_slice %arg9[%dma_start3A_129, %dma_start3A_130] : memref<10000x128xf32, #tpu.memory_space<vmem_shared>> -> memref<10000x128xf32, #tpu.memory_space<vmem_shared>>
          tpu.enqueue_indirect_dma source(%arg7 : memref<128x128xf32, #tpu.memory_space<vmem>>) target(%dma_start3A_131 : memref<10000x128xf32, #tpu.memory_space<vmem_shared>>) offsets(%dma_start3A_128 : memref<128xi32, #tpu.memory_space<vmem>>) semaphore(%run_scoped3A : memref<!tpu.dma_semaphore, #tpu.memory_space<semaphore_mem>>) {add = true}
          %dma_wait3A_132 = arith.constant 0 : i32
          %dma_wait3A_133 = tpu.memref_slice %arg5[%while3A_71, %dma_wait3A_132] : memref<40x128xi32, #tpu.memory_space<vmem>> -> memref<1x128xi32, #tpu.memory_space<vmem>>
          %dma_wait3A_134 = tpu.memref_squeeze %dma_wait3A_133 : memref<1x128xi32, #tpu.memory_space<vmem>> -> memref<128xi32, #tpu.memory_space<vmem>>
          %dma_wait3A_135 = arith.constant 0 : i32
          %dma_wait3A_136 = arith.constant 0 : i32
          %dma_wait3A_137 = tpu.memref_slice %arg9[%dma_wait3A_135, %dma_wait3A_136] : memref<10000x128xf32, #tpu.memory_space<vmem_shared>> -> memref<10000x128xf32, #tpu.memory_space<vmem_shared>>
          tpu.wait_indirect_dma semaphore(%run_scoped3A : memref<!tpu.dma_semaphore, #tpu.memory_space<semaphore_mem>>) src(%arg7 : memref<128x128xf32, #tpu.memory_space<vmem>>) dst(%dma_wait3A_137 : memref<10000x128xf32, #tpu.memory_space<vmem_shared>>)
          tpu.yield
        }) : () -> ()
      } else {
      }
      %while3A_115 = arith.constant 0 : i32
      scf.yield %while3A_115 : i32
    }
    %barrier3A_61 = arith.constant 0 : index
    tpu.barrier barrier_id(%barrier3A_61)
    %lt3A = arith.constant 15 : i32
    %lt3A_62 = arith.cmpi slt, %arg1, %lt3A : i32
    %convert_element_type3A_63 = arith.extui %lt3A_62 : i1 to i32
    %cond3A_64 = arith.constant 0 : i32
    %cond3A_65 = arith.cmpi ne, %convert_element_type3A_63, %cond3A_64 : i32
    scf.if %cond3A_65 {
      %mul3A_71 = arith.constant 624 : i32
      %mul3A_72 = arith.muli %arg1, %mul3A_71 : i32
      %mul3A_73 = arith.constant 624 : i32
      %mul3A_74 = arith.muli %arg1, %mul3A_73 : i32
      "tpu.region"() ({
        %run_scoped3A = tpu.sem_alloc : memref<!tpu.dma_semaphore, #tpu.memory_space<semaphore_mem>>
        %dma_start3A = arith.constant 0 : i32
        %dma_start3A_75 = tpu.memref_slice %arg4[%arg0, %mul3A_74, %dma_start3A] : memref<2x10000x128xf32, #tpu.memory_space<hbm>> -> memref<1x624x128xf32, #tpu.memory_space<hbm>>
        %dma_start3A_76 = tpu.memref_squeeze %dma_start3A_75 : memref<1x624x128xf32, #tpu.memory_space<hbm>> -> memref<624x128xf32, #tpu.memory_space<hbm>>
        %dma_start3A_77 = arith.constant 0 : i32
        %dma_start3A_78 = tpu.memref_slice %arg9[%mul3A_72, %dma_start3A_77] : memref<10000x128xf32, #tpu.memory_space<vmem_shared>> -> memref<624x128xf32, #tpu.memory_space<vmem_shared>>
        tpu.enqueue_dma source(%dma_start3A_78 : memref<624x128xf32, #tpu.memory_space<vmem_shared>>) target(%dma_start3A_76 : memref<624x128xf32, #tpu.memory_space<hbm>>) target_semaphore(%run_scoped3A : memref<!tpu.dma_semaphore, #tpu.memory_space<semaphore_mem>>)
        %dma_wait3A = arith.constant 0 : i32
        %dma_wait3A_79 = tpu.memref_slice %arg4[%arg0, %mul3A_74, %dma_wait3A] : memref<2x10000x128xf32, #tpu.memory_space<hbm>> -> memref<1x624x128xf32, #tpu.memory_space<hbm>>
        %dma_wait3A_80 = tpu.memref_squeeze %dma_wait3A_79 : memref<1x624x128xf32, #tpu.memory_space<hbm>> -> memref<624x128xf32, #tpu.memory_space<hbm>>
        %dma_wait3A_81 = arith.constant 0 : i32
        %dma_wait3A_82 = tpu.memref_slice %arg9[%mul3A_72, %dma_wait3A_81] : memref<10000x128xf32, #tpu.memory_space<vmem_shared>> -> memref<624x128xf32, #tpu.memory_space<vmem_shared>>
        tpu.wait_dma2 semaphore(%run_scoped3A : memref<!tpu.dma_semaphore, #tpu.memory_space<semaphore_mem>>) src(%dma_wait3A_82 : memref<624x128xf32, #tpu.memory_space<vmem_shared>>) dst(%dma_wait3A_80 : memref<624x128xf32, #tpu.memory_space<hbm>>)
        tpu.yield
      }) : () -> ()
    } else {
    }
    %eq3A_66 = arith.constant 15 : i32
    %eq3A_67 = arith.cmpi eq, %arg1, %eq3A_66 : i32
    %convert_element_type3A_68 = arith.extui %eq3A_67 : i1 to i32
    %cond3A_69 = arith.constant 0 : i32
    %cond3A_70 = arith.cmpi ne, %convert_element_type3A_68, %cond3A_69 : i32
    scf.if %cond3A_70 {
      "tpu.region"() ({
        %run_scoped3A = tpu.sem_alloc : memref<!tpu.dma_semaphore, #tpu.memory_space<semaphore_mem>>
        %dma_start3A = arith.constant 9360 : i32
        %dma_start3A_71 = arith.constant 0 : i32
        %dma_start3A_72 = tpu.memref_slice %arg4[%arg0, %dma_start3A, %dma_start3A_71] : memref<2x10000x128xf32, #tpu.memory_space<hbm>> -> memref<1x640x128xf32, #tpu.memory_space<hbm>>
        %dma_start3A_73 = tpu.memref_squeeze %dma_start3A_72 : memref<1x640x128xf32, #tpu.memory_space<hbm>> -> memref<640x128xf32, #tpu.memory_space<hbm>>
        %dma_start3A_74 = arith.constant 9360 : i32
        %dma_start3A_75 = arith.constant 0 : i32
        %dma_start3A_76 = tpu.memref_slice %arg9[%dma_start3A_74, %dma_start3A_75] : memref<10000x128xf32, #tpu.memory_space<vmem_shared>> -> memref<640x128xf32, #tpu.memory_space<vmem_shared>>
        tpu.enqueue_dma source(%dma_start3A_76 : memref<640x128xf32, #tpu.memory_space<vmem_shared>>) target(%dma_start3A_73 : memref<640x128xf32, #tpu.memory_space<hbm>>) target_semaphore(%run_scoped3A : memref<!tpu.dma_semaphore, #tpu.memory_space<semaphore_mem>>)
        %dma_wait3A = arith.constant 9360 : i32
        %dma_wait3A_77 = arith.constant 0 : i32
        %dma_wait3A_78 = tpu.memref_slice %arg4[%arg0, %dma_wait3A, %dma_wait3A_77] : memref<2x10000x128xf32, #tpu.memory_space<hbm>> -> memref<1x640x128xf32, #tpu.memory_space<hbm>>
        %dma_wait3A_79 = tpu.memref_squeeze %dma_wait3A_78 : memref<1x640x128xf32, #tpu.memory_space<hbm>> -> memref<640x128xf32, #tpu.memory_space<hbm>>
        %dma_wait3A_80 = arith.constant 9360 : i32
        %dma_wait3A_81 = arith.constant 0 : i32
        %dma_wait3A_82 = tpu.memref_slice %arg9[%dma_wait3A_80, %dma_wait3A_81] : memref<10000x128xf32, #tpu.memory_space<vmem_shared>> -> memref<640x128xf32, #tpu.memory_space<vmem_shared>>
        tpu.wait_dma2 semaphore(%run_scoped3A : memref<!tpu.dma_semaphore, #tpu.memory_space<semaphore_mem>>) src(%dma_wait3A_82 : memref<640x128xf32, #tpu.memory_space<vmem_shared>>) dst(%dma_wait3A_79 : memref<640x128xf32, #tpu.memory_space<hbm>>)
        tpu.yield
      }) : () -> ()
    } else {
    }
    return
  }
}

#map = affine_map<(d0, d1) -> (0, 0)>
module attributes {stable_mosaic.version = 14 : i64} {
  func.func @_gather_body(%arg0: i32, %arg1: i32, %arg2: memref<10000x128xf32, #tpu.memory_space<hbm>>, %arg3: memref<1280x128xi32, #tpu.memory_space<hbm>>, %arg4: memref<1280x128xi32, #tpu.memory_space<hbm>>, %arg5: memref<160000x128xf32, #tpu.memory_space<hbm>>, %arg6: memref<160000x128xf32, #tpu.memory_space<hbm>>, %arg7: memref<40x128xi32, #tpu.memory_space<vmem>>, %arg8: memref<40x128xi32, #tpu.memory_space<vmem>>, %arg9: memref<128x128xf32, #tpu.memory_space<vmem>>, %arg10: memref<128x128xf32, #tpu.memory_space<vmem>>, %arg11: memref<10000x128xf32, #tpu.memory_space<vmem_shared>>, %arg12: memref<!tpu.dma_semaphore, #tpu.memory_space<semaphore_mem>>, %arg13: memref<!tpu.dma_semaphore, #tpu.memory_space<semaphore_mem>>, %arg14: memref<!tpu.dma_semaphore, #tpu.memory_space<semaphore_mem>>) attributes {dimension_semantics = [#tpu.dimension_semantics<core_parallel>, #tpu.dimension_semantics<subcore_parallel>], iteration_bounds = array<i64: 2, 16>, scalar_prefetch = 0 : i64, scratch_operands = 8 : i64, tpu.core_type = #tpu.core_type<sc_vector_subcore>, window_params = [{transform_indices = #map}, {transform_indices = #map}, {transform_indices = #map}, {transform_indices = #map}, {transform_indices = #map}]} {
    %mul3A = arith.constant 2 : i32
    %mul3A_0 = arith.muli %arg1, %mul3A : i32
    %add3A = arith.addi %mul3A_0, %arg0 : i32
    %mul3A_1 = arith.constant 40 : i32
    %mul3A_2 = arith.muli %add3A, %mul3A_1 : i32
    %eq3A = arith.constant 31 : i32
    %eq3A_3 = arith.cmpi eq, %add3A, %eq3A : i32
    %jit3A = arith.constant 10 : i32
    %jit3A_4 = arith.constant 40 : i32
    %select_n3A = arith.select %eq3A_3, %jit3A, %jit3A_4 : i32
    "tpu.region"() ({
      %run_scoped3A = tpu.sem_alloc : memref<!tpu.dma_semaphore, #tpu.memory_space<semaphore_mem>>
      %dma_start3A = arith.constant 0 : i32
      %dma_start3A_27 = tpu.memref_slice %arg3[%mul3A_2, %dma_start3A] : memref<1280x128xi32, #tpu.memory_space<hbm>> -> memref<40x128xi32, #tpu.memory_space<hbm>>
      %dma_start3A_28 = arith.constant 0 : i32
      %dma_start3A_29 = tpu.memref_slice %arg3[%mul3A_2, %dma_start3A_28] : memref<1280x128xi32, #tpu.memory_space<hbm>> -> memref<40x128xi32, #tpu.memory_space<hbm>>
      tpu.enqueue_dma source(%dma_start3A_29 : memref<40x128xi32, #tpu.memory_space<hbm>>) target(%arg7 : memref<40x128xi32, #tpu.memory_space<vmem>>) target_semaphore(%run_scoped3A : memref<!tpu.dma_semaphore, #tpu.memory_space<semaphore_mem>>)
      %dma_wait3A = arith.constant 0 : i32
      %dma_wait3A_30 = tpu.memref_slice %arg3[%mul3A_2, %dma_wait3A] : memref<1280x128xi32, #tpu.memory_space<hbm>> -> memref<40x128xi32, #tpu.memory_space<hbm>>
      %dma_wait3A_31 = arith.constant 0 : i32
      %dma_wait3A_32 = tpu.memref_slice %arg3[%mul3A_2, %dma_wait3A_31] : memref<1280x128xi32, #tpu.memory_space<hbm>> -> memref<40x128xi32, #tpu.memory_space<hbm>>
      tpu.wait_dma2 semaphore(%run_scoped3A : memref<!tpu.dma_semaphore, #tpu.memory_space<semaphore_mem>>) src(%dma_wait3A_32 : memref<40x128xi32, #tpu.memory_space<hbm>>) dst(%arg7 : memref<40x128xi32, #tpu.memory_space<vmem>>)
      tpu.yield
    }) : () -> ()
    "tpu.region"() ({
      %run_scoped3A = tpu.sem_alloc : memref<!tpu.dma_semaphore, #tpu.memory_space<semaphore_mem>>
      %dma_start3A = arith.constant 0 : i32
      %dma_start3A_27 = tpu.memref_slice %arg4[%mul3A_2, %dma_start3A] : memref<1280x128xi32, #tpu.memory_space<hbm>> -> memref<40x128xi32, #tpu.memory_space<hbm>>
      %dma_start3A_28 = arith.constant 0 : i32
      %dma_start3A_29 = tpu.memref_slice %arg4[%mul3A_2, %dma_start3A_28] : memref<1280x128xi32, #tpu.memory_space<hbm>> -> memref<40x128xi32, #tpu.memory_space<hbm>>
      tpu.enqueue_dma source(%dma_start3A_29 : memref<40x128xi32, #tpu.memory_space<hbm>>) target(%arg8 : memref<40x128xi32, #tpu.memory_space<vmem>>) target_semaphore(%run_scoped3A : memref<!tpu.dma_semaphore, #tpu.memory_space<semaphore_mem>>)
      %dma_wait3A = arith.constant 0 : i32
      %dma_wait3A_30 = tpu.memref_slice %arg4[%mul3A_2, %dma_wait3A] : memref<1280x128xi32, #tpu.memory_space<hbm>> -> memref<40x128xi32, #tpu.memory_space<hbm>>
      %dma_wait3A_31 = arith.constant 0 : i32
      %dma_wait3A_32 = tpu.memref_slice %arg4[%mul3A_2, %dma_wait3A_31] : memref<1280x128xi32, #tpu.memory_space<hbm>> -> memref<40x128xi32, #tpu.memory_space<hbm>>
      tpu.wait_dma2 semaphore(%run_scoped3A : memref<!tpu.dma_semaphore, #tpu.memory_space<semaphore_mem>>) src(%dma_wait3A_32 : memref<40x128xi32, #tpu.memory_space<hbm>>) dst(%arg8 : memref<40x128xi32, #tpu.memory_space<vmem>>)
      tpu.yield
    }) : () -> ()
    %lt3A = arith.constant 15 : i32
    %lt3A_5 = arith.cmpi slt, %arg1, %lt3A : i32
    %convert_element_type3A = arith.extui %lt3A_5 : i1 to i32
    %cond3A = arith.constant 0 : i32
    %cond3A_6 = arith.cmpi ne, %convert_element_type3A, %cond3A : i32
    scf.if %cond3A_6 {
      %mul3A_27 = arith.constant 624 : i32
      %mul3A_28 = arith.muli %arg1, %mul3A_27 : i32
      %mul3A_29 = arith.constant 624 : i32
      %mul3A_30 = arith.muli %arg1, %mul3A_29 : i32
      "tpu.region"() ({
        %run_scoped3A = tpu.sem_alloc : memref<!tpu.dma_semaphore, #tpu.memory_space<semaphore_mem>>
        %dma_start3A = arith.constant 0 : i32
        %dma_start3A_31 = tpu.memref_slice %arg11[%mul3A_30, %dma_start3A] : memref<10000x128xf32, #tpu.memory_space<vmem_shared>> -> memref<624x128xf32, #tpu.memory_space<vmem_shared>>
        %dma_start3A_32 = arith.constant 0 : i32
        %dma_start3A_33 = tpu.memref_slice %arg2[%mul3A_28, %dma_start3A_32] : memref<10000x128xf32, #tpu.memory_space<hbm>> -> memref<624x128xf32, #tpu.memory_space<hbm>>
        tpu.enqueue_dma source(%dma_start3A_33 : memref<624x128xf32, #tpu.memory_space<hbm>>) target(%dma_start3A_31 : memref<624x128xf32, #tpu.memory_space<vmem_shared>>) target_semaphore(%run_scoped3A : memref<!tpu.dma_semaphore, #tpu.memory_space<semaphore_mem>>)
        %dma_wait3A = arith.constant 0 : i32
        %dma_wait3A_34 = tpu.memref_slice %arg11[%mul3A_30, %dma_wait3A] : memref<10000x128xf32, #tpu.memory_space<vmem_shared>> -> memref<624x128xf32, #tpu.memory_space<vmem_shared>>
        %dma_wait3A_35 = arith.constant 0 : i32
        %dma_wait3A_36 = tpu.memref_slice %arg2[%mul3A_28, %dma_wait3A_35] : memref<10000x128xf32, #tpu.memory_space<hbm>> -> memref<624x128xf32, #tpu.memory_space<hbm>>
        tpu.wait_dma2 semaphore(%run_scoped3A : memref<!tpu.dma_semaphore, #tpu.memory_space<semaphore_mem>>) src(%dma_wait3A_36 : memref<624x128xf32, #tpu.memory_space<hbm>>) dst(%dma_wait3A_34 : memref<624x128xf32, #tpu.memory_space<vmem_shared>>)
        tpu.yield
      }) : () -> ()
    } else {
    }
    %eq3A_7 = arith.constant 15 : i32
    %eq3A_8 = arith.cmpi eq, %arg1, %eq3A_7 : i32
    %convert_element_type3A_9 = arith.extui %eq3A_8 : i1 to i32
    %cond3A_10 = arith.constant 0 : i32
    %cond3A_11 = arith.cmpi ne, %convert_element_type3A_9, %cond3A_10 : i32
    scf.if %cond3A_11 {
      "tpu.region"() ({
        %run_scoped3A = tpu.sem_alloc : memref<!tpu.dma_semaphore, #tpu.memory_space<semaphore_mem>>
        %dma_start3A = arith.constant 9360 : i32
        %dma_start3A_27 = arith.constant 0 : i32
        %dma_start3A_28 = tpu.memref_slice %arg11[%dma_start3A, %dma_start3A_27] : memref<10000x128xf32, #tpu.memory_space<vmem_shared>> -> memref<640x128xf32, #tpu.memory_space<vmem_shared>>
        %dma_start3A_29 = arith.constant 9360 : i32
        %dma_start3A_30 = arith.constant 0 : i32
        %dma_start3A_31 = tpu.memref_slice %arg2[%dma_start3A_29, %dma_start3A_30] : memref<10000x128xf32, #tpu.memory_space<hbm>> -> memref<640x128xf32, #tpu.memory_space<hbm>>
        tpu.enqueue_dma source(%dma_start3A_31 : memref<640x128xf32, #tpu.memory_space<hbm>>) target(%dma_start3A_28 : memref<640x128xf32, #tpu.memory_space<vmem_shared>>) target_semaphore(%run_scoped3A : memref<!tpu.dma_semaphore, #tpu.memory_space<semaphore_mem>>)
        %dma_wait3A = arith.constant 9360 : i32
        %dma_wait3A_32 = arith.constant 0 : i32
        %dma_wait3A_33 = tpu.memref_slice %arg11[%dma_wait3A, %dma_wait3A_32] : memref<10000x128xf32, #tpu.memory_space<vmem_shared>> -> memref<640x128xf32, #tpu.memory_space<vmem_shared>>
        %dma_wait3A_34 = arith.constant 9360 : i32
        %dma_wait3A_35 = arith.constant 0 : i32
        %dma_wait3A_36 = tpu.memref_slice %arg2[%dma_wait3A_34, %dma_wait3A_35] : memref<10000x128xf32, #tpu.memory_space<hbm>> -> memref<640x128xf32, #tpu.memory_space<hbm>>
        tpu.wait_dma2 semaphore(%run_scoped3A : memref<!tpu.dma_semaphore, #tpu.memory_space<semaphore_mem>>) src(%dma_wait3A_36 : memref<640x128xf32, #tpu.memory_space<hbm>>) dst(%dma_wait3A_33 : memref<640x128xf32, #tpu.memory_space<vmem_shared>>)
        tpu.yield
      }) : () -> ()
    } else {
    }
    %barrier3A = arith.constant 0 : index
    tpu.barrier barrier_id(%barrier3A)
    %while3A = arith.constant 0 : i32
    %while3A_12 = arith.constant 0 : i32
    %while3A_13 = arith.subi %select_n3A, %while3A : i32
    %while3A_14 = arith.addi %while3A, %while3A_13 : i32
    %while3A_15 = arith.constant 1 : i32
    %while3A_16 = arith.divsi %while3A_13, %while3A_15 : i32
    %while3A_17 = arith.muli %while3A_16, %while3A_15 : i32
    %while3A_18 = arith.addi %while3A, %while3A_17 : i32
    %while3A_19 = arith.constant 1 : i32
    %while3A_20 = scf.for %while3A_27 = %while3A to %while3A_18 step %while3A_19 iter_args(%while3A_28 = %while3A_12) -> (i32)  : i32 {
      %add3A_29 = arith.addi %mul3A_2, %while3A_27 : i32
      %ge3A_30 = arith.constant 1 : i32
      %ge3A_31 = arith.cmpi sge, %while3A_27, %ge3A_30 : i32
      %convert_element_type3A_32 = arith.extui %ge3A_31 : i1 to i32
      %cond3A_33 = arith.constant 0 : i32
      %cond3A_34 = arith.cmpi ne, %convert_element_type3A_32, %cond3A_33 : i32
      scf.if %cond3A_34 {
        %dma_wait3A_70 = arith.constant 0 : i32
        %dma_wait3A_71 = arith.constant 0 : i32
        %dma_wait3A_72 = tpu.memref_slice %arg5[%dma_wait3A_70, %dma_wait3A_71] : memref<160000x128xf32, #tpu.memory_space<hbm>> -> memref<128x128xf32, #tpu.memory_space<hbm>>
        %dma_wait3A_73 = arith.constant 0 : i32
        %dma_wait3A_74 = arith.constant 0 : i32
        %dma_wait3A_75 = tpu.memref_slice %arg5[%dma_wait3A_73, %dma_wait3A_74] : memref<160000x128xf32, #tpu.memory_space<hbm>> -> memref<128x128xf32, #tpu.memory_space<hbm>>
        tpu.wait_dma2 semaphore(%arg13 : memref<!tpu.dma_semaphore, #tpu.memory_space<semaphore_mem>>) src(%arg9 : memref<128x128xf32, #tpu.memory_space<vmem>>) dst(%dma_wait3A_75 : memref<128x128xf32, #tpu.memory_space<hbm>>)
        %dma_wait3A_76 = arith.constant 0 : i32
        %dma_wait3A_77 = arith.constant 0 : i32
        %dma_wait3A_78 = tpu.memref_slice %arg6[%dma_wait3A_76, %dma_wait3A_77] : memref<160000x128xf32, #tpu.memory_space<hbm>> -> memref<128x128xf32, #tpu.memory_space<hbm>>
        %dma_wait3A_79 = arith.constant 0 : i32
        %dma_wait3A_80 = arith.constant 0 : i32
        %dma_wait3A_81 = tpu.memref_slice %arg6[%dma_wait3A_79, %dma_wait3A_80] : memref<160000x128xf32, #tpu.memory_space<hbm>> -> memref<128x128xf32, #tpu.memory_space<hbm>>
        tpu.wait_dma2 semaphore(%arg14 : memref<!tpu.dma_semaphore, #tpu.memory_space<semaphore_mem>>) src(%arg10 : memref<128x128xf32, #tpu.memory_space<vmem>>) dst(%dma_wait3A_81 : memref<128x128xf32, #tpu.memory_space<hbm>>)
      } else {
      }
      %dma_start3A = arith.constant 0 : i32
      %dma_start3A_35 = tpu.memref_slice %arg7[%while3A_27, %dma_start3A] : memref<40x128xi32, #tpu.memory_space<vmem>> -> memref<1x128xi32, #tpu.memory_space<vmem>>
      %dma_start3A_36 = tpu.memref_squeeze %dma_start3A_35 : memref<1x128xi32, #tpu.memory_space<vmem>> -> memref<128xi32, #tpu.memory_space<vmem>>
      %dma_start3A_37 = arith.constant 0 : i32
      %dma_start3A_38 = arith.constant 0 : i32
      %dma_start3A_39 = tpu.memref_slice %arg11[%dma_start3A_37, %dma_start3A_38] : memref<10000x128xf32, #tpu.memory_space<vmem_shared>> -> memref<10000x128xf32, #tpu.memory_space<vmem_shared>>
      tpu.enqueue_indirect_dma source(%dma_start3A_39 : memref<10000x128xf32, #tpu.memory_space<vmem_shared>>) target(%arg9 : memref<128x128xf32, #tpu.memory_space<vmem>>) offsets(%dma_start3A_36 : memref<128xi32, #tpu.memory_space<vmem>>) semaphore(%arg12 : memref<!tpu.dma_semaphore, #tpu.memory_space<semaphore_mem>>)
      %dma_start3A_40 = arith.constant 0 : i32
      %dma_start3A_41 = tpu.memref_slice %arg8[%while3A_27, %dma_start3A_40] : memref<40x128xi32, #tpu.memory_space<vmem>> -> memref<1x128xi32, #tpu.memory_space<vmem>>
      %dma_start3A_42 = tpu.memref_squeeze %dma_start3A_41 : memref<1x128xi32, #tpu.memory_space<vmem>> -> memref<128xi32, #tpu.memory_space<vmem>>
      %dma_start3A_43 = arith.constant 0 : i32
      %dma_start3A_44 = arith.constant 0 : i32
      %dma_start3A_45 = tpu.memref_slice %arg11[%dma_start3A_43, %dma_start3A_44] : memref<10000x128xf32, #tpu.memory_space<vmem_shared>> -> memref<10000x128xf32, #tpu.memory_space<vmem_shared>>
      tpu.enqueue_indirect_dma source(%dma_start3A_45 : memref<10000x128xf32, #tpu.memory_space<vmem_shared>>) target(%arg10 : memref<128x128xf32, #tpu.memory_space<vmem>>) offsets(%dma_start3A_42 : memref<128xi32, #tpu.memory_space<vmem>>) semaphore(%arg12 : memref<!tpu.dma_semaphore, #tpu.memory_space<semaphore_mem>>)
      %dma_wait3A = arith.constant 0 : i32
      %dma_wait3A_46 = tpu.memref_slice %arg7[%while3A_27, %dma_wait3A] : memref<40x128xi32, #tpu.memory_space<vmem>> -> memref<1x128xi32, #tpu.memory_space<vmem>>
      %dma_wait3A_47 = tpu.memref_squeeze %dma_wait3A_46 : memref<1x128xi32, #tpu.memory_space<vmem>> -> memref<128xi32, #tpu.memory_space<vmem>>
      %dma_wait3A_48 = arith.constant 0 : i32
      %dma_wait3A_49 = arith.constant 0 : i32
      %dma_wait3A_50 = tpu.memref_slice %arg11[%dma_wait3A_48, %dma_wait3A_49] : memref<10000x128xf32, #tpu.memory_space<vmem_shared>> -> memref<10000x128xf32, #tpu.memory_space<vmem_shared>>
      tpu.wait_indirect_dma semaphore(%arg12 : memref<!tpu.dma_semaphore, #tpu.memory_space<semaphore_mem>>) src(%dma_wait3A_50 : memref<10000x128xf32, #tpu.memory_space<vmem_shared>>) dst(%arg9 : memref<128x128xf32, #tpu.memory_space<vmem>>)
      %dma_wait3A_51 = arith.constant 0 : i32
      %dma_wait3A_52 = tpu.memref_slice %arg8[%while3A_27, %dma_wait3A_51] : memref<40x128xi32, #tpu.memory_space<vmem>> -> memref<1x128xi32, #tpu.memory_space<vmem>>
      %dma_wait3A_53 = tpu.memref_squeeze %dma_wait3A_52 : memref<1x128xi32, #tpu.memory_space<vmem>> -> memref<128xi32, #tpu.memory_space<vmem>>
      %dma_wait3A_54 = arith.constant 0 : i32
      %dma_wait3A_55 = arith.constant 0 : i32
      %dma_wait3A_56 = tpu.memref_slice %arg11[%dma_wait3A_54, %dma_wait3A_55] : memref<10000x128xf32, #tpu.memory_space<vmem_shared>> -> memref<10000x128xf32, #tpu.memory_space<vmem_shared>>
      tpu.wait_indirect_dma semaphore(%arg12 : memref<!tpu.dma_semaphore, #tpu.memory_space<semaphore_mem>>) src(%dma_wait3A_56 : memref<10000x128xf32, #tpu.memory_space<vmem_shared>>) dst(%arg10 : memref<128x128xf32, #tpu.memory_space<vmem>>)
      %mul3A_57 = arith.constant 128 : i32
      %mul3A_58 = arith.muli %add3A_29, %mul3A_57 : i32
      %dma_start3A_59 = arith.constant 0 : i32
      %dma_start3A_60 = tpu.memref_slice %arg5[%mul3A_58, %dma_start3A_59] : memref<160000x128xf32, #tpu.memory_space<hbm>> -> memref<128x128xf32, #tpu.memory_space<hbm>>
      %dma_start3A_61 = arith.constant 0 : i32
      %dma_start3A_62 = tpu.memref_slice %arg5[%mul3A_58, %dma_start3A_61] : memref<160000x128xf32, #tpu.memory_space<hbm>> -> memref<128x128xf32, #tpu.memory_space<hbm>>
      tpu.enqueue_dma source(%arg9 : memref<128x128xf32, #tpu.memory_space<vmem>>) target(%dma_start3A_62 : memref<128x128xf32, #tpu.memory_space<hbm>>) target_semaphore(%arg13 : memref<!tpu.dma_semaphore, #tpu.memory_space<semaphore_mem>>)
      %mul3A_63 = arith.constant 128 : i32
      %mul3A_64 = arith.muli %add3A_29, %mul3A_63 : i32
      %dma_start3A_65 = arith.constant 0 : i32
      %dma_start3A_66 = tpu.memref_slice %arg6[%mul3A_64, %dma_start3A_65] : memref<160000x128xf32, #tpu.memory_space<hbm>> -> memref<128x128xf32, #tpu.memory_space<hbm>>
      %dma_start3A_67 = arith.constant 0 : i32
      %dma_start3A_68 = tpu.memref_slice %arg6[%mul3A_64, %dma_start3A_67] : memref<160000x128xf32, #tpu.memory_space<hbm>> -> memref<128x128xf32, #tpu.memory_space<hbm>>
      tpu.enqueue_dma source(%arg10 : memref<128x128xf32, #tpu.memory_space<vmem>>) target(%dma_start3A_68 : memref<128x128xf32, #tpu.memory_space<hbm>>) target_semaphore(%arg14 : memref<!tpu.dma_semaphore, #tpu.memory_space<semaphore_mem>>)
      %while3A_69 = arith.constant 0 : i32
      scf.yield %while3A_69 : i32
    }
    %while3A_21 = arith.constant 1 : i32
    %while3A_22 = scf.for %while3A_27 = %while3A_18 to %while3A_14 step %while3A_21 iter_args(%while3A_28 = %while3A_20) -> (i32)  : i32 {
      %add3A_29 = arith.addi %mul3A_2, %while3A_27 : i32
      %ge3A_30 = arith.constant 1 : i32
      %ge3A_31 = arith.cmpi sge, %while3A_27, %ge3A_30 : i32
      %convert_element_type3A_32 = arith.extui %ge3A_31 : i1 to i32
      %cond3A_33 = arith.constant 0 : i32
      %cond3A_34 = arith.cmpi ne, %convert_element_type3A_32, %cond3A_33 : i32
      scf.if %cond3A_34 {
        %dma_wait3A_70 = arith.constant 0 : i32
        %dma_wait3A_71 = arith.constant 0 : i32
        %dma_wait3A_72 = tpu.memref_slice %arg5[%dma_wait3A_70, %dma_wait3A_71] : memref<160000x128xf32, #tpu.memory_space<hbm>> -> memref<128x128xf32, #tpu.memory_space<hbm>>
        %dma_wait3A_73 = arith.constant 0 : i32
        %dma_wait3A_74 = arith.constant 0 : i32
        %dma_wait3A_75 = tpu.memref_slice %arg5[%dma_wait3A_73, %dma_wait3A_74] : memref<160000x128xf32, #tpu.memory_space<hbm>> -> memref<128x128xf32, #tpu.memory_space<hbm>>
        tpu.wait_dma2 semaphore(%arg13 : memref<!tpu.dma_semaphore, #tpu.memory_space<semaphore_mem>>) src(%arg9 : memref<128x128xf32, #tpu.memory_space<vmem>>) dst(%dma_wait3A_75 : memref<128x128xf32, #tpu.memory_space<hbm>>)
        %dma_wait3A_76 = arith.constant 0 : i32
        %dma_wait3A_77 = arith.constant 0 : i32
        %dma_wait3A_78 = tpu.memref_slice %arg6[%dma_wait3A_76, %dma_wait3A_77] : memref<160000x128xf32, #tpu.memory_space<hbm>> -> memref<128x128xf32, #tpu.memory_space<hbm>>
        %dma_wait3A_79 = arith.constant 0 : i32
        %dma_wait3A_80 = arith.constant 0 : i32
        %dma_wait3A_81 = tpu.memref_slice %arg6[%dma_wait3A_79, %dma_wait3A_80] : memref<160000x128xf32, #tpu.memory_space<hbm>> -> memref<128x128xf32, #tpu.memory_space<hbm>>
        tpu.wait_dma2 semaphore(%arg14 : memref<!tpu.dma_semaphore, #tpu.memory_space<semaphore_mem>>) src(%arg10 : memref<128x128xf32, #tpu.memory_space<vmem>>) dst(%dma_wait3A_81 : memref<128x128xf32, #tpu.memory_space<hbm>>)
      } else {
      }
      %dma_start3A = arith.constant 0 : i32
      %dma_start3A_35 = tpu.memref_slice %arg7[%while3A_27, %dma_start3A] : memref<40x128xi32, #tpu.memory_space<vmem>> -> memref<1x128xi32, #tpu.memory_space<vmem>>
      %dma_start3A_36 = tpu.memref_squeeze %dma_start3A_35 : memref<1x128xi32, #tpu.memory_space<vmem>> -> memref<128xi32, #tpu.memory_space<vmem>>
      %dma_start3A_37 = arith.constant 0 : i32
      %dma_start3A_38 = arith.constant 0 : i32
      %dma_start3A_39 = tpu.memref_slice %arg11[%dma_start3A_37, %dma_start3A_38] : memref<10000x128xf32, #tpu.memory_space<vmem_shared>> -> memref<10000x128xf32, #tpu.memory_space<vmem_shared>>
      tpu.enqueue_indirect_dma source(%dma_start3A_39 : memref<10000x128xf32, #tpu.memory_space<vmem_shared>>) target(%arg9 : memref<128x128xf32, #tpu.memory_space<vmem>>) offsets(%dma_start3A_36 : memref<128xi32, #tpu.memory_space<vmem>>) semaphore(%arg12 : memref<!tpu.dma_semaphore, #tpu.memory_space<semaphore_mem>>)
      %dma_start3A_40 = arith.constant 0 : i32
      %dma_start3A_41 = tpu.memref_slice %arg8[%while3A_27, %dma_start3A_40] : memref<40x128xi32, #tpu.memory_space<vmem>> -> memref<1x128xi32, #tpu.memory_space<vmem>>
      %dma_start3A_42 = tpu.memref_squeeze %dma_start3A_41 : memref<1x128xi32, #tpu.memory_space<vmem>> -> memref<128xi32, #tpu.memory_space<vmem>>
      %dma_start3A_43 = arith.constant 0 : i32
      %dma_start3A_44 = arith.constant 0 : i32
      %dma_start3A_45 = tpu.memref_slice %arg11[%dma_start3A_43, %dma_start3A_44] : memref<10000x128xf32, #tpu.memory_space<vmem_shared>> -> memref<10000x128xf32, #tpu.memory_space<vmem_shared>>
      tpu.enqueue_indirect_dma source(%dma_start3A_45 : memref<10000x128xf32, #tpu.memory_space<vmem_shared>>) target(%arg10 : memref<128x128xf32, #tpu.memory_space<vmem>>) offsets(%dma_start3A_42 : memref<128xi32, #tpu.memory_space<vmem>>) semaphore(%arg12 : memref<!tpu.dma_semaphore, #tpu.memory_space<semaphore_mem>>)
      %dma_wait3A = arith.constant 0 : i32
      %dma_wait3A_46 = tpu.memref_slice %arg7[%while3A_27, %dma_wait3A] : memref<40x128xi32, #tpu.memory_space<vmem>> -> memref<1x128xi32, #tpu.memory_space<vmem>>
      %dma_wait3A_47 = tpu.memref_squeeze %dma_wait3A_46 : memref<1x128xi32, #tpu.memory_space<vmem>> -> memref<128xi32, #tpu.memory_space<vmem>>
      %dma_wait3A_48 = arith.constant 0 : i32
      %dma_wait3A_49 = arith.constant 0 : i32
      %dma_wait3A_50 = tpu.memref_slice %arg11[%dma_wait3A_48, %dma_wait3A_49] : memref<10000x128xf32, #tpu.memory_space<vmem_shared>> -> memref<10000x128xf32, #tpu.memory_space<vmem_shared>>
      tpu.wait_indirect_dma semaphore(%arg12 : memref<!tpu.dma_semaphore, #tpu.memory_space<semaphore_mem>>) src(%dma_wait3A_50 : memref<10000x128xf32, #tpu.memory_space<vmem_shared>>) dst(%arg9 : memref<128x128xf32, #tpu.memory_space<vmem>>)
      %dma_wait3A_51 = arith.constant 0 : i32
      %dma_wait3A_52 = tpu.memref_slice %arg8[%while3A_27, %dma_wait3A_51] : memref<40x128xi32, #tpu.memory_space<vmem>> -> memref<1x128xi32, #tpu.memory_space<vmem>>
      %dma_wait3A_53 = tpu.memref_squeeze %dma_wait3A_52 : memref<1x128xi32, #tpu.memory_space<vmem>> -> memref<128xi32, #tpu.memory_space<vmem>>
      %dma_wait3A_54 = arith.constant 0 : i32
      %dma_wait3A_55 = arith.constant 0 : i32
      %dma_wait3A_56 = tpu.memref_slice %arg11[%dma_wait3A_54, %dma_wait3A_55] : memref<10000x128xf32, #tpu.memory_space<vmem_shared>> -> memref<10000x128xf32, #tpu.memory_space<vmem_shared>>
      tpu.wait_indirect_dma semaphore(%arg12 : memref<!tpu.dma_semaphore, #tpu.memory_space<semaphore_mem>>) src(%dma_wait3A_56 : memref<10000x128xf32, #tpu.memory_space<vmem_shared>>) dst(%arg10 : memref<128x128xf32, #tpu.memory_space<vmem>>)
      %mul3A_57 = arith.constant 128 : i32
      %mul3A_58 = arith.muli %add3A_29, %mul3A_57 : i32
      %dma_start3A_59 = arith.constant 0 : i32
      %dma_start3A_60 = tpu.memref_slice %arg5[%mul3A_58, %dma_start3A_59] : memref<160000x128xf32, #tpu.memory_space<hbm>> -> memref<128x128xf32, #tpu.memory_space<hbm>>
      %dma_start3A_61 = arith.constant 0 : i32
      %dma_start3A_62 = tpu.memref_slice %arg5[%mul3A_58, %dma_start3A_61] : memref<160000x128xf32, #tpu.memory_space<hbm>> -> memref<128x128xf32, #tpu.memory_space<hbm>>
      tpu.enqueue_dma source(%arg9 : memref<128x128xf32, #tpu.memory_space<vmem>>) target(%dma_start3A_62 : memref<128x128xf32, #tpu.memory_space<hbm>>) target_semaphore(%arg13 : memref<!tpu.dma_semaphore, #tpu.memory_space<semaphore_mem>>)
      %mul3A_63 = arith.constant 128 : i32
      %mul3A_64 = arith.muli %add3A_29, %mul3A_63 : i32
      %dma_start3A_65 = arith.constant 0 : i32
      %dma_start3A_66 = tpu.memref_slice %arg6[%mul3A_64, %dma_start3A_65] : memref<160000x128xf32, #tpu.memory_space<hbm>> -> memref<128x128xf32, #tpu.memory_space<hbm>>
      %dma_start3A_67 = arith.constant 0 : i32
      %dma_start3A_68 = tpu.memref_slice %arg6[%mul3A_64, %dma_start3A_67] : memref<160000x128xf32, #tpu.memory_space<hbm>> -> memref<128x128xf32, #tpu.memory_space<hbm>>
      tpu.enqueue_dma source(%arg10 : memref<128x128xf32, #tpu.memory_space<vmem>>) target(%dma_start3A_68 : memref<128x128xf32, #tpu.memory_space<hbm>>) target_semaphore(%arg14 : memref<!tpu.dma_semaphore, #tpu.memory_space<semaphore_mem>>)
      %while3A_69 = arith.constant 0 : i32
      scf.yield %while3A_69 : i32
    }
    %ge3A = arith.constant 1 : i32
    %ge3A_23 = arith.cmpi sge, %select_n3A, %ge3A : i32
    %convert_element_type3A_24 = arith.extui %ge3A_23 : i1 to i32
    %cond3A_25 = arith.constant 0 : i32
    %cond3A_26 = arith.cmpi ne, %convert_element_type3A_24, %cond3A_25 : i32
    scf.if %cond3A_26 {
      %dma_wait3A = arith.constant 0 : i32
      %dma_wait3A_27 = arith.constant 0 : i32
      %dma_wait3A_28 = tpu.memref_slice %arg5[%dma_wait3A, %dma_wait3A_27] : memref<160000x128xf32, #tpu.memory_space<hbm>> -> memref<128x128xf32, #tpu.memory_space<hbm>>
      %dma_wait3A_29 = arith.constant 0 : i32
      %dma_wait3A_30 = arith.constant 0 : i32
      %dma_wait3A_31 = tpu.memref_slice %arg5[%dma_wait3A_29, %dma_wait3A_30] : memref<160000x128xf32, #tpu.memory_space<hbm>> -> memref<128x128xf32, #tpu.memory_space<hbm>>
      tpu.wait_dma2 semaphore(%arg13 : memref<!tpu.dma_semaphore, #tpu.memory_space<semaphore_mem>>) src(%arg9 : memref<128x128xf32, #tpu.memory_space<vmem>>) dst(%dma_wait3A_31 : memref<128x128xf32, #tpu.memory_space<hbm>>)
      %dma_wait3A_32 = arith.constant 0 : i32
      %dma_wait3A_33 = arith.constant 0 : i32
      %dma_wait3A_34 = tpu.memref_slice %arg6[%dma_wait3A_32, %dma_wait3A_33] : memref<160000x128xf32, #tpu.memory_space<hbm>> -> memref<128x128xf32, #tpu.memory_space<hbm>>
      %dma_wait3A_35 = arith.constant 0 : i32
      %dma_wait3A_36 = arith.constant 0 : i32
      %dma_wait3A_37 = tpu.memref_slice %arg6[%dma_wait3A_35, %dma_wait3A_36] : memref<160000x128xf32, #tpu.memory_space<hbm>> -> memref<128x128xf32, #tpu.memory_space<hbm>>
      tpu.wait_dma2 semaphore(%arg14 : memref<!tpu.dma_semaphore, #tpu.memory_space<semaphore_mem>>) src(%arg10 : memref<128x128xf32, #tpu.memory_space<vmem>>) dst(%dma_wait3A_37 : memref<128x128xf32, #tpu.memory_space<hbm>>)
    } else {
    }
    return
  }
}

#map = affine_map<(d0, d1) -> (0, 0)>
#map1 = affine_map<(d0, d1) -> (0, 0, 0)>
module attributes {stable_mosaic.version = 14 : i64} {
  func.func @_scatter_body(%arg0: i32, %arg1: i32, %arg2: memref<160000x128xf32, #tpu.memory_space<hbm>>, %arg3: memref<1280x128xi32, #tpu.memory_space<hbm>>, %arg4: memref<2x10000x128xf32, #tpu.memory_space<hbm>>, %arg5: memref<40x128xi32, #tpu.memory_space<vmem>>, %arg6: memref<128x128xf32, #tpu.memory_space<vmem>>, %arg7: memref<128x128xf32, #tpu.memory_space<vmem>>, %arg8: memref<16x128xf32, #tpu.memory_space<vmem>>, %arg9: memref<10000x128xf32, #tpu.memory_space<vmem_shared>>, %arg10: memref<!tpu.dma_semaphore, #tpu.memory_space<semaphore_mem>>, %arg11: memref<!tpu.dma_semaphore, #tpu.memory_space<semaphore_mem>>) attributes {dimension_semantics = [#tpu.dimension_semantics<core_parallel>, #tpu.dimension_semantics<subcore_parallel>], iteration_bounds = array<i64: 2, 16>, scalar_prefetch = 0 : i64, scratch_operands = 7 : i64, tpu.core_type = #tpu.core_type<sc_vector_subcore>, window_params = [{transform_indices = #map}, {transform_indices = #map}, {transform_indices = #map1}]} {
    %mul3A = arith.constant 2 : i32
    %mul3A_0 = arith.muli %arg1, %mul3A : i32
    %add3A = arith.addi %mul3A_0, %arg0 : i32
    %mul3A_1 = arith.constant 40 : i32
    %mul3A_2 = arith.muli %add3A, %mul3A_1 : i32
    %eq3A = arith.constant 31 : i32
    %eq3A_3 = arith.cmpi eq, %add3A, %eq3A : i32
    %jit3A = arith.constant 10 : i32
    %jit3A_4 = arith.constant 40 : i32
    %select_n3A = arith.select %eq3A_3, %jit3A, %jit3A_4 : i32
    "tpu.region"() ({
      %run_scoped3A = tpu.sem_alloc : memref<!tpu.dma_semaphore, #tpu.memory_space<semaphore_mem>>
      %dma_start3A = arith.constant 0 : i32
      %dma_start3A_71 = tpu.memref_slice %arg3[%mul3A_2, %dma_start3A] : memref<1280x128xi32, #tpu.memory_space<hbm>> -> memref<40x128xi32, #tpu.memory_space<hbm>>
      %dma_start3A_72 = arith.constant 0 : i32
      %dma_start3A_73 = tpu.memref_slice %arg3[%mul3A_2, %dma_start3A_72] : memref<1280x128xi32, #tpu.memory_space<hbm>> -> memref<40x128xi32, #tpu.memory_space<hbm>>
      tpu.enqueue_dma source(%dma_start3A_73 : memref<40x128xi32, #tpu.memory_space<hbm>>) target(%arg5 : memref<40x128xi32, #tpu.memory_space<vmem>>) target_semaphore(%run_scoped3A : memref<!tpu.dma_semaphore, #tpu.memory_space<semaphore_mem>>)
      %dma_wait3A = arith.constant 0 : i32
      %dma_wait3A_74 = tpu.memref_slice %arg3[%mul3A_2, %dma_wait3A] : memref<1280x128xi32, #tpu.memory_space<hbm>> -> memref<40x128xi32, #tpu.memory_space<hbm>>
      %dma_wait3A_75 = arith.constant 0 : i32
      %dma_wait3A_76 = tpu.memref_slice %arg3[%mul3A_2, %dma_wait3A_75] : memref<1280x128xi32, #tpu.memory_space<hbm>> -> memref<40x128xi32, #tpu.memory_space<hbm>>
      tpu.wait_dma2 semaphore(%run_scoped3A : memref<!tpu.dma_semaphore, #tpu.memory_space<semaphore_mem>>) src(%dma_wait3A_76 : memref<40x128xi32, #tpu.memory_space<hbm>>) dst(%arg5 : memref<40x128xi32, #tpu.memory_space<vmem>>)
      tpu.yield
    }) : () -> ()
    %scan3A = arith.constant 0 : i32
    %scan3A_5 = arith.constant 0 : i32
    %scan3A_6 = arith.constant 128 : i32
    %scan3A_7 = arith.addi %scan3A_5, %scan3A_6 : i32
    %scan3A_8 = arith.constant 1 : i32
    %scan3A_9 = scf.for %scan3A_71 = %scan3A_5 to %scan3A_7 step %scan3A_8 iter_args(%scan3A_72 = %scan3A) -> (i32)  : i32 {
      %jit3A_73 = arith.constant 8 : i32
      %div3A_74 = arith.divsi %scan3A_71, %jit3A_73 : i32
      %sign3A_75 = arith.constant 0 : i32
      %sign3A_76 = arith.cmpi sgt, %scan3A_71, %sign3A_75 : i32
      %sign3A_77 = arith.extui %sign3A_76 : i1 to i32
      %sign3A_78 = arith.constant 0 : i32
      %sign3A_79 = arith.cmpi slt, %scan3A_71, %sign3A_78 : i32
      %sign3A_80 = arith.extui %sign3A_79 : i1 to i32
      %sign3A_81 = arith.subi %sign3A_77, %sign3A_80 : i32
      %sign3A_82 = arith.constant 0 : i32
      %sign3A_83 = arith.cmpi sgt, %jit3A_73, %sign3A_82 : i32
      %sign3A_84 = arith.extui %sign3A_83 : i1 to i32
      %sign3A_85 = arith.constant 0 : i32
      %sign3A_86 = arith.cmpi slt, %jit3A_73, %sign3A_85 : i32
      %sign3A_87 = arith.extui %sign3A_86 : i1 to i32
      %sign3A_88 = arith.subi %sign3A_84, %sign3A_87 : i32
      %ne3A_89 = arith.cmpi ne, %sign3A_81, %sign3A_88 : i32
      %rem3A_90 = arith.remsi %scan3A_71, %jit3A_73 : i32
      %ne3A_91 = arith.constant 0 : i32
      %ne3A_92 = arith.cmpi ne, %rem3A_90, %ne3A_91 : i32
      %and3A_93 = arith.andi %ne3A_89, %ne3A_92 : i1
      %sub3A_94 = arith.constant 1 : i32
      %sub3A_95 = arith.subi %div3A_74, %sub3A_94 : i32
      %select_n3A_96 = arith.select %and3A_93, %sub3A_95, %div3A_74 : i32
      %jit3A_97 = arith.constant 8 : i32
      %eq3A_98 = arith.constant 0 : i32
      %eq3A_99 = arith.cmpi eq, %jit3A_97, %eq3A_98 : i32
      %jit3A_100 = arith.constant 1 : i32
      %select_n3A_101 = arith.select %eq3A_99, %jit3A_100, %jit3A_97 : i32
      %rem3A_102 = arith.remsi %scan3A_71, %select_n3A_101 : i32
      %ne3A_103 = arith.constant 0 : i32
      %ne3A_104 = arith.cmpi ne, %rem3A_102, %ne3A_103 : i32
      %lt3A_105 = arith.constant 0 : i32
      %lt3A_106 = arith.cmpi slt, %rem3A_102, %lt3A_105 : i32
      %lt3A_107 = arith.constant 0 : i32
      %lt3A_108 = arith.cmpi slt, %select_n3A_101, %lt3A_107 : i32
      %ne3A_109 = arith.xori %lt3A_106, %lt3A_108 : i1
      %and3A_110 = arith.andi %ne3A_109, %ne3A_104 : i1
      %add3A_111 = arith.addi %rem3A_102, %select_n3A_101 : i32
      %select_n3A_112 = arith.select %and3A_110, %add3A_111, %rem3A_102 : i32
      %broadcast_in_dim3A = arith.constant 0.000000e+00 : f32
      %broadcast_in_dim3A_113 = vector.broadcast %broadcast_in_dim3A : f32 to vector<16xf32>
      %mul3A_114 = arith.constant 16 : i32
      %mul3A_115 = arith.muli %select_n3A_112, %mul3A_114 : i32
      %swap3A = arith.index_cast %select_n3A_96 : i32 to index
      %swap3A_116 = arith.index_cast %mul3A_115 : i32 to index
      %swap3A_117 = tpu.vector_load %arg8[%swap3A, %swap3A_116] {strides = array<i32>} : memref<16x128xf32, #tpu.memory_space<vmem>>, vector<1x16xf32>,
      %swap3A_118 = vector.shape_cast %swap3A_117 : vector<1x16xf32> to vector<16xf32>
      %swap3A_119 = vector.shape_cast %broadcast_in_dim3A_113 : vector<16xf32> to vector<1x16xf32>
      tpu.vector_store %arg8[%swap3A, %swap3A_116], %swap3A_119 {strides = array<i32>} : memref<16x128xf32, #tpu.memory_space<vmem>>, vector<1x16xf32>,
      %scan3A_120 = arith.constant 0 : i32
      scf.yield %scan3A_120 : i32
    }
    %scan3A_10 = arith.constant 128 : i32
    %mul3A_11 = arith.constant 624 : i32
    %mul3A_12 = arith.muli %arg1, %mul3A_11 : i32
    %eq3A_13 = arith.constant 15 : i32
    %eq3A_14 = arith.cmpi eq, %arg1, %eq3A_13 : i32
    %jit3A_15 = arith.constant 640 : i32
    %jit3A_16 = arith.constant 624 : i32
    %select_n3A_17 = arith.select %eq3A_14, %jit3A_15, %jit3A_16 : i32
    %jit3A_18 = arith.constant 16 : i32
    %div3A = arith.divsi %select_n3A_17, %jit3A_18 : i32
    %sign3A = arith.constant 0 : i32
    %sign3A_19 = arith.cmpi sgt, %select_n3A_17, %sign3A : i32
    %sign3A_20 = arith.extui %sign3A_19 : i1 to i32
    %sign3A_21 = arith.constant 0 : i32
    %sign3A_22 = arith.cmpi slt, %select_n3A_17, %sign3A_21 : i32
    %sign3A_23 = arith.extui %sign3A_22 : i1 to i32
    %sign3A_24 = arith.subi %sign3A_20, %sign3A_23 : i32
    %sign3A_25 = arith.constant 0 : i32
    %sign3A_26 = arith.cmpi sgt, %jit3A_18, %sign3A_25 : i32
    %sign3A_27 = arith.extui %sign3A_26 : i1 to i32
    %sign3A_28 = arith.constant 0 : i32
    %sign3A_29 = arith.cmpi slt, %jit3A_18, %sign3A_28 : i32
    %sign3A_30 = arith.extui %sign3A_29 : i1 to i32
    %sign3A_31 = arith.subi %sign3A_27, %sign3A_30 : i32
    %ne3A = arith.cmpi ne, %sign3A_24, %sign3A_31 : i32
    %rem3A = arith.remsi %select_n3A_17, %jit3A_18 : i32
    %ne3A_32 = arith.constant 0 : i32
    %ne3A_33 = arith.cmpi ne, %rem3A, %ne3A_32 : i32
    %and3A = arith.andi %ne3A, %ne3A_33 : i1
    %sub3A = arith.constant 1 : i32
    %sub3A_34 = arith.subi %div3A, %sub3A : i32
    %select_n3A_35 = arith.select %and3A, %sub3A_34, %div3A : i32
    %while3A = arith.constant 0 : i32
    %while3A_36 = arith.constant 0 : i32
    %while3A_37 = arith.subi %select_n3A_35, %while3A : i32
    %while3A_38 = arith.addi %while3A, %while3A_37 : i32
    %while3A_39 = arith.constant 1 : i32
    %while3A_40 = arith.divsi %while3A_37, %while3A_39 : i32
    %while3A_41 = arith.muli %while3A_40, %while3A_39 : i32
    %while3A_42 = arith.addi %while3A, %while3A_41 : i32
    %while3A_43 = arith.constant 1 : i32
    %while3A_44 = scf.for %while3A_71 = %while3A to %while3A_42 step %while3A_43 iter_args(%while3A_72 = %while3A_36) -> (i32)  : i32 {
      %mul3A_73 = arith.constant 16 : i32
      %mul3A_74 = arith.muli %while3A_71, %mul3A_73 : i32
      %add3A_75 = arith.addi %mul3A_12, %mul3A_74 : i32
      "tpu.region"() ({
        %run_scoped3A = tpu.sem_alloc : memref<!tpu.dma_semaphore, #tpu.memory_space<semaphore_mem>>
        %dma_start3A = arith.constant 0 : i32
        %dma_start3A_77 = tpu.memref_slice %arg9[%add3A_75, %dma_start3A] : memref<10000x128xf32, #tpu.memory_space<vmem_shared>> -> memref<16x128xf32, #tpu.memory_space<vmem_shared>>
        %dma_start3A_78 = arith.constant 0 : i32
        %dma_start3A_79 = tpu.memref_slice %arg9[%add3A_75, %dma_start3A_78] : memref<10000x128xf32, #tpu.memory_space<vmem_shared>> -> memref<16x128xf32, #tpu.memory_space<vmem_shared>>
        tpu.enqueue_dma source(%arg8 : memref<16x128xf32, #tpu.memory_space<vmem>>) target(%dma_start3A_79 : memref<16x128xf32, #tpu.memory_space<vmem_shared>>) target_semaphore(%run_scoped3A : memref<!tpu.dma_semaphore, #tpu.memory_space<semaphore_mem>>)
        %dma_wait3A = arith.constant 0 : i32
        %dma_wait3A_80 = tpu.memref_slice %arg9[%add3A_75, %dma_wait3A] : memref<10000x128xf32, #tpu.memory_space<vmem_shared>> -> memref<16x128xf32, #tpu.memory_space<vmem_shared>>
        %dma_wait3A_81 = arith.constant 0 : i32
        %dma_wait3A_82 = tpu.memref_slice %arg9[%add3A_75, %dma_wait3A_81] : memref<10000x128xf32, #tpu.memory_space<vmem_shared>> -> memref<16x128xf32, #tpu.memory_space<vmem_shared>>
        tpu.wait_dma2 semaphore(%run_scoped3A : memref<!tpu.dma_semaphore, #tpu.memory_space<semaphore_mem>>) src(%arg8 : memref<16x128xf32, #tpu.memory_space<vmem>>) dst(%dma_wait3A_82 : memref<16x128xf32, #tpu.memory_space<vmem_shared>>)
        tpu.yield
      }) : () -> ()
      %while3A_76 = arith.constant 0 : i32
      scf.yield %while3A_76 : i32
    }
    %while3A_45 = arith.constant 1 : i32
    %while3A_46 = scf.for %while3A_71 = %while3A_42 to %while3A_38 step %while3A_45 iter_args(%while3A_72 = %while3A_44) -> (i32)  : i32 {
      %mul3A_73 = arith.constant 16 : i32
      %mul3A_74 = arith.muli %while3A_71, %mul3A_73 : i32
      %add3A_75 = arith.addi %mul3A_12, %mul3A_74 : i32
      "tpu.region"() ({
        %run_scoped3A = tpu.sem_alloc : memref<!tpu.dma_semaphore, #tpu.memory_space<semaphore_mem>>
        %dma_start3A = arith.constant 0 : i32
        %dma_start3A_77 = tpu.memref_slice %arg9[%add3A_75, %dma_start3A] : memref<10000x128xf32, #tpu.memory_space<vmem_shared>> -> memref<16x128xf32, #tpu.memory_space<vmem_shared>>
        %dma_start3A_78 = arith.constant 0 : i32
        %dma_start3A_79 = tpu.memref_slice %arg9[%add3A_75, %dma_start3A_78] : memref<10000x128xf32, #tpu.memory_space<vmem_shared>> -> memref<16x128xf32, #tpu.memory_space<vmem_shared>>
        tpu.enqueue_dma source(%arg8 : memref<16x128xf32, #tpu.memory_space<vmem>>) target(%dma_start3A_79 : memref<16x128xf32, #tpu.memory_space<vmem_shared>>) target_semaphore(%run_scoped3A : memref<!tpu.dma_semaphore, #tpu.memory_space<semaphore_mem>>)
        %dma_wait3A = arith.constant 0 : i32
        %dma_wait3A_80 = tpu.memref_slice %arg9[%add3A_75, %dma_wait3A] : memref<10000x128xf32, #tpu.memory_space<vmem_shared>> -> memref<16x128xf32, #tpu.memory_space<vmem_shared>>
        %dma_wait3A_81 = arith.constant 0 : i32
        %dma_wait3A_82 = tpu.memref_slice %arg9[%add3A_75, %dma_wait3A_81] : memref<10000x128xf32, #tpu.memory_space<vmem_shared>> -> memref<16x128xf32, #tpu.memory_space<vmem_shared>>
        tpu.wait_dma2 semaphore(%run_scoped3A : memref<!tpu.dma_semaphore, #tpu.memory_space<semaphore_mem>>) src(%arg8 : memref<16x128xf32, #tpu.memory_space<vmem>>) dst(%dma_wait3A_82 : memref<16x128xf32, #tpu.memory_space<vmem_shared>>)
        tpu.yield
      }) : () -> ()
      %while3A_76 = arith.constant 0 : i32
      scf.yield %while3A_76 : i32
    }
    %barrier3A = arith.constant 0 : index
    tpu.barrier barrier_id(%barrier3A)
    %ge3A = arith.constant 1 : i32
    %ge3A_47 = arith.cmpi sge, %select_n3A, %ge3A : i32
    %convert_element_type3A = arith.extui %ge3A_47 : i1 to i32
    %cond3A = arith.constant 0 : i32
    %cond3A_48 = arith.cmpi ne, %convert_element_type3A, %cond3A : i32
    scf.if %cond3A_48 {
      %mul3A_71 = arith.constant 128 : i32
      %mul3A_72 = arith.muli %mul3A_2, %mul3A_71 : i32
      %dma_start3A = arith.constant 0 : i32
      %dma_start3A_73 = tpu.memref_slice %arg2[%mul3A_72, %dma_start3A] : memref<160000x128xf32, #tpu.memory_space<hbm>> -> memref<128x128xf32, #tpu.memory_space<hbm>>
      %dma_start3A_74 = arith.constant 0 : i32
      %dma_start3A_75 = tpu.memref_slice %arg2[%mul3A_72, %dma_start3A_74] : memref<160000x128xf32, #tpu.memory_space<hbm>> -> memref<128x128xf32, #tpu.memory_space<hbm>>
      tpu.enqueue_dma source(%dma_start3A_75 : memref<128x128xf32, #tpu.memory_space<hbm>>) target(%arg6 : memref<128x128xf32, #tpu.memory_space<vmem>>) target_semaphore(%arg10 : memref<!tpu.dma_semaphore, #tpu.memory_space<semaphore_mem>>)
    } else {
    }
    %while3A_49 = arith.constant 0 : i32
    %while3A_50 = arith.constant 0 : i32
    %while3A_51 = arith.subi %select_n3A, %while3A_49 : i32
    %while3A_52 = arith.addi %while3A_49, %while3A_51 : i32
    %while3A_53 = arith.constant 1 : i32
    %while3A_54 = arith.divsi %while3A_51, %while3A_53 : i32
    %while3A_55 = arith.muli %while3A_54, %while3A_53 : i32
    %while3A_56 = arith.addi %while3A_49, %while3A_55 : i32
    %while3A_57 = arith.constant 1 : i32
    %while3A_58 = scf.for %while3A_71 = %while3A_49 to %while3A_56 step %while3A_57 iter_args(%while3A_72 = %while3A_50) -> (i32)  : i32 {
      %jit3A_73 = arith.constant 2 : i32
      %eq3A_74 = arith.constant 0 : i32
      %eq3A_75 = arith.cmpi eq, %jit3A_73, %eq3A_74 : i32
      %jit3A_76 = arith.constant 1 : i32
      %select_n3A_77 = arith.select %eq3A_75, %jit3A_76, %jit3A_73 : i32
      %rem3A_78 = arith.remsi %while3A_71, %select_n3A_77 : i32
      %ne3A_79 = arith.constant 0 : i32
      %ne3A_80 = arith.cmpi ne, %rem3A_78, %ne3A_79 : i32
      %lt3A_81 = arith.constant 0 : i32
      %lt3A_82 = arith.cmpi slt, %rem3A_78, %lt3A_81 : i32
      %lt3A_83 = arith.constant 0 : i32
      %lt3A_84 = arith.cmpi slt, %select_n3A_77, %lt3A_83 : i32
      %ne3A_85 = arith.xori %lt3A_82, %lt3A_84 : i1
      %and3A_86 = arith.andi %ne3A_85, %ne3A_80 : i1
      %add3A_87 = arith.addi %rem3A_78, %select_n3A_77 : i32
      %select_n3A_88 = arith.select %and3A_86, %add3A_87, %rem3A_78 : i32
      %eq3A_89 = arith.constant 0 : i32
      %eq3A_90 = arith.cmpi eq, %select_n3A_88, %eq3A_89 : i32
      %convert_element_type3A_91 = arith.extui %eq3A_90 : i1 to i32
      %cond3A_92 = arith.constant 0 : i32
      %cond3A_93 = arith.cmpi ne, %convert_element_type3A_91, %cond3A_92 : i32
      scf.if %cond3A_93 {
        %add3A_116 = arith.constant 1 : i32
        %add3A_117 = arith.addi %while3A_71, %add3A_116 : i32
        %lt3A_118 = arith.cmpi slt, %add3A_117, %select_n3A : i32
        %convert_element_type3A_119 = arith.extui %lt3A_118 : i1 to i32
        %cond3A_120 = arith.constant 0 : i32
        %cond3A_121 = arith.cmpi ne, %convert_element_type3A_119, %cond3A_120 : i32
        scf.if %cond3A_121 {
          %add3A_127 = arith.addi %mul3A_2, %while3A_71 : i32
          %add3A_128 = arith.constant 1 : i32
          %add3A_129 = arith.addi %add3A_127, %add3A_128 : i32
          %mul3A_130 = arith.constant 128 : i32
          %mul3A_131 = arith.muli %add3A_129, %mul3A_130 : i32
          %dma_start3A = arith.constant 0 : i32
          %dma_start3A_132 = tpu.memref_slice %arg2[%mul3A_131, %dma_start3A] : memref<160000x128xf32, #tpu.memory_space<hbm>> -> memref<128x128xf32, #tpu.memory_space<hbm>>
          %dma_start3A_133 = arith.constant 0 : i32
          %dma_start3A_134 = tpu.memref_slice %arg2[%mul3A_131, %dma_start3A_133] : memref<160000x128xf32, #tpu.memory_space<hbm>> -> memref<128x128xf32, #tpu.memory_space<hbm>>
          tpu.enqueue_dma source(%dma_start3A_134 : memref<128x128xf32, #tpu.memory_space<hbm>>) target(%arg7 : memref<128x128xf32, #tpu.memory_space<vmem>>) target_semaphore(%arg11 : memref<!tpu.dma_semaphore, #tpu.memory_space<semaphore_mem>>)
        } else {
        }
        %dma_wait3A = arith.constant 0 : i32
        %dma_wait3A_122 = arith.constant 0 : i32
        %dma_wait3A_123 = tpu.memref_slice %arg2[%dma_wait3A, %dma_wait3A_122] : memref<160000x128xf32, #tpu.memory_space<hbm>> -> memref<128x128xf32, #tpu.memory_space<hbm>>
        %dma_wait3A_124 = arith.constant 0 : i32
        %dma_wait3A_125 = arith.constant 0 : i32
        %dma_wait3A_126 = tpu.memref_slice %arg2[%dma_wait3A_124, %dma_wait3A_125] : memref<160000x128xf32, #tpu.memory_space<hbm>> -> memref<128x128xf32, #tpu.memory_space<hbm>>
        tpu.wait_dma2 semaphore(%arg10 : memref<!tpu.dma_semaphore, #tpu.memory_space<semaphore_mem>>) src(%dma_wait3A_126 : memref<128x128xf32, #tpu.memory_space<hbm>>) dst(%arg6 : memref<128x128xf32, #tpu.memory_space<vmem>>)
        "tpu.region"() ({
          %run_scoped3A = tpu.sem_alloc : memref<!tpu.dma_semaphore, #tpu.memory_space<semaphore_mem>>
          %dma_start3A = arith.constant 0 : i32
          %dma_start3A_127 = tpu.memref_slice %arg5[%while3A_71, %dma_start3A] : memref<40x128xi32, #tpu.memory_space<vmem>> -> memref<1x128xi32, #tpu.memory_space<vmem>>
          %dma_start3A_128 = tpu.memref_squeeze %dma_start3A_127 : memref<1x128xi32, #tpu.memory_space<vmem>> -> memref<128xi32, #tpu.memory_space<vmem>>
          %dma_start3A_129 = arith.constant 0 : i32
          %dma_start3A_130 = arith.constant 0 : i32
          %dma_start3A_131 = tpu.memref_slice %arg9[%dma_start3A_129, %dma_start3A_130] : memref<10000x128xf32, #tpu.memory_space<vmem_shared>> -> memref<10000x128xf32, #tpu.memory_space<vmem_shared>>
          tpu.enqueue_indirect_dma source(%arg6 : memref<128x128xf32, #tpu.memory_space<vmem>>) target(%dma_start3A_131 : memref<10000x128xf32, #tpu.memory_space<vmem_shared>>) offsets(%dma_start3A_128 : memref<128xi32, #tpu.memory_space<vmem>>) semaphore(%run_scoped3A : memref<!tpu.dma_semaphore, #tpu.memory_space<semaphore_mem>>) {add = true}
          %dma_wait3A_132 = arith.constant 0 : i32
          %dma_wait3A_133 = tpu.memref_slice %arg5[%while3A_71, %dma_wait3A_132] : memref<40x128xi32, #tpu.memory_space<vmem>> -> memref<1x128xi32, #tpu.memory_space<vmem>>
          %dma_wait3A_134 = tpu.memref_squeeze %dma_wait3A_133 : memref<1x128xi32, #tpu.memory_space<vmem>> -> memref<128xi32, #tpu.memory_space<vmem>>
          %dma_wait3A_135 = arith.constant 0 : i32
          %dma_wait3A_136 = arith.constant 0 : i32
          %dma_wait3A_137 = tpu.memref_slice %arg9[%dma_wait3A_135, %dma_wait3A_136] : memref<10000x128xf32, #tpu.memory_space<vmem_shared>> -> memref<10000x128xf32, #tpu.memory_space<vmem_shared>>
          tpu.wait_indirect_dma semaphore(%run_scoped3A : memref<!tpu.dma_semaphore, #tpu.memory_space<semaphore_mem>>) src(%arg6 : memref<128x128xf32, #tpu.memory_space<vmem>>) dst(%dma_wait3A_137 : memref<10000x128xf32, #tpu.memory_space<vmem_shared>>)
          tpu.yield
        }) : () -> ()
      } else {
      }
      %jit3A_94 = arith.constant 2 : i32
      %eq3A_95 = arith.constant 0 : i32
      %eq3A_96 = arith.cmpi eq, %jit3A_94, %eq3A_95 : i32
      %jit3A_97 = arith.constant 1 : i32
      %select_n3A_98 = arith.select %eq3A_96, %jit3A_97, %jit3A_94 : i32
      %rem3A_99 = arith.remsi %while3A_71, %select_n3A_98 : i32
      %ne3A_100 = arith.constant 0 : i32
      %ne3A_101 = arith.cmpi ne, %rem3A_99, %ne3A_100 : i32
      %lt3A_102 = arith.constant 0 : i32
      %lt3A_103 = arith.cmpi slt, %rem3A_99, %lt3A_102 : i32
      %lt3A_104 = arith.constant 0 : i32
      %lt3A_105 = arith.cmpi slt, %select_n3A_98, %lt3A_104 : i32
      %ne3A_106 = arith.xori %lt3A_103, %lt3A_105 : i1
      %and3A_107 = arith.andi %ne3A_106, %ne3A_101 : i1
      %add3A_108 = arith.addi %rem3A_99, %select_n3A_98 : i32
      %select_n3A_109 = arith.select %and3A_107, %add3A_108, %rem3A_99 : i32
      %eq3A_110 = arith.constant 1 : i32
      %eq3A_111 = arith.cmpi eq, %select_n3A_109, %eq3A_110 : i32
      %convert_element_type3A_112 = arith.extui %eq3A_111 : i1 to i32
      %cond3A_113 = arith.constant 0 : i32
      %cond3A_114 = arith.cmpi ne, %convert_element_type3A_112, %cond3A_113 : i32
      scf.if %cond3A_114 {
        %add3A_116 = arith.constant 1 : i32
        %add3A_117 = arith.addi %while3A_71, %add3A_116 : i32
        %lt3A_118 = arith.cmpi slt, %add3A_117, %select_n3A : i32
        %convert_element_type3A_119 = arith.extui %lt3A_118 : i1 to i32
        %cond3A_120 = arith.constant 0 : i32
        %cond3A_121 = arith.cmpi ne, %convert_element_type3A_119, %cond3A_120 : i32
        scf.if %cond3A_121 {
          %add3A_127 = arith.addi %mul3A_2, %while3A_71 : i32
          %add3A_128 = arith.constant 1 : i32
          %add3A_129 = arith.addi %add3A_127, %add3A_128 : i32
          %mul3A_130 = arith.constant 128 : i32
          %mul3A_131 = arith.muli %add3A_129, %mul3A_130 : i32
          %dma_start3A = arith.constant 0 : i32
          %dma_start3A_132 = tpu.memref_slice %arg2[%mul3A_131, %dma_start3A] : memref<160000x128xf32, #tpu.memory_space<hbm>> -> memref<128x128xf32, #tpu.memory_space<hbm>>
          %dma_start3A_133 = arith.constant 0 : i32
          %dma_start3A_134 = tpu.memref_slice %arg2[%mul3A_131, %dma_start3A_133] : memref<160000x128xf32, #tpu.memory_space<hbm>> -> memref<128x128xf32, #tpu.memory_space<hbm>>
          tpu.enqueue_dma source(%dma_start3A_134 : memref<128x128xf32, #tpu.memory_space<hbm>>) target(%arg6 : memref<128x128xf32, #tpu.memory_space<vmem>>) target_semaphore(%arg10 : memref<!tpu.dma_semaphore, #tpu.memory_space<semaphore_mem>>)
        } else {
        }
        %dma_wait3A = arith.constant 0 : i32
        %dma_wait3A_122 = arith.constant 0 : i32
        %dma_wait3A_123 = tpu.memref_slice %arg2[%dma_wait3A, %dma_wait3A_122] : memref<160000x128xf32, #tpu.memory_space<hbm>> -> memref<128x128xf32, #tpu.memory_space<hbm>>
        %dma_wait3A_124 = arith.constant 0 : i32
        %dma_wait3A_125 = arith.constant 0 : i32
        %dma_wait3A_126 = tpu.memref_slice %arg2[%dma_wait3A_124, %dma_wait3A_125] : memref<160000x128xf32, #tpu.memory_space<hbm>> -> memref<128x128xf32, #tpu.memory_space<hbm>>
        tpu.wait_dma2 semaphore(%arg11 : memref<!tpu.dma_semaphore, #tpu.memory_space<semaphore_mem>>) src(%dma_wait3A_126 : memref<128x128xf32, #tpu.memory_space<hbm>>) dst(%arg7 : memref<128x128xf32, #tpu.memory_space<vmem>>)
        "tpu.region"() ({
          %run_scoped3A = tpu.sem_alloc : memref<!tpu.dma_semaphore, #tpu.memory_space<semaphore_mem>>
          %dma_start3A = arith.constant 0 : i32
          %dma_start3A_127 = tpu.memref_slice %arg5[%while3A_71, %dma_start3A] : memref<40x128xi32, #tpu.memory_space<vmem>> -> memref<1x128xi32, #tpu.memory_space<vmem>>
          %dma_start3A_128 = tpu.memref_squeeze %dma_start3A_127 : memref<1x128xi32, #tpu.memory_space<vmem>> -> memref<128xi32, #tpu.memory_space<vmem>>
          %dma_start3A_129 = arith.constant 0 : i32
          %dma_start3A_130 = arith.constant 0 : i32
          %dma_start3A_131 = tpu.memref_slice %arg9[%dma_start3A_129, %dma_start3A_130] : memref<10000x128xf32, #tpu.memory_space<vmem_shared>> -> memref<10000x128xf32, #tpu.memory_space<vmem_shared>>
          tpu.enqueue_indirect_dma source(%arg7 : memref<128x128xf32, #tpu.memory_space<vmem>>) target(%dma_start3A_131 : memref<10000x128xf32, #tpu.memory_space<vmem_shared>>) offsets(%dma_start3A_128 : memref<128xi32, #tpu.memory_space<vmem>>) semaphore(%run_scoped3A : memref<!tpu.dma_semaphore, #tpu.memory_space<semaphore_mem>>) {add = true}
          %dma_wait3A_132 = arith.constant 0 : i32
          %dma_wait3A_133 = tpu.memref_slice %arg5[%while3A_71, %dma_wait3A_132] : memref<40x128xi32, #tpu.memory_space<vmem>> -> memref<1x128xi32, #tpu.memory_space<vmem>>
          %dma_wait3A_134 = tpu.memref_squeeze %dma_wait3A_133 : memref<1x128xi32, #tpu.memory_space<vmem>> -> memref<128xi32, #tpu.memory_space<vmem>>
          %dma_wait3A_135 = arith.constant 0 : i32
          %dma_wait3A_136 = arith.constant 0 : i32
          %dma_wait3A_137 = tpu.memref_slice %arg9[%dma_wait3A_135, %dma_wait3A_136] : memref<10000x128xf32, #tpu.memory_space<vmem_shared>> -> memref<10000x128xf32, #tpu.memory_space<vmem_shared>>
          tpu.wait_indirect_dma semaphore(%run_scoped3A : memref<!tpu.dma_semaphore, #tpu.memory_space<semaphore_mem>>) src(%arg7 : memref<128x128xf32, #tpu.memory_space<vmem>>) dst(%dma_wait3A_137 : memref<10000x128xf32, #tpu.memory_space<vmem_shared>>)
          tpu.yield
        }) : () -> ()
      } else {
      }
      %while3A_115 = arith.constant 0 : i32
      scf.yield %while3A_115 : i32
    }
    %while3A_59 = arith.constant 1 : i32
    %while3A_60 = scf.for %while3A_71 = %while3A_56 to %while3A_52 step %while3A_59 iter_args(%while3A_72 = %while3A_58) -> (i32)  : i32 {
      %jit3A_73 = arith.constant 2 : i32
      %eq3A_74 = arith.constant 0 : i32
      %eq3A_75 = arith.cmpi eq, %jit3A_73, %eq3A_74 : i32
      %jit3A_76 = arith.constant 1 : i32
      %select_n3A_77 = arith.select %eq3A_75, %jit3A_76, %jit3A_73 : i32
      %rem3A_78 = arith.remsi %while3A_71, %select_n3A_77 : i32
      %ne3A_79 = arith.constant 0 : i32
      %ne3A_80 = arith.cmpi ne, %rem3A_78, %ne3A_79 : i32
      %lt3A_81 = arith.constant 0 : i32
      %lt3A_82 = arith.cmpi slt, %rem3A_78, %lt3A_81 : i32
      %lt3A_83 = arith.constant 0 : i32
      %lt3A_84 = arith.cmpi slt, %select_n3A_77, %lt3A_83 : i32
      %ne3A_85 = arith.xori %lt3A_82, %lt3A_84 : i1
      %and3A_86 = arith.andi %ne3A_85, %ne3A_80 : i1
      %add3A_87 = arith.addi %rem3A_78, %select_n3A_77 : i32
      %select_n3A_88 = arith.select %and3A_86, %add3A_87, %rem3A_78 : i32
      %eq3A_89 = arith.constant 0 : i32
      %eq3A_90 = arith.cmpi eq, %select_n3A_88, %eq3A_89 : i32
      %convert_element_type3A_91 = arith.extui %eq3A_90 : i1 to i32
      %cond3A_92 = arith.constant 0 : i32
      %cond3A_93 = arith.cmpi ne, %convert_element_type3A_91, %cond3A_92 : i32
      scf.if %cond3A_93 {
        %add3A_116 = arith.constant 1 : i32
        %add3A_117 = arith.addi %while3A_71, %add3A_116 : i32
        %lt3A_118 = arith.cmpi slt, %add3A_117, %select_n3A : i32
        %convert_element_type3A_119 = arith.extui %lt3A_118 : i1 to i32
        %cond3A_120 = arith.constant 0 : i32
        %cond3A_121 = arith.cmpi ne, %convert_element_type3A_119, %cond3A_120 : i32
        scf.if %cond3A_121 {
          %add3A_127 = arith.addi %mul3A_2, %while3A_71 : i32
          %add3A_128 = arith.constant 1 : i32
          %add3A_129 = arith.addi %add3A_127, %add3A_128 : i32
          %mul3A_130 = arith.constant 128 : i32
          %mul3A_131 = arith.muli %add3A_129, %mul3A_130 : i32
          %dma_start3A = arith.constant 0 : i32
          %dma_start3A_132 = tpu.memref_slice %arg2[%mul3A_131, %dma_start3A] : memref<160000x128xf32, #tpu.memory_space<hbm>> -> memref<128x128xf32, #tpu.memory_space<hbm>>
          %dma_start3A_133 = arith.constant 0 : i32
          %dma_start3A_134 = tpu.memref_slice %arg2[%mul3A_131, %dma_start3A_133] : memref<160000x128xf32, #tpu.memory_space<hbm>> -> memref<128x128xf32, #tpu.memory_space<hbm>>
          tpu.enqueue_dma source(%dma_start3A_134 : memref<128x128xf32, #tpu.memory_space<hbm>>) target(%arg7 : memref<128x128xf32, #tpu.memory_space<vmem>>) target_semaphore(%arg11 : memref<!tpu.dma_semaphore, #tpu.memory_space<semaphore_mem>>)
        } else {
        }
        %dma_wait3A = arith.constant 0 : i32
        %dma_wait3A_122 = arith.constant 0 : i32
        %dma_wait3A_123 = tpu.memref_slice %arg2[%dma_wait3A, %dma_wait3A_122] : memref<160000x128xf32, #tpu.memory_space<hbm>> -> memref<128x128xf32, #tpu.memory_space<hbm>>
        %dma_wait3A_124 = arith.constant 0 : i32
        %dma_wait3A_125 = arith.constant 0 : i32
        %dma_wait3A_126 = tpu.memref_slice %arg2[%dma_wait3A_124, %dma_wait3A_125] : memref<160000x128xf32, #tpu.memory_space<hbm>> -> memref<128x128xf32, #tpu.memory_space<hbm>>
        tpu.wait_dma2 semaphore(%arg10 : memref<!tpu.dma_semaphore, #tpu.memory_space<semaphore_mem>>) src(%dma_wait3A_126 : memref<128x128xf32, #tpu.memory_space<hbm>>) dst(%arg6 : memref<128x128xf32, #tpu.memory_space<vmem>>)
        "tpu.region"() ({
          %run_scoped3A = tpu.sem_alloc : memref<!tpu.dma_semaphore, #tpu.memory_space<semaphore_mem>>
          %dma_start3A = arith.constant 0 : i32
          %dma_start3A_127 = tpu.memref_slice %arg5[%while3A_71, %dma_start3A] : memref<40x128xi32, #tpu.memory_space<vmem>> -> memref<1x128xi32, #tpu.memory_space<vmem>>
          %dma_start3A_128 = tpu.memref_squeeze %dma_start3A_127 : memref<1x128xi32, #tpu.memory_space<vmem>> -> memref<128xi32, #tpu.memory_space<vmem>>
          %dma_start3A_129 = arith.constant 0 : i32
          %dma_start3A_130 = arith.constant 0 : i32
          %dma_start3A_131 = tpu.memref_slice %arg9[%dma_start3A_129, %dma_start3A_130] : memref<10000x128xf32, #tpu.memory_space<vmem_shared>> -> memref<10000x128xf32, #tpu.memory_space<vmem_shared>>
          tpu.enqueue_indirect_dma source(%arg6 : memref<128x128xf32, #tpu.memory_space<vmem>>) target(%dma_start3A_131 : memref<10000x128xf32, #tpu.memory_space<vmem_shared>>) offsets(%dma_start3A_128 : memref<128xi32, #tpu.memory_space<vmem>>) semaphore(%run_scoped3A : memref<!tpu.dma_semaphore, #tpu.memory_space<semaphore_mem>>) {add = true}
          %dma_wait3A_132 = arith.constant 0 : i32
          %dma_wait3A_133 = tpu.memref_slice %arg5[%while3A_71, %dma_wait3A_132] : memref<40x128xi32, #tpu.memory_space<vmem>> -> memref<1x128xi32, #tpu.memory_space<vmem>>
          %dma_wait3A_134 = tpu.memref_squeeze %dma_wait3A_133 : memref<1x128xi32, #tpu.memory_space<vmem>> -> memref<128xi32, #tpu.memory_space<vmem>>
          %dma_wait3A_135 = arith.constant 0 : i32
          %dma_wait3A_136 = arith.constant 0 : i32
          %dma_wait3A_137 = tpu.memref_slice %arg9[%dma_wait3A_135, %dma_wait3A_136] : memref<10000x128xf32, #tpu.memory_space<vmem_shared>> -> memref<10000x128xf32, #tpu.memory_space<vmem_shared>>
          tpu.wait_indirect_dma semaphore(%run_scoped3A : memref<!tpu.dma_semaphore, #tpu.memory_space<semaphore_mem>>) src(%arg6 : memref<128x128xf32, #tpu.memory_space<vmem>>) dst(%dma_wait3A_137 : memref<10000x128xf32, #tpu.memory_space<vmem_shared>>)
          tpu.yield
        }) : () -> ()
      } else {
      }
      %jit3A_94 = arith.constant 2 : i32
      %eq3A_95 = arith.constant 0 : i32
      %eq3A_96 = arith.cmpi eq, %jit3A_94, %eq3A_95 : i32
      %jit3A_97 = arith.constant 1 : i32
      %select_n3A_98 = arith.select %eq3A_96, %jit3A_97, %jit3A_94 : i32
      %rem3A_99 = arith.remsi %while3A_71, %select_n3A_98 : i32
      %ne3A_100 = arith.constant 0 : i32
      %ne3A_101 = arith.cmpi ne, %rem3A_99, %ne3A_100 : i32
      %lt3A_102 = arith.constant 0 : i32
      %lt3A_103 = arith.cmpi slt, %rem3A_99, %lt3A_102 : i32
      %lt3A_104 = arith.constant 0 : i32
      %lt3A_105 = arith.cmpi slt, %select_n3A_98, %lt3A_104 : i32
      %ne3A_106 = arith.xori %lt3A_103, %lt3A_105 : i1
      %and3A_107 = arith.andi %ne3A_106, %ne3A_101 : i1
      %add3A_108 = arith.addi %rem3A_99, %select_n3A_98 : i32
      %select_n3A_109 = arith.select %and3A_107, %add3A_108, %rem3A_99 : i32
      %eq3A_110 = arith.constant 1 : i32
      %eq3A_111 = arith.cmpi eq, %select_n3A_109, %eq3A_110 : i32
      %convert_element_type3A_112 = arith.extui %eq3A_111 : i1 to i32
      %cond3A_113 = arith.constant 0 : i32
      %cond3A_114 = arith.cmpi ne, %convert_element_type3A_112, %cond3A_113 : i32
      scf.if %cond3A_114 {
        %add3A_116 = arith.constant 1 : i32
        %add3A_117 = arith.addi %while3A_71, %add3A_116 : i32
        %lt3A_118 = arith.cmpi slt, %add3A_117, %select_n3A : i32
        %convert_element_type3A_119 = arith.extui %lt3A_118 : i1 to i32
        %cond3A_120 = arith.constant 0 : i32
        %cond3A_121 = arith.cmpi ne, %convert_element_type3A_119, %cond3A_120 : i32
        scf.if %cond3A_121 {
          %add3A_127 = arith.addi %mul3A_2, %while3A_71 : i32
          %add3A_128 = arith.constant 1 : i32
          %add3A_129 = arith.addi %add3A_127, %add3A_128 : i32
          %mul3A_130 = arith.constant 128 : i32
          %mul3A_131 = arith.muli %add3A_129, %mul3A_130 : i32
          %dma_start3A = arith.constant 0 : i32
          %dma_start3A_132 = tpu.memref_slice %arg2[%mul3A_131, %dma_start3A] : memref<160000x128xf32, #tpu.memory_space<hbm>> -> memref<128x128xf32, #tpu.memory_space<hbm>>
          %dma_start3A_133 = arith.constant 0 : i32
          %dma_start3A_134 = tpu.memref_slice %arg2[%mul3A_131, %dma_start3A_133] : memref<160000x128xf32, #tpu.memory_space<hbm>> -> memref<128x128xf32, #tpu.memory_space<hbm>>
          tpu.enqueue_dma source(%dma_start3A_134 : memref<128x128xf32, #tpu.memory_space<hbm>>) target(%arg6 : memref<128x128xf32, #tpu.memory_space<vmem>>) target_semaphore(%arg10 : memref<!tpu.dma_semaphore, #tpu.memory_space<semaphore_mem>>)
        } else {
        }
        %dma_wait3A = arith.constant 0 : i32
        %dma_wait3A_122 = arith.constant 0 : i32
        %dma_wait3A_123 = tpu.memref_slice %arg2[%dma_wait3A, %dma_wait3A_122] : memref<160000x128xf32, #tpu.memory_space<hbm>> -> memref<128x128xf32, #tpu.memory_space<hbm>>
        %dma_wait3A_124 = arith.constant 0 : i32
        %dma_wait3A_125 = arith.constant 0 : i32
        %dma_wait3A_126 = tpu.memref_slice %arg2[%dma_wait3A_124, %dma_wait3A_125] : memref<160000x128xf32, #tpu.memory_space<hbm>> -> memref<128x128xf32, #tpu.memory_space<hbm>>
        tpu.wait_dma2 semaphore(%arg11 : memref<!tpu.dma_semaphore, #tpu.memory_space<semaphore_mem>>) src(%dma_wait3A_126 : memref<128x128xf32, #tpu.memory_space<hbm>>) dst(%arg7 : memref<128x128xf32, #tpu.memory_space<vmem>>)
        "tpu.region"() ({
          %run_scoped3A = tpu.sem_alloc : memref<!tpu.dma_semaphore, #tpu.memory_space<semaphore_mem>>
          %dma_start3A = arith.constant 0 : i32
          %dma_start3A_127 = tpu.memref_slice %arg5[%while3A_71, %dma_start3A] : memref<40x128xi32, #tpu.memory_space<vmem>> -> memref<1x128xi32, #tpu.memory_space<vmem>>
          %dma_start3A_128 = tpu.memref_squeeze %dma_start3A_127 : memref<1x128xi32, #tpu.memory_space<vmem>> -> memref<128xi32, #tpu.memory_space<vmem>>
          %dma_start3A_129 = arith.constant 0 : i32
          %dma_start3A_130 = arith.constant 0 : i32
          %dma_start3A_131 = tpu.memref_slice %arg9[%dma_start3A_129, %dma_start3A_130] : memref<10000x128xf32, #tpu.memory_space<vmem_shared>> -> memref<10000x128xf32, #tpu.memory_space<vmem_shared>>
          tpu.enqueue_indirect_dma source(%arg7 : memref<128x128xf32, #tpu.memory_space<vmem>>) target(%dma_start3A_131 : memref<10000x128xf32, #tpu.memory_space<vmem_shared>>) offsets(%dma_start3A_128 : memref<128xi32, #tpu.memory_space<vmem>>) semaphore(%run_scoped3A : memref<!tpu.dma_semaphore, #tpu.memory_space<semaphore_mem>>) {add = true}
          %dma_wait3A_132 = arith.constant 0 : i32
          %dma_wait3A_133 = tpu.memref_slice %arg5[%while3A_71, %dma_wait3A_132] : memref<40x128xi32, #tpu.memory_space<vmem>> -> memref<1x128xi32, #tpu.memory_space<vmem>>
          %dma_wait3A_134 = tpu.memref_squeeze %dma_wait3A_133 : memref<1x128xi32, #tpu.memory_space<vmem>> -> memref<128xi32, #tpu.memory_space<vmem>>
          %dma_wait3A_135 = arith.constant 0 : i32
          %dma_wait3A_136 = arith.constant 0 : i32
          %dma_wait3A_137 = tpu.memref_slice %arg9[%dma_wait3A_135, %dma_wait3A_136] : memref<10000x128xf32, #tpu.memory_space<vmem_shared>> -> memref<10000x128xf32, #tpu.memory_space<vmem_shared>>
          tpu.wait_indirect_dma semaphore(%run_scoped3A : memref<!tpu.dma_semaphore, #tpu.memory_space<semaphore_mem>>) src(%arg7 : memref<128x128xf32, #tpu.memory_space<vmem>>) dst(%dma_wait3A_137 : memref<10000x128xf32, #tpu.memory_space<vmem_shared>>)
          tpu.yield
        }) : () -> ()
      } else {
      }
      %while3A_115 = arith.constant 0 : i32
      scf.yield %while3A_115 : i32
    }
    %barrier3A_61 = arith.constant 0 : index
    tpu.barrier barrier_id(%barrier3A_61)
    %lt3A = arith.constant 15 : i32
    %lt3A_62 = arith.cmpi slt, %arg1, %lt3A : i32
    %convert_element_type3A_63 = arith.extui %lt3A_62 : i1 to i32
    %cond3A_64 = arith.constant 0 : i32
    %cond3A_65 = arith.cmpi ne, %convert_element_type3A_63, %cond3A_64 : i32
    scf.if %cond3A_65 {
      %mul3A_71 = arith.constant 624 : i32
      %mul3A_72 = arith.muli %arg1, %mul3A_71 : i32
      %mul3A_73 = arith.constant 624 : i32
      %mul3A_74 = arith.muli %arg1, %mul3A_73 : i32
      "tpu.region"() ({
        %run_scoped3A = tpu.sem_alloc : memref<!tpu.dma_semaphore, #tpu.memory_space<semaphore_mem>>
        %dma_start3A = arith.constant 0 : i32
        %dma_start3A_75 = tpu.memref_slice %arg4[%arg0, %mul3A_74, %dma_start3A] : memref<2x10000x128xf32, #tpu.memory_space<hbm>> -> memref<1x624x128xf32, #tpu.memory_space<hbm>>
        %dma_start3A_76 = tpu.memref_squeeze %dma_start3A_75 : memref<1x624x128xf32, #tpu.memory_space<hbm>> -> memref<624x128xf32, #tpu.memory_space<hbm>>
        %dma_start3A_77 = arith.constant 0 : i32
        %dma_start3A_78 = tpu.memref_slice %arg9[%mul3A_72, %dma_start3A_77] : memref<10000x128xf32, #tpu.memory_space<vmem_shared>> -> memref<624x128xf32, #tpu.memory_space<vmem_shared>>
        tpu.enqueue_dma source(%dma_start3A_78 : memref<624x128xf32, #tpu.memory_space<vmem_shared>>) target(%dma_start3A_76 : memref<624x128xf32, #tpu.memory_space<hbm>>) target_semaphore(%run_scoped3A : memref<!tpu.dma_semaphore, #tpu.memory_space<semaphore_mem>>)
        %dma_wait3A = arith.constant 0 : i32
        %dma_wait3A_79 = tpu.memref_slice %arg4[%arg0, %mul3A_74, %dma_wait3A] : memref<2x10000x128xf32, #tpu.memory_space<hbm>> -> memref<1x624x128xf32, #tpu.memory_space<hbm>>
        %dma_wait3A_80 = tpu.memref_squeeze %dma_wait3A_79 : memref<1x624x128xf32, #tpu.memory_space<hbm>> -> memref<624x128xf32, #tpu.memory_space<hbm>>
        %dma_wait3A_81 = arith.constant 0 : i32
        %dma_wait3A_82 = tpu.memref_slice %arg9[%mul3A_72, %dma_wait3A_81] : memref<10000x128xf32, #tpu.memory_space<vmem_shared>> -> memref<624x128xf32, #tpu.memory_space<vmem_shared>>
        tpu.wait_dma2 semaphore(%run_scoped3A : memref<!tpu.dma_semaphore, #tpu.memory_space<semaphore_mem>>) src(%dma_wait3A_82 : memref<624x128xf32, #tpu.memory_space<vmem_shared>>) dst(%dma_wait3A_80 : memref<624x128xf32, #tpu.memory_space<hbm>>)
        tpu.yield
      }) : () -> ()
    } else {
    }
    %eq3A_66 = arith.constant 15 : i32
    %eq3A_67 = arith.cmpi eq, %arg1, %eq3A_66 : i32
    %convert_element_type3A_68 = arith.extui %eq3A_67 : i1 to i32
    %cond3A_69 = arith.constant 0 : i32
    %cond3A_70 = arith.cmpi ne, %convert_element_type3A_68, %cond3A_69 : i32
    scf.if %cond3A_70 {
      "tpu.region"() ({
        %run_scoped3A = tpu.sem_alloc : memref<!tpu.dma_semaphore, #tpu.memory_space<semaphore_mem>>
        %dma_start3A = arith.constant 9360 : i32
        %dma_start3A_71 = arith.constant 0 : i32
        %dma_start3A_72 = tpu.memref_slice %arg4[%arg0, %dma_start3A, %dma_start3A_71] : memref<2x10000x128xf32, #tpu.memory_space<hbm>> -> memref<1x640x128xf32, #tpu.memory_space<hbm>>
        %dma_start3A_73 = tpu.memref_squeeze %dma_start3A_72 : memref<1x640x128xf32, #tpu.memory_space<hbm>> -> memref<640x128xf32, #tpu.memory_space<hbm>>
        %dma_start3A_74 = arith.constant 9360 : i32
        %dma_start3A_75 = arith.constant 0 : i32
        %dma_start3A_76 = tpu.memref_slice %arg9[%dma_start3A_74, %dma_start3A_75] : memref<10000x128xf32, #tpu.memory_space<vmem_shared>> -> memref<640x128xf32, #tpu.memory_space<vmem_shared>>
        tpu.enqueue_dma source(%dma_start3A_76 : memref<640x128xf32, #tpu.memory_space<vmem_shared>>) target(%dma_start3A_73 : memref<640x128xf32, #tpu.memory_space<hbm>>) target_semaphore(%run_scoped3A : memref<!tpu.dma_semaphore, #tpu.memory_space<semaphore_mem>>)
        %dma_wait3A = arith.constant 9360 : i32
        %dma_wait3A_77 = arith.constant 0 : i32
        %dma_wait3A_78 = tpu.memref_slice %arg4[%arg0, %dma_wait3A, %dma_wait3A_77] : memref<2x10000x128xf32, #tpu.memory_space<hbm>> -> memref<1x640x128xf32, #tpu.memory_space<hbm>>
        %dma_wait3A_79 = tpu.memref_squeeze %dma_wait3A_78 : memref<1x640x128xf32, #tpu.memory_space<hbm>> -> memref<640x128xf32, #tpu.memory_space<hbm>>
        %dma_wait3A_80 = arith.constant 9360 : i32
        %dma_wait3A_81 = arith.constant 0 : i32
        %dma_wait3A_82 = tpu.memref_slice %arg9[%dma_wait3A_80, %dma_wait3A_81] : memref<10000x128xf32, #tpu.memory_space<vmem_shared>> -> memref<640x128xf32, #tpu.memory_space<vmem_shared>>
        tpu.wait_dma2 semaphore(%run_scoped3A : memref<!tpu.dma_semaphore, #tpu.memory_space<semaphore_mem>>) src(%dma_wait3A_82 : memref<640x128xf32, #tpu.memory_space<vmem_shared>>) dst(%dma_wait3A_79 : memref<640x128xf32, #tpu.memory_space<hbm>>)
        tpu.yield
      }) : () -> ()
    } else {
    }
    return
  }
}

module attributes {stable_mosaic.version = 14 : i64} {
  func.func @_lin_body(%arg0: i32, %arg1: memref<1000x128xf32, #tpu.memory_space<vmem>>, %arg2: memref<128x128xf32, #tpu.memory_space<vmem>>, %arg3: memref<1x128xf32, #tpu.memory_space<vmem>>, %arg4: memref<1000x128xf32, #tpu.memory_space<vmem>>) attributes {dimension_semantics = [#tpu.dimension_semantics<arbitrary>], iteration_bounds = array<i64: 10>, scalar_prefetch = 0 : i64, scratch_operands = 0 : i64, tpu.core_type = #tpu.core_type<tc>, window_params = [{transform_indices = @transform_0, window_bounds = array<i64: 1000, 128>}, {pipeline_mode = #tpu.pipeline_mode<synchronous>, transform_indices = @transform_1, window_bounds = array<i64: 128, 128>}, {pipeline_mode = #tpu.pipeline_mode<synchronous>, transform_indices = @transform_2, window_bounds = array<i64: 1, 128>}, {transform_indices = @transform_3, window_bounds = array<i64: 1000, 128>}]} {
    %get3A = arith.constant 0 : index
    %get3A_0 = arith.constant 0 : index
    %get3A_1 = vector.load %arg1[%get3A, %get3A_0] : memref<1000x128xf32, #tpu.memory_space<vmem>>, vector<1000x128xf32>
    %get3A_2 = arith.constant 0 : index
    %get3A_3 = arith.constant 0 : index
    %get3A_4 = vector.load %arg2[%get3A_2, %get3A_3] : memref<128x128xf32, #tpu.memory_space<vmem>>, vector<128x128xf32>
    %dot_general3A = arith.constant dense<0.000000e+00> : vector<1000x128xf32>
    %dot_general3A_5 = tpu.matmul %get3A_1, %get3A_4, %dot_general3A {dimension_numbers = #tpu.dot_dimension_numbers<[1], [0], [0], [1], [0, 0, 1, 1], [], []>, transpose_lhs_hint = false} : vector<1000x128xf32>, vector<128x128xf32>, vector<1000x128xf32> -> vector<1000x128xf32>
    %get3A_6 = arith.constant 0 : index
    %get3A_7 = arith.constant 0 : index
    %get3A_8 = vector.load %arg3[%get3A_6, %get3A_7] : memref<1x128xf32, #tpu.memory_space<vmem>>, vector<1x128xf32>
    %add3A = vector.broadcast %get3A_8 : vector<1x128xf32> to vector<1000x128xf32>
    %add3A_9 = arith.addf %dot_general3A_5, %add3A : vector<1000x128xf32>
    %swap3A = arith.constant 0 : index
    %swap3A_10 = arith.constant 0 : index
    %swap3A_11 = vector.load %arg4[%swap3A, %swap3A_10] : memref<1000x128xf32, #tpu.memory_space<vmem>>, vector<1000x128xf32>
    tpu.vector_store %arg4[%swap3A, %swap3A_10], %add3A_9 {strides = array<i32>} : memref<1000x128xf32, #tpu.memory_space<vmem>>, vector<1000x128xf32>,
    return
  }
  func.func @transform_0(%arg0: i32) -> (i32, i32) {
    %c0_i32 = arith.constant 0 : i32
    %c0_i32_0 = arith.constant 0 : i32
    return %arg0, %c0_i32 : i32, i32
  }
  func.func @transform_1(%arg0: i32) -> (i32, i32) {
    %c0_i32 = arith.constant 0 : i32
    %c0_i32_0 = arith.constant 0 : i32
    %c0_i32_1 = arith.constant 0 : i32
    return %c0_i32, %c0_i32_0 : i32, i32
  }
  func.func @transform_2(%arg0: i32) -> (i32, i32) {
    %c0_i32 = arith.constant 0 : i32
    %c0_i32_0 = arith.constant 0 : i32
    %c0_i32_1 = arith.constant 0 : i32
    return %c0_i32, %c0_i32_0 : i32, i32
  }
  func.func @transform_3(%arg0: i32) -> (i32, i32) {
    %c0_i32 = arith.constant 0 : i32
    %c0_i32_0 = arith.constant 0 : i32
    return %arg0, %c0_i32 : i32, i32
  }
}

module attributes {stable_mosaic.version = 14 : i64} {
  func.func @_edge_body(%arg0: i32, %arg1: memref<2000x128xf32, #tpu.memory_space<vmem>>, %arg2: memref<2000x128xf32, #tpu.memory_space<vmem>>, %arg3: memref<2000x16xf32, #tpu.memory_space<vmem>>, %arg4: memref<2000x1xf32, #tpu.memory_space<vmem>>, %arg5: memref<128x128xf32, #tpu.memory_space<vmem>>, %arg6: memref<128x128xf32, #tpu.memory_space<vmem>>, %arg7: memref<16x128xf32, #tpu.memory_space<vmem>>, %arg8: memref<1x128xf32, #tpu.memory_space<vmem>>, %arg9: memref<1x128xf32, #tpu.memory_space<vmem>>, %arg10: memref<1x1xf32, #tpu.memory_space<vmem>>, %arg11: memref<128x128xf32, #tpu.memory_space<vmem>>, %arg12: memref<128x128xf32, #tpu.memory_space<vmem>>, %arg13: memref<16x128xf32, #tpu.memory_space<vmem>>, %arg14: memref<1x128xf32, #tpu.memory_space<vmem>>, %arg15: memref<128x128xf32, #tpu.memory_space<vmem>>, %arg16: memref<1x128xf32, #tpu.memory_space<vmem>>, %arg17: memref<2000x128xf32, #tpu.memory_space<vmem>>) attributes {dimension_semantics = [#tpu.dimension_semantics<arbitrary>], iteration_bounds = array<i64: 80>, scalar_prefetch = 0 : i64, scratch_operands = 0 : i64, tpu.core_type = #tpu.core_type<tc>, window_params = [{transform_indices = @transform_0, window_bounds = array<i64: 2000, 128>}, {transform_indices = @transform_1, window_bounds = array<i64: 2000, 128>}, {transform_indices = @transform_2, window_bounds = array<i64: 2000, 16>}, {transform_indices = @transform_3, window_bounds = array<i64: 2000, 1>}, {pipeline_mode = #tpu.pipeline_mode<synchronous>, transform_indices = @transform_4, window_bounds = array<i64: 128, 128>}, {pipeline_mode = #tpu.pipeline_mode<synchronous>, transform_indices = @transform_5, window_bounds = array<i64: 128, 128>}, {pipeline_mode = #tpu.pipeline_mode<synchronous>, transform_indices = @transform_6, window_bounds = array<i64: 16, 128>}, {pipeline_mode = #tpu.pipeline_mode<synchronous>, transform_indices = @transform_7, window_bounds = array<i64: 1, 128>}, {pipeline_mode = #tpu.pipeline_mode<synchronous>, transform_indices = @transform_8, window_bounds = array<i64: 1, 128>}, {pipeline_mode = #tpu.pipeline_mode<synchronous>, transform_indices = @transform_9, window_bounds = array<i64: 1, 1>}, {pipeline_mode = #tpu.pipeline_mode<synchronous>, transform_indices = @transform_10, window_bounds = array<i64: 128, 128>}, {pipeline_mode = #tpu.pipeline_mode<synchronous>, transform_indices = @transform_11, window_bounds = array<i64: 128, 128>}, {pipeline_mode = #tpu.pipeline_mode<synchronous>, transform_indices = @transform_12, window_bounds = array<i64: 16, 128>}, {pipeline_mode = #tpu.pipeline_mode<synchronous>, transform_indices = @transform_13, window_bounds = array<i64: 1, 128>}, {pipeline_mode = #tpu.pipeline_mode<synchronous>, transform_indices = @transform_14, window_bounds = array<i64: 128, 128>}, {pipeline_mode = #tpu.pipeline_mode<synchronous>, transform_indices = @transform_15, window_bounds = array<i64: 1, 128>}, {transform_indices = @transform_16, window_bounds = array<i64: 2000, 128>}]} {
    %get3A = arith.constant 0 : index
    %get3A_0 = arith.constant 0 : index
    %get3A_1 = vector.load %arg1[%get3A, %get3A_0] : memref<2000x128xf32, #tpu.memory_space<vmem>>, vector<2000x128xf32>
    %get3A_2 = arith.constant 0 : index
    %get3A_3 = arith.constant 0 : index
    %get3A_4 = vector.load %arg2[%get3A_2, %get3A_3] : memref<2000x128xf32, #tpu.memory_space<vmem>>, vector<2000x128xf32>
    %get3A_5 = arith.constant 0 : index
    %get3A_6 = arith.constant 0 : index
    %get3A_7 = vector.load %arg3[%get3A_5, %get3A_6] : memref<2000x16xf32, #tpu.memory_space<vmem>>, vector<2000x16xf32>
    %get3A_8 = arith.constant 0 : index
    %get3A_9 = arith.constant 0 : index
    %get3A_10 = vector.load %arg5[%get3A_8, %get3A_9] : memref<128x128xf32, #tpu.memory_space<vmem>>, vector<128x128xf32>
    %dot_general3A = arith.constant dense<0.000000e+00> : vector<2000x128xf32>
    %dot_general3A_11 = tpu.matmul %get3A_1, %get3A_10, %dot_general3A {dimension_numbers = #tpu.dot_dimension_numbers<[1], [0], [0], [1], [0, 0, 1, 1], [], []>, transpose_lhs_hint = false} : vector<2000x128xf32>, vector<128x128xf32>, vector<2000x128xf32> -> vector<2000x128xf32>
    %get3A_12 = arith.constant 0 : index
    %get3A_13 = arith.constant 0 : index
    %get3A_14 = vector.load %arg6[%get3A_12, %get3A_13] : memref<128x128xf32, #tpu.memory_space<vmem>>, vector<128x128xf32>
    %dot_general3A_15 = arith.constant dense<0.000000e+00> : vector<2000x128xf32>
    %dot_general3A_16 = tpu.matmul %get3A_4, %get3A_14, %dot_general3A_15 {dimension_numbers = #tpu.dot_dimension_numbers<[1], [0], [0], [1], [0, 0, 1, 1], [], []>, transpose_lhs_hint = false} : vector<2000x128xf32>, vector<128x128xf32>, vector<2000x128xf32> -> vector<2000x128xf32>
    %add3A = arith.addf %dot_general3A_11, %dot_general3A_16 : vector<2000x128xf32>
    %get3A_17 = arith.constant 0 : index
    %get3A_18 = arith.constant 0 : index
    %get3A_19 = vector.load %arg7[%get3A_17, %get3A_18] : memref<16x128xf32, #tpu.memory_space<vmem>>, vector<16x128xf32>
    %dot_general3A_20 = arith.constant dense<0.000000e+00> : vector<2000x128xf32>
    %dot_general3A_21 = tpu.matmul %get3A_7, %get3A_19, %dot_general3A_20 {dimension_numbers = #tpu.dot_dimension_numbers<[1], [0], [0], [1], [0, 0, 1, 1], [], []>, transpose_lhs_hint = false} : vector<2000x16xf32>, vector<16x128xf32>, vector<2000x128xf32> -> vector<2000x128xf32>
    %add3A_22 = arith.addf %add3A, %dot_general3A_21 : vector<2000x128xf32>
    %get3A_23 = arith.constant 0 : index
    %get3A_24 = arith.constant 0 : index
    %get3A_25 = vector.load %arg8[%get3A_23, %get3A_24] : memref<1x128xf32, #tpu.memory_space<vmem>>, vector<1x128xf32>
    %add3A_26 = vector.broadcast %get3A_25 : vector<1x128xf32> to vector<2000x128xf32>
    %add3A_27 = arith.addf %add3A_22, %add3A_26 : vector<2000x128xf32>
    %logistic3A = arith.negf %add3A_27 : vector<2000x128xf32>
    %logistic3A_28 = math.exp %logistic3A : vector<2000x128xf32>
    %logistic3A_29 = arith.constant 1.000000e+00 : f32
    %logistic3A_30 = vector.broadcast %logistic3A_29 : f32 to vector<2000x128xf32>
    %logistic3A_31 = arith.addf %logistic3A_30, %logistic3A_28 : vector<2000x128xf32>
    %logistic3A_32 = arith.divf %logistic3A_30, %logistic3A_31 : vector<2000x128xf32>
    %mul3A = arith.mulf %add3A_27, %logistic3A_32 : vector<2000x128xf32>
    %get3A_33 = arith.constant 0 : index
    %get3A_34 = arith.constant 0 : index
    %get3A_35 = vector.load %arg9[%get3A_33, %get3A_34] : memref<1x128xf32, #tpu.memory_space<vmem>>, vector<1x128xf32>
    %mul3A_36 = vector.broadcast %get3A_35 : vector<1x128xf32> to vector<2000x128xf32>
    %mul3A_37 = arith.mulf %mul3A, %mul3A_36 : vector<2000x128xf32>
    %reduce_sum3A = arith.constant dense<0.000000e+00> : vector<2000xf32>
    %reduce_sum3A_38 = vector.multi_reduction <add>, %mul3A_37, %reduce_sum3A [1] : vector<2000x128xf32> to vector<2000xf32>
    %broadcast_in_dim3A = vector.shape_cast %reduce_sum3A_38 : vector<2000xf32> to vector<2000x1xf32>
    %get3A_39 = arith.constant 0 : index
    %get3A_40 = arith.constant 0 : index
    %get3A_41 = vector.load %arg10[%get3A_39, %get3A_40] : memref<1x1xf32, #tpu.memory_space<vmem>>, vector<1x1xf32>
    %add3A_42 = vector.broadcast %get3A_41 : vector<1x1xf32> to vector<2000x1xf32>
    %add3A_43 = arith.addf %broadcast_in_dim3A, %add3A_42 : vector<2000x1xf32>
    %logistic3A_44 = arith.negf %add3A_43 : vector<2000x1xf32>
    %logistic3A_45 = math.exp %logistic3A_44 : vector<2000x1xf32>
    %logistic3A_46 = arith.constant 1.000000e+00 : f32
    %logistic3A_47 = vector.broadcast %logistic3A_46 : f32 to vector<2000x1xf32>
    %logistic3A_48 = arith.addf %logistic3A_47, %logistic3A_45 : vector<2000x1xf32>
    %logistic3A_49 = arith.divf %logistic3A_47, %logistic3A_48 : vector<2000x1xf32>
    %get3A_50 = arith.constant 0 : index
    %get3A_51 = arith.constant 0 : index
    %get3A_52 = vector.load %arg4[%get3A_50, %get3A_51] : memref<2000x1xf32, #tpu.memory_space<vmem>>, vector<2000x1xf32>
    %mul3A_53 = arith.mulf %logistic3A_49, %get3A_52 : vector<2000x1xf32>
    %get3A_54 = arith.constant 0 : index
    %get3A_55 = arith.constant 0 : index
    %get3A_56 = vector.load %arg11[%get3A_54, %get3A_55] : memref<128x128xf32, #tpu.memory_space<vmem>>, vector<128x128xf32>
    %dot_general3A_57 = arith.constant dense<0.000000e+00> : vector<2000x128xf32>
    %dot_general3A_58 = tpu.matmul %get3A_1, %get3A_56, %dot_general3A_57 {dimension_numbers = #tpu.dot_dimension_numbers<[1], [0], [0], [1], [0, 0, 1, 1], [], []>, transpose_lhs_hint = false} : vector<2000x128xf32>, vector<128x128xf32>, vector<2000x128xf32> -> vector<2000x128xf32>
    %get3A_59 = arith.constant 0 : index
    %get3A_60 = arith.constant 0 : index
    %get3A_61 = vector.load %arg12[%get3A_59, %get3A_60] : memref<128x128xf32, #tpu.memory_space<vmem>>, vector<128x128xf32>
    %dot_general3A_62 = arith.constant dense<0.000000e+00> : vector<2000x128xf32>
    %dot_general3A_63 = tpu.matmul %get3A_4, %get3A_61, %dot_general3A_62 {dimension_numbers = #tpu.dot_dimension_numbers<[1], [0], [0], [1], [0, 0, 1, 1], [], []>, transpose_lhs_hint = false} : vector<2000x128xf32>, vector<128x128xf32>, vector<2000x128xf32> -> vector<2000x128xf32>
    %add3A_64 = arith.addf %dot_general3A_58, %dot_general3A_63 : vector<2000x128xf32>
    %get3A_65 = arith.constant 0 : index
    %get3A_66 = arith.constant 0 : index
    %get3A_67 = vector.load %arg13[%get3A_65, %get3A_66] : memref<16x128xf32, #tpu.memory_space<vmem>>, vector<16x128xf32>
    %dot_general3A_68 = arith.constant dense<0.000000e+00> : vector<2000x128xf32>
    %dot_general3A_69 = tpu.matmul %get3A_7, %get3A_67, %dot_general3A_68 {dimension_numbers = #tpu.dot_dimension_numbers<[1], [0], [0], [1], [0, 0, 1, 1], [], []>, transpose_lhs_hint = false} : vector<2000x16xf32>, vector<16x128xf32>, vector<2000x128xf32> -> vector<2000x128xf32>
    %add3A_70 = arith.addf %add3A_64, %dot_general3A_69 : vector<2000x128xf32>
    %get3A_71 = arith.constant 0 : index
    %get3A_72 = arith.constant 0 : index
    %get3A_73 = vector.load %arg14[%get3A_71, %get3A_72] : memref<1x128xf32, #tpu.memory_space<vmem>>, vector<1x128xf32>
    %add3A_74 = vector.broadcast %get3A_73 : vector<1x128xf32> to vector<2000x128xf32>
    %add3A_75 = arith.addf %add3A_70, %add3A_74 : vector<2000x128xf32>
    %logistic3A_76 = arith.negf %add3A_75 : vector<2000x128xf32>
    %logistic3A_77 = math.exp %logistic3A_76 : vector<2000x128xf32>
    %logistic3A_78 = arith.constant 1.000000e+00 : f32
    %logistic3A_79 = vector.broadcast %logistic3A_78 : f32 to vector<2000x128xf32>
    %logistic3A_80 = arith.addf %logistic3A_79, %logistic3A_77 : vector<2000x128xf32>
    %logistic3A_81 = arith.divf %logistic3A_79, %logistic3A_80 : vector<2000x128xf32>
    %mul3A_82 = arith.mulf %add3A_75, %logistic3A_81 : vector<2000x128xf32>
    %get3A_83 = arith.constant 0 : index
    %get3A_84 = arith.constant 0 : index
    %get3A_85 = vector.load %arg15[%get3A_83, %get3A_84] : memref<128x128xf32, #tpu.memory_space<vmem>>, vector<128x128xf32>
    %dot_general3A_86 = arith.constant dense<0.000000e+00> : vector<2000x128xf32>
    %dot_general3A_87 = tpu.matmul %mul3A_82, %get3A_85, %dot_general3A_86 {dimension_numbers = #tpu.dot_dimension_numbers<[1], [0], [0], [1], [0, 0, 1, 1], [], []>, transpose_lhs_hint = false} : vector<2000x128xf32>, vector<128x128xf32>, vector<2000x128xf32> -> vector<2000x128xf32>
    %get3A_88 = arith.constant 0 : index
    %get3A_89 = arith.constant 0 : index
    %get3A_90 = vector.load %arg16[%get3A_88, %get3A_89] : memref<1x128xf32, #tpu.memory_space<vmem>>, vector<1x128xf32>
    %add3A_91 = vector.broadcast %get3A_90 : vector<1x128xf32> to vector<2000x128xf32>
    %add3A_92 = arith.addf %dot_general3A_87, %add3A_91 : vector<2000x128xf32>
    %logistic3A_93 = arith.negf %add3A_92 : vector<2000x128xf32>
    %logistic3A_94 = math.exp %logistic3A_93 : vector<2000x128xf32>
    %logistic3A_95 = arith.constant 1.000000e+00 : f32
    %logistic3A_96 = vector.broadcast %logistic3A_95 : f32 to vector<2000x128xf32>
    %logistic3A_97 = arith.addf %logistic3A_96, %logistic3A_94 : vector<2000x128xf32>
    %logistic3A_98 = arith.divf %logistic3A_96, %logistic3A_97 : vector<2000x128xf32>
    %mul3A_99 = arith.mulf %add3A_92, %logistic3A_98 : vector<2000x128xf32>
    %mul3A_100 = vector.broadcast %mul3A_53 : vector<2000x1xf32> to vector<2000x128xf32>
    %mul3A_101 = arith.mulf %mul3A_99, %mul3A_100 : vector<2000x128xf32>
    %swap3A = arith.constant 0 : index
    %swap3A_102 = arith.constant 0 : index
    %swap3A_103 = vector.load %arg17[%swap3A, %swap3A_102] : memref<2000x128xf32, #tpu.memory_space<vmem>>, vector<2000x128xf32>
    tpu.vector_store %arg17[%swap3A, %swap3A_102], %mul3A_101 {strides = array<i32>} : memref<2000x128xf32, #tpu.memory_space<vmem>>, vector<2000x128xf32>,
    return
  }
  func.func @transform_0(%arg0: i32) -> (i32, i32) {
    %c0_i32 = arith.constant 0 : i32
    %c0_i32_0 = arith.constant 0 : i32
    return %arg0, %c0_i32 : i32, i32
  }
  func.func @transform_1(%arg0: i32) -> (i32, i32) {
    %c0_i32 = arith.constant 0 : i32
    %c0_i32_0 = arith.constant 0 : i32
    return %arg0, %c0_i32 : i32, i32
  }
  func.func @transform_2(%arg0: i32) -> (i32, i32) {
    %add3A = arith.constant 80 : i32
    %add3A_0 = arith.addi %arg0, %add3A : i32
    %c0_i32 = arith.constant 0 : i32
    %c0_i32_1 = arith.constant 0 : i32
    return %add3A_0, %c0_i32 : i32, i32
  }
  func.func @transform_3(%arg0: i32) -> (i32, i32) {
    %add3A = arith.constant 80 : i32
    %add3A_0 = arith.addi %arg0, %add3A : i32
    %c0_i32 = arith.constant 0 : i32
    %c0_i32_1 = arith.constant 0 : i32
    return %add3A_0, %c0_i32 : i32, i32
  }
  func.func @transform_4(%arg0: i32) -> (i32, i32) {
    %c0_i32 = arith.constant 0 : i32
    %c0_i32_0 = arith.constant 0 : i32
    %c0_i32_1 = arith.constant 0 : i32
    return %c0_i32, %c0_i32_0 : i32, i32
  }
  func.func @transform_5(%arg0: i32) -> (i32, i32) {
    %c0_i32 = arith.constant 0 : i32
    %c0_i32_0 = arith.constant 0 : i32
    %c0_i32_1 = arith.constant 0 : i32
    return %c0_i32, %c0_i32_0 : i32, i32
  }
  func.func @transform_6(%arg0: i32) -> (i32, i32) {
    %c0_i32 = arith.constant 0 : i32
    %c0_i32_0 = arith.constant 0 : i32
    %c0_i32_1 = arith.constant 0 : i32
    return %c0_i32, %c0_i32_0 : i32, i32
  }
  func.func @transform_7(%arg0: i32) -> (i32, i32) {
    %c0_i32 = arith.constant 0 : i32
    %c0_i32_0 = arith.constant 0 : i32
    %c0_i32_1 = arith.constant 0 : i32
    return %c0_i32, %c0_i32_0 : i32, i32
  }
  func.func @transform_8(%arg0: i32) -> (i32, i32) {
    %c0_i32 = arith.constant 0 : i32
    %c0_i32_0 = arith.constant 0 : i32
    %c0_i32_1 = arith.constant 0 : i32
    return %c0_i32, %c0_i32_0 : i32, i32
  }
  func.func @transform_9(%arg0: i32) -> (i32, i32) {
    %c0_i32 = arith.constant 0 : i32
    %c0_i32_0 = arith.constant 0 : i32
    %c0_i32_1 = arith.constant 0 : i32
    return %c0_i32, %c0_i32_0 : i32, i32
  }
  func.func @transform_10(%arg0: i32) -> (i32, i32) {
    %c0_i32 = arith.constant 0 : i32
    %c0_i32_0 = arith.constant 0 : i32
    %c0_i32_1 = arith.constant 0 : i32
    return %c0_i32, %c0_i32_0 : i32, i32
  }
  func.func @transform_11(%arg0: i32) -> (i32, i32) {
    %c0_i32 = arith.constant 0 : i32
    %c0_i32_0 = arith.constant 0 : i32
    %c0_i32_1 = arith.constant 0 : i32
    return %c0_i32, %c0_i32_0 : i32, i32
  }
  func.func @transform_12(%arg0: i32) -> (i32, i32) {
    %c0_i32 = arith.constant 0 : i32
    %c0_i32_0 = arith.constant 0 : i32
    %c0_i32_1 = arith.constant 0 : i32
    return %c0_i32, %c0_i32_0 : i32, i32
  }
  func.func @transform_13(%arg0: i32) -> (i32, i32) {
    %c0_i32 = arith.constant 0 : i32
    %c0_i32_0 = arith.constant 0 : i32
    %c0_i32_1 = arith.constant 0 : i32
    return %c0_i32, %c0_i32_0 : i32, i32
  }
  func.func @transform_14(%arg0: i32) -> (i32, i32) {
    %c0_i32 = arith.constant 0 : i32
    %c0_i32_0 = arith.constant 0 : i32
    %c0_i32_1 = arith.constant 0 : i32
    return %c0_i32, %c0_i32_0 : i32, i32
  }
  func.func @transform_15(%arg0: i32) -> (i32, i32) {
    %c0_i32 = arith.constant 0 : i32
    %c0_i32_0 = arith.constant 0 : i32
    %c0_i32_1 = arith.constant 0 : i32
    return %c0_i32, %c0_i32_0 : i32, i32
  }
  func.func @transform_16(%arg0: i32) -> (i32, i32) {
    %c0_i32 = arith.constant 0 : i32
    %c0_i32_0 = arith.constant 0 : i32
    return %arg0, %c0_i32 : i32, i32
  }
}

module attributes {stable_mosaic.version = 14 : i64} {
  func.func @_edge_body(%arg0: i32, %arg1: memref<2000x128xf32, #tpu.memory_space<vmem>>, %arg2: memref<2000x128xf32, #tpu.memory_space<vmem>>, %arg3: memref<2000x16xf32, #tpu.memory_space<vmem>>, %arg4: memref<2000x1xf32, #tpu.memory_space<vmem>>, %arg5: memref<128x128xf32, #tpu.memory_space<vmem>>, %arg6: memref<128x128xf32, #tpu.memory_space<vmem>>, %arg7: memref<16x128xf32, #tpu.memory_space<vmem>>, %arg8: memref<1x128xf32, #tpu.memory_space<vmem>>, %arg9: memref<1x128xf32, #tpu.memory_space<vmem>>, %arg10: memref<1x1xf32, #tpu.memory_space<vmem>>, %arg11: memref<128x128xf32, #tpu.memory_space<vmem>>, %arg12: memref<128x128xf32, #tpu.memory_space<vmem>>, %arg13: memref<16x128xf32, #tpu.memory_space<vmem>>, %arg14: memref<1x128xf32, #tpu.memory_space<vmem>>, %arg15: memref<128x128xf32, #tpu.memory_space<vmem>>, %arg16: memref<1x128xf32, #tpu.memory_space<vmem>>, %arg17: memref<2000x128xf32, #tpu.memory_space<vmem>>) attributes {dimension_semantics = [#tpu.dimension_semantics<arbitrary>], iteration_bounds = array<i64: 80>, scalar_prefetch = 0 : i64, scratch_operands = 0 : i64, tpu.core_type = #tpu.core_type<tc>, window_params = [{transform_indices = @transform_0, window_bounds = array<i64: 2000, 128>}, {transform_indices = @transform_1, window_bounds = array<i64: 2000, 128>}, {transform_indices = @transform_2, window_bounds = array<i64: 2000, 16>}, {transform_indices = @transform_3, window_bounds = array<i64: 2000, 1>}, {pipeline_mode = #tpu.pipeline_mode<synchronous>, transform_indices = @transform_4, window_bounds = array<i64: 128, 128>}, {pipeline_mode = #tpu.pipeline_mode<synchronous>, transform_indices = @transform_5, window_bounds = array<i64: 128, 128>}, {pipeline_mode = #tpu.pipeline_mode<synchronous>, transform_indices = @transform_6, window_bounds = array<i64: 16, 128>}, {pipeline_mode = #tpu.pipeline_mode<synchronous>, transform_indices = @transform_7, window_bounds = array<i64: 1, 128>}, {pipeline_mode = #tpu.pipeline_mode<synchronous>, transform_indices = @transform_8, window_bounds = array<i64: 1, 128>}, {pipeline_mode = #tpu.pipeline_mode<synchronous>, transform_indices = @transform_9, window_bounds = array<i64: 1, 1>}, {pipeline_mode = #tpu.pipeline_mode<synchronous>, transform_indices = @transform_10, window_bounds = array<i64: 128, 128>}, {pipeline_mode = #tpu.pipeline_mode<synchronous>, transform_indices = @transform_11, window_bounds = array<i64: 128, 128>}, {pipeline_mode = #tpu.pipeline_mode<synchronous>, transform_indices = @transform_12, window_bounds = array<i64: 16, 128>}, {pipeline_mode = #tpu.pipeline_mode<synchronous>, transform_indices = @transform_13, window_bounds = array<i64: 1, 128>}, {pipeline_mode = #tpu.pipeline_mode<synchronous>, transform_indices = @transform_14, window_bounds = array<i64: 128, 128>}, {pipeline_mode = #tpu.pipeline_mode<synchronous>, transform_indices = @transform_15, window_bounds = array<i64: 1, 128>}, {transform_indices = @transform_16, window_bounds = array<i64: 2000, 128>}]} {
    %get3A = arith.constant 0 : index
    %get3A_0 = arith.constant 0 : index
    %get3A_1 = vector.load %arg1[%get3A, %get3A_0] : memref<2000x128xf32, #tpu.memory_space<vmem>>, vector<2000x128xf32>
    %get3A_2 = arith.constant 0 : index
    %get3A_3 = arith.constant 0 : index
    %get3A_4 = vector.load %arg2[%get3A_2, %get3A_3] : memref<2000x128xf32, #tpu.memory_space<vmem>>, vector<2000x128xf32>
    %get3A_5 = arith.constant 0 : index
    %get3A_6 = arith.constant 0 : index
    %get3A_7 = vector.load %arg3[%get3A_5, %get3A_6] : memref<2000x16xf32, #tpu.memory_space<vmem>>, vector<2000x16xf32>
    %get3A_8 = arith.constant 0 : index
    %get3A_9 = arith.constant 0 : index
    %get3A_10 = vector.load %arg5[%get3A_8, %get3A_9] : memref<128x128xf32, #tpu.memory_space<vmem>>, vector<128x128xf32>
    %dot_general3A = arith.constant dense<0.000000e+00> : vector<2000x128xf32>
    %dot_general3A_11 = tpu.matmul %get3A_1, %get3A_10, %dot_general3A {dimension_numbers = #tpu.dot_dimension_numbers<[1], [0], [0], [1], [0, 0, 1, 1], [], []>, transpose_lhs_hint = false} : vector<2000x128xf32>, vector<128x128xf32>, vector<2000x128xf32> -> vector<2000x128xf32>
    %get3A_12 = arith.constant 0 : index
    %get3A_13 = arith.constant 0 : index
    %get3A_14 = vector.load %arg6[%get3A_12, %get3A_13] : memref<128x128xf32, #tpu.memory_space<vmem>>, vector<128x128xf32>
    %dot_general3A_15 = arith.constant dense<0.000000e+00> : vector<2000x128xf32>
    %dot_general3A_16 = tpu.matmul %get3A_4, %get3A_14, %dot_general3A_15 {dimension_numbers = #tpu.dot_dimension_numbers<[1], [0], [0], [1], [0, 0, 1, 1], [], []>, transpose_lhs_hint = false} : vector<2000x128xf32>, vector<128x128xf32>, vector<2000x128xf32> -> vector<2000x128xf32>
    %add3A = arith.addf %dot_general3A_11, %dot_general3A_16 : vector<2000x128xf32>
    %get3A_17 = arith.constant 0 : index
    %get3A_18 = arith.constant 0 : index
    %get3A_19 = vector.load %arg7[%get3A_17, %get3A_18] : memref<16x128xf32, #tpu.memory_space<vmem>>, vector<16x128xf32>
    %dot_general3A_20 = arith.constant dense<0.000000e+00> : vector<2000x128xf32>
    %dot_general3A_21 = tpu.matmul %get3A_7, %get3A_19, %dot_general3A_20 {dimension_numbers = #tpu.dot_dimension_numbers<[1], [0], [0], [1], [0, 0, 1, 1], [], []>, transpose_lhs_hint = false} : vector<2000x16xf32>, vector<16x128xf32>, vector<2000x128xf32> -> vector<2000x128xf32>
    %add3A_22 = arith.addf %add3A, %dot_general3A_21 : vector<2000x128xf32>
    %get3A_23 = arith.constant 0 : index
    %get3A_24 = arith.constant 0 : index
    %get3A_25 = vector.load %arg8[%get3A_23, %get3A_24] : memref<1x128xf32, #tpu.memory_space<vmem>>, vector<1x128xf32>
    %add3A_26 = vector.broadcast %get3A_25 : vector<1x128xf32> to vector<2000x128xf32>
    %add3A_27 = arith.addf %add3A_22, %add3A_26 : vector<2000x128xf32>
    %logistic3A = arith.negf %add3A_27 : vector<2000x128xf32>
    %logistic3A_28 = math.exp %logistic3A : vector<2000x128xf32>
    %logistic3A_29 = arith.constant 1.000000e+00 : f32
    %logistic3A_30 = vector.broadcast %logistic3A_29 : f32 to vector<2000x128xf32>
    %logistic3A_31 = arith.addf %logistic3A_30, %logistic3A_28 : vector<2000x128xf32>
    %logistic3A_32 = arith.divf %logistic3A_30, %logistic3A_31 : vector<2000x128xf32>
    %mul3A = arith.mulf %add3A_27, %logistic3A_32 : vector<2000x128xf32>
    %get3A_33 = arith.constant 0 : index
    %get3A_34 = arith.constant 0 : index
    %get3A_35 = vector.load %arg9[%get3A_33, %get3A_34] : memref<1x128xf32, #tpu.memory_space<vmem>>, vector<1x128xf32>
    %mul3A_36 = vector.broadcast %get3A_35 : vector<1x128xf32> to vector<2000x128xf32>
    %mul3A_37 = arith.mulf %mul3A, %mul3A_36 : vector<2000x128xf32>
    %reduce_sum3A = arith.constant dense<0.000000e+00> : vector<2000xf32>
    %reduce_sum3A_38 = vector.multi_reduction <add>, %mul3A_37, %reduce_sum3A [1] : vector<2000x128xf32> to vector<2000xf32>
    %broadcast_in_dim3A = vector.shape_cast %reduce_sum3A_38 : vector<2000xf32> to vector<2000x1xf32>
    %get3A_39 = arith.constant 0 : index
    %get3A_40 = arith.constant 0 : index
    %get3A_41 = vector.load %arg10[%get3A_39, %get3A_40] : memref<1x1xf32, #tpu.memory_space<vmem>>, vector<1x1xf32>
    %add3A_42 = vector.broadcast %get3A_41 : vector<1x1xf32> to vector<2000x1xf32>
    %add3A_43 = arith.addf %broadcast_in_dim3A, %add3A_42 : vector<2000x1xf32>
    %logistic3A_44 = arith.negf %add3A_43 : vector<2000x1xf32>
    %logistic3A_45 = math.exp %logistic3A_44 : vector<2000x1xf32>
    %logistic3A_46 = arith.constant 1.000000e+00 : f32
    %logistic3A_47 = vector.broadcast %logistic3A_46 : f32 to vector<2000x1xf32>
    %logistic3A_48 = arith.addf %logistic3A_47, %logistic3A_45 : vector<2000x1xf32>
    %logistic3A_49 = arith.divf %logistic3A_47, %logistic3A_48 : vector<2000x1xf32>
    %get3A_50 = arith.constant 0 : index
    %get3A_51 = arith.constant 0 : index
    %get3A_52 = vector.load %arg4[%get3A_50, %get3A_51] : memref<2000x1xf32, #tpu.memory_space<vmem>>, vector<2000x1xf32>
    %mul3A_53 = arith.mulf %logistic3A_49, %get3A_52 : vector<2000x1xf32>
    %get3A_54 = arith.constant 0 : index
    %get3A_55 = arith.constant 0 : index
    %get3A_56 = vector.load %arg11[%get3A_54, %get3A_55] : memref<128x128xf32, #tpu.memory_space<vmem>>, vector<128x128xf32>
    %dot_general3A_57 = arith.constant dense<0.000000e+00> : vector<2000x128xf32>
    %dot_general3A_58 = tpu.matmul %get3A_1, %get3A_56, %dot_general3A_57 {dimension_numbers = #tpu.dot_dimension_numbers<[1], [0], [0], [1], [0, 0, 1, 1], [], []>, transpose_lhs_hint = false} : vector<2000x128xf32>, vector<128x128xf32>, vector<2000x128xf32> -> vector<2000x128xf32>
    %get3A_59 = arith.constant 0 : index
    %get3A_60 = arith.constant 0 : index
    %get3A_61 = vector.load %arg12[%get3A_59, %get3A_60] : memref<128x128xf32, #tpu.memory_space<vmem>>, vector<128x128xf32>
    %dot_general3A_62 = arith.constant dense<0.000000e+00> : vector<2000x128xf32>
    %dot_general3A_63 = tpu.matmul %get3A_4, %get3A_61, %dot_general3A_62 {dimension_numbers = #tpu.dot_dimension_numbers<[1], [0], [0], [1], [0, 0, 1, 1], [], []>, transpose_lhs_hint = false} : vector<2000x128xf32>, vector<128x128xf32>, vector<2000x128xf32> -> vector<2000x128xf32>
    %add3A_64 = arith.addf %dot_general3A_58, %dot_general3A_63 : vector<2000x128xf32>
    %get3A_65 = arith.constant 0 : index
    %get3A_66 = arith.constant 0 : index
    %get3A_67 = vector.load %arg13[%get3A_65, %get3A_66] : memref<16x128xf32, #tpu.memory_space<vmem>>, vector<16x128xf32>
    %dot_general3A_68 = arith.constant dense<0.000000e+00> : vector<2000x128xf32>
    %dot_general3A_69 = tpu.matmul %get3A_7, %get3A_67, %dot_general3A_68 {dimension_numbers = #tpu.dot_dimension_numbers<[1], [0], [0], [1], [0, 0, 1, 1], [], []>, transpose_lhs_hint = false} : vector<2000x16xf32>, vector<16x128xf32>, vector<2000x128xf32> -> vector<2000x128xf32>
    %add3A_70 = arith.addf %add3A_64, %dot_general3A_69 : vector<2000x128xf32>
    %get3A_71 = arith.constant 0 : index
    %get3A_72 = arith.constant 0 : index
    %get3A_73 = vector.load %arg14[%get3A_71, %get3A_72] : memref<1x128xf32, #tpu.memory_space<vmem>>, vector<1x128xf32>
    %add3A_74 = vector.broadcast %get3A_73 : vector<1x128xf32> to vector<2000x128xf32>
    %add3A_75 = arith.addf %add3A_70, %add3A_74 : vector<2000x128xf32>
    %logistic3A_76 = arith.negf %add3A_75 : vector<2000x128xf32>
    %logistic3A_77 = math.exp %logistic3A_76 : vector<2000x128xf32>
    %logistic3A_78 = arith.constant 1.000000e+00 : f32
    %logistic3A_79 = vector.broadcast %logistic3A_78 : f32 to vector<2000x128xf32>
    %logistic3A_80 = arith.addf %logistic3A_79, %logistic3A_77 : vector<2000x128xf32>
    %logistic3A_81 = arith.divf %logistic3A_79, %logistic3A_80 : vector<2000x128xf32>
    %mul3A_82 = arith.mulf %add3A_75, %logistic3A_81 : vector<2000x128xf32>
    %get3A_83 = arith.constant 0 : index
    %get3A_84 = arith.constant 0 : index
    %get3A_85 = vector.load %arg15[%get3A_83, %get3A_84] : memref<128x128xf32, #tpu.memory_space<vmem>>, vector<128x128xf32>
    %dot_general3A_86 = arith.constant dense<0.000000e+00> : vector<2000x128xf32>
    %dot_general3A_87 = tpu.matmul %mul3A_82, %get3A_85, %dot_general3A_86 {dimension_numbers = #tpu.dot_dimension_numbers<[1], [0], [0], [1], [0, 0, 1, 1], [], []>, transpose_lhs_hint = false} : vector<2000x128xf32>, vector<128x128xf32>, vector<2000x128xf32> -> vector<2000x128xf32>
    %get3A_88 = arith.constant 0 : index
    %get3A_89 = arith.constant 0 : index
    %get3A_90 = vector.load %arg16[%get3A_88, %get3A_89] : memref<1x128xf32, #tpu.memory_space<vmem>>, vector<1x128xf32>
    %add3A_91 = vector.broadcast %get3A_90 : vector<1x128xf32> to vector<2000x128xf32>
    %add3A_92 = arith.addf %dot_general3A_87, %add3A_91 : vector<2000x128xf32>
    %logistic3A_93 = arith.negf %add3A_92 : vector<2000x128xf32>
    %logistic3A_94 = math.exp %logistic3A_93 : vector<2000x128xf32>
    %logistic3A_95 = arith.constant 1.000000e+00 : f32
    %logistic3A_96 = vector.broadcast %logistic3A_95 : f32 to vector<2000x128xf32>
    %logistic3A_97 = arith.addf %logistic3A_96, %logistic3A_94 : vector<2000x128xf32>
    %logistic3A_98 = arith.divf %logistic3A_96, %logistic3A_97 : vector<2000x128xf32>
    %mul3A_99 = arith.mulf %add3A_92, %logistic3A_98 : vector<2000x128xf32>
    %mul3A_100 = vector.broadcast %mul3A_53 : vector<2000x1xf32> to vector<2000x128xf32>
    %mul3A_101 = arith.mulf %mul3A_99, %mul3A_100 : vector<2000x128xf32>
    %swap3A = arith.constant 0 : index
    %swap3A_102 = arith.constant 0 : index
    %swap3A_103 = vector.load %arg17[%swap3A, %swap3A_102] : memref<2000x128xf32, #tpu.memory_space<vmem>>, vector<2000x128xf32>
    tpu.vector_store %arg17[%swap3A, %swap3A_102], %mul3A_101 {strides = array<i32>} : memref<2000x128xf32, #tpu.memory_space<vmem>>, vector<2000x128xf32>,
    return
  }
  func.func @transform_0(%arg0: i32) -> (i32, i32) {
    %c0_i32 = arith.constant 0 : i32
    %c0_i32_0 = arith.constant 0 : i32
    return %arg0, %c0_i32 : i32, i32
  }
  func.func @transform_1(%arg0: i32) -> (i32, i32) {
    %c0_i32 = arith.constant 0 : i32
    %c0_i32_0 = arith.constant 0 : i32
    return %arg0, %c0_i32 : i32, i32
  }
  func.func @transform_2(%arg0: i32) -> (i32, i32) {
    %add3A = arith.constant 0 : i32
    %add3A_0 = arith.addi %arg0, %add3A : i32
    %c0_i32 = arith.constant 0 : i32
    %c0_i32_1 = arith.constant 0 : i32
    return %add3A_0, %c0_i32 : i32, i32
  }
  func.func @transform_3(%arg0: i32) -> (i32, i32) {
    %add3A = arith.constant 0 : i32
    %add3A_0 = arith.addi %arg0, %add3A : i32
    %c0_i32 = arith.constant 0 : i32
    %c0_i32_1 = arith.constant 0 : i32
    return %add3A_0, %c0_i32 : i32, i32
  }
  func.func @transform_4(%arg0: i32) -> (i32, i32) {
    %c0_i32 = arith.constant 0 : i32
    %c0_i32_0 = arith.constant 0 : i32
    %c0_i32_1 = arith.constant 0 : i32
    return %c0_i32, %c0_i32_0 : i32, i32
  }
  func.func @transform_5(%arg0: i32) -> (i32, i32) {
    %c0_i32 = arith.constant 0 : i32
    %c0_i32_0 = arith.constant 0 : i32
    %c0_i32_1 = arith.constant 0 : i32
    return %c0_i32, %c0_i32_0 : i32, i32
  }
  func.func @transform_6(%arg0: i32) -> (i32, i32) {
    %c0_i32 = arith.constant 0 : i32
    %c0_i32_0 = arith.constant 0 : i32
    %c0_i32_1 = arith.constant 0 : i32
    return %c0_i32, %c0_i32_0 : i32, i32
  }
  func.func @transform_7(%arg0: i32) -> (i32, i32) {
    %c0_i32 = arith.constant 0 : i32
    %c0_i32_0 = arith.constant 0 : i32
    %c0_i32_1 = arith.constant 0 : i32
    return %c0_i32, %c0_i32_0 : i32, i32
  }
  func.func @transform_8(%arg0: i32) -> (i32, i32) {
    %c0_i32 = arith.constant 0 : i32
    %c0_i32_0 = arith.constant 0 : i32
    %c0_i32_1 = arith.constant 0 : i32
    return %c0_i32, %c0_i32_0 : i32, i32
  }
  func.func @transform_9(%arg0: i32) -> (i32, i32) {
    %c0_i32 = arith.constant 0 : i32
    %c0_i32_0 = arith.constant 0 : i32
    %c0_i32_1 = arith.constant 0 : i32
    return %c0_i32, %c0_i32_0 : i32, i32
  }
  func.func @transform_10(%arg0: i32) -> (i32, i32) {
    %c0_i32 = arith.constant 0 : i32
    %c0_i32_0 = arith.constant 0 : i32
    %c0_i32_1 = arith.constant 0 : i32
    return %c0_i32, %c0_i32_0 : i32, i32
  }
  func.func @transform_11(%arg0: i32) -> (i32, i32) {
    %c0_i32 = arith.constant 0 : i32
    %c0_i32_0 = arith.constant 0 : i32
    %c0_i32_1 = arith.constant 0 : i32
    return %c0_i32, %c0_i32_0 : i32, i32
  }
  func.func @transform_12(%arg0: i32) -> (i32, i32) {
    %c0_i32 = arith.constant 0 : i32
    %c0_i32_0 = arith.constant 0 : i32
    %c0_i32_1 = arith.constant 0 : i32
    return %c0_i32, %c0_i32_0 : i32, i32
  }
  func.func @transform_13(%arg0: i32) -> (i32, i32) {
    %c0_i32 = arith.constant 0 : i32
    %c0_i32_0 = arith.constant 0 : i32
    %c0_i32_1 = arith.constant 0 : i32
    return %c0_i32, %c0_i32_0 : i32, i32
  }
  func.func @transform_14(%arg0: i32) -> (i32, i32) {
    %c0_i32 = arith.constant 0 : i32
    %c0_i32_0 = arith.constant 0 : i32
    %c0_i32_1 = arith.constant 0 : i32
    return %c0_i32, %c0_i32_0 : i32, i32
  }
  func.func @transform_15(%arg0: i32) -> (i32, i32) {
    %c0_i32 = arith.constant 0 : i32
    %c0_i32_0 = arith.constant 0 : i32
    %c0_i32_1 = arith.constant 0 : i32
    return %c0_i32, %c0_i32_0 : i32, i32
  }
  func.func @transform_16(%arg0: i32) -> (i32, i32) {
    %c0_i32 = arith.constant 0 : i32
    %c0_i32_0 = arith.constant 0 : i32
    return %arg0, %c0_i32 : i32, i32
  }
}

module attributes {stable_mosaic.version = 14 : i64} {
  func.func @_node_body(%arg0: i32, %arg1: memref<1000x128xf32, #tpu.memory_space<vmem>>, %arg2: memref<2x1000x128xf32, #tpu.memory_space<vmem>>, %arg3: memref<2x1000x128xf32, #tpu.memory_space<vmem>>, %arg4: memref<1000x1xf32, #tpu.memory_space<vmem>>, %arg5: memref<128x128xf32, #tpu.memory_space<vmem>>, %arg6: memref<128x128xf32, #tpu.memory_space<vmem>>, %arg7: memref<1x128xf32, #tpu.memory_space<vmem>>, %arg8: memref<128x128xf32, #tpu.memory_space<vmem>>, %arg9: memref<1x128xf32, #tpu.memory_space<vmem>>, %arg10: memref<1000x128xf32, #tpu.memory_space<vmem>>) attributes {dimension_semantics = [#tpu.dimension_semantics<arbitrary>], iteration_bounds = array<i64: 10>, scalar_prefetch = 0 : i64, scratch_operands = 0 : i64, tpu.core_type = #tpu.core_type<tc>, window_params = [{transform_indices = @transform_0, window_bounds = array<i64: 1000, 128>}, {transform_indices = @transform_1, window_bounds = array<i64: 2, 1000, 128>}, {transform_indices = @transform_2, window_bounds = array<i64: 2, 1000, 128>}, {transform_indices = @transform_3, window_bounds = array<i64: 1000, 1>}, {pipeline_mode = #tpu.pipeline_mode<synchronous>, transform_indices = @transform_4, window_bounds = array<i64: 128, 128>}, {pipeline_mode = #tpu.pipeline_mode<synchronous>, transform_indices = @transform_5, window_bounds = array<i64: 128, 128>}, {pipeline_mode = #tpu.pipeline_mode<synchronous>, transform_indices = @transform_6, window_bounds = array<i64: 1, 128>}, {pipeline_mode = #tpu.pipeline_mode<synchronous>, transform_indices = @transform_7, window_bounds = array<i64: 128, 128>}, {pipeline_mode = #tpu.pipeline_mode<synchronous>, transform_indices = @transform_8, window_bounds = array<i64: 1, 128>}, {transform_indices = @transform_9, window_bounds = array<i64: 1000, 128>}]} {
    %get3A = arith.constant 0 : index
    %get3A_0 = arith.constant 0 : index
    %get3A_1 = vector.load %arg1[%get3A, %get3A_0] : memref<1000x128xf32, #tpu.memory_space<vmem>>, vector<1000x128xf32>
    %get3A_2 = arith.constant 0 : index
    %get3A_3 = arith.constant 0 : index
    %get3A_4 = arith.constant 0 : index
    %get3A_5 = vector.load %arg2[%get3A_2, %get3A_3, %get3A_4] : memref<2x1000x128xf32, #tpu.memory_space<vmem>>, vector<1x1000x128xf32>
    %get3A_6 = vector.shape_cast %get3A_5 : vector<1x1000x128xf32> to vector<1000x128xf32>
    %get3A_7 = arith.constant 1 : index
    %get3A_8 = arith.constant 0 : index
    %get3A_9 = arith.constant 0 : index
    %get3A_10 = vector.load %arg2[%get3A_7, %get3A_8, %get3A_9] : memref<2x1000x128xf32, #tpu.memory_space<vmem>>, vector<1x1000x128xf32>
    %get3A_11 = vector.shape_cast %get3A_10 : vector<1x1000x128xf32> to vector<1000x128xf32>
    %add3A = arith.addf %get3A_6, %get3A_11 : vector<1000x128xf32>
    %get3A_12 = arith.constant 0 : index
    %get3A_13 = arith.constant 0 : index
    %get3A_14 = arith.constant 0 : index
    %get3A_15 = vector.load %arg3[%get3A_12, %get3A_13, %get3A_14] : memref<2x1000x128xf32, #tpu.memory_space<vmem>>, vector<1x1000x128xf32>
    %get3A_16 = vector.shape_cast %get3A_15 : vector<1x1000x128xf32> to vector<1000x128xf32>
    %get3A_17 = arith.constant 1 : index
    %get3A_18 = arith.constant 0 : index
    %get3A_19 = arith.constant 0 : index
    %get3A_20 = vector.load %arg3[%get3A_17, %get3A_18, %get3A_19] : memref<2x1000x128xf32, #tpu.memory_space<vmem>>, vector<1x1000x128xf32>
    %get3A_21 = vector.shape_cast %get3A_20 : vector<1x1000x128xf32> to vector<1000x128xf32>
    %add3A_22 = arith.addf %get3A_16, %get3A_21 : vector<1000x128xf32>
    %add3A_23 = arith.addf %add3A, %add3A_22 : vector<1000x128xf32>
    %get3A_24 = arith.constant 0 : index
    %get3A_25 = arith.constant 0 : index
    %get3A_26 = vector.load %arg5[%get3A_24, %get3A_25] : memref<128x128xf32, #tpu.memory_space<vmem>>, vector<128x128xf32>
    %dot_general3A = arith.constant dense<0.000000e+00> : vector<1000x128xf32>
    %dot_general3A_27 = tpu.matmul %get3A_1, %get3A_26, %dot_general3A {dimension_numbers = #tpu.dot_dimension_numbers<[1], [0], [0], [1], [0, 0, 1, 1], [], []>, transpose_lhs_hint = false} : vector<1000x128xf32>, vector<128x128xf32>, vector<1000x128xf32> -> vector<1000x128xf32>
    %get3A_28 = arith.constant 0 : index
    %get3A_29 = arith.constant 0 : index
    %get3A_30 = vector.load %arg6[%get3A_28, %get3A_29] : memref<128x128xf32, #tpu.memory_space<vmem>>, vector<128x128xf32>
    %dot_general3A_31 = arith.constant dense<0.000000e+00> : vector<1000x128xf32>
    %dot_general3A_32 = tpu.matmul %add3A_23, %get3A_30, %dot_general3A_31 {dimension_numbers = #tpu.dot_dimension_numbers<[1], [0], [0], [1], [0, 0, 1, 1], [], []>, transpose_lhs_hint = false} : vector<1000x128xf32>, vector<128x128xf32>, vector<1000x128xf32> -> vector<1000x128xf32>
    %add3A_33 = arith.addf %dot_general3A_27, %dot_general3A_32 : vector<1000x128xf32>
    %get3A_34 = arith.constant 0 : index
    %get3A_35 = arith.constant 0 : index
    %get3A_36 = vector.load %arg7[%get3A_34, %get3A_35] : memref<1x128xf32, #tpu.memory_space<vmem>>, vector<1x128xf32>
    %add3A_37 = vector.broadcast %get3A_36 : vector<1x128xf32> to vector<1000x128xf32>
    %add3A_38 = arith.addf %add3A_33, %add3A_37 : vector<1000x128xf32>
    %logistic3A = arith.negf %add3A_38 : vector<1000x128xf32>
    %logistic3A_39 = math.exp %logistic3A : vector<1000x128xf32>
    %logistic3A_40 = arith.constant 1.000000e+00 : f32
    %logistic3A_41 = vector.broadcast %logistic3A_40 : f32 to vector<1000x128xf32>
    %logistic3A_42 = arith.addf %logistic3A_41, %logistic3A_39 : vector<1000x128xf32>
    %logistic3A_43 = arith.divf %logistic3A_41, %logistic3A_42 : vector<1000x128xf32>
    %mul3A = arith.mulf %add3A_38, %logistic3A_43 : vector<1000x128xf32>
    %get3A_44 = arith.constant 0 : index
    %get3A_45 = arith.constant 0 : index
    %get3A_46 = vector.load %arg8[%get3A_44, %get3A_45] : memref<128x128xf32, #tpu.memory_space<vmem>>, vector<128x128xf32>
    %dot_general3A_47 = arith.constant dense<0.000000e+00> : vector<1000x128xf32>
    %dot_general3A_48 = tpu.matmul %mul3A, %get3A_46, %dot_general3A_47 {dimension_numbers = #tpu.dot_dimension_numbers<[1], [0], [0], [1], [0, 0, 1, 1], [], []>, transpose_lhs_hint = false} : vector<1000x128xf32>, vector<128x128xf32>, vector<1000x128xf32> -> vector<1000x128xf32>
    %add3A_49 = arith.addf %get3A_1, %dot_general3A_48 : vector<1000x128xf32>
    %get3A_50 = arith.constant 0 : index
    %get3A_51 = arith.constant 0 : index
    %get3A_52 = vector.load %arg9[%get3A_50, %get3A_51] : memref<1x128xf32, #tpu.memory_space<vmem>>, vector<1x128xf32>
    %add3A_53 = vector.broadcast %get3A_52 : vector<1x128xf32> to vector<1000x128xf32>
    %add3A_54 = arith.addf %add3A_49, %add3A_53 : vector<1000x128xf32>
    %get3A_55 = arith.constant 0 : index
    %get3A_56 = arith.constant 0 : index
    %get3A_57 = vector.load %arg4[%get3A_55, %get3A_56] : memref<1000x1xf32, #tpu.memory_space<vmem>>, vector<1000x1xf32>
    %mul3A_58 = vector.broadcast %get3A_57 : vector<1000x1xf32> to vector<1000x128xf32>
    %mul3A_59 = arith.mulf %add3A_54, %mul3A_58 : vector<1000x128xf32>
    %swap3A = arith.constant 0 : index
    %swap3A_60 = arith.constant 0 : index
    %swap3A_61 = vector.load %arg10[%swap3A, %swap3A_60] : memref<1000x128xf32, #tpu.memory_space<vmem>>, vector<1000x128xf32>
    tpu.vector_store %arg10[%swap3A, %swap3A_60], %mul3A_59 {strides = array<i32>} : memref<1000x128xf32, #tpu.memory_space<vmem>>, vector<1000x128xf32>,
    return
  }
  func.func @transform_0(%arg0: i32) -> (i32, i32) {
    %c0_i32 = arith.constant 0 : i32
    %c0_i32_0 = arith.constant 0 : i32
    return %arg0, %c0_i32 : i32, i32
  }
  func.func @transform_1(%arg0: i32) -> (i32, i32, i32) {
    %c0_i32 = arith.constant 0 : i32
    %c0_i32_0 = arith.constant 0 : i32
    %c0_i32_1 = arith.constant 0 : i32
    return %c0_i32, %arg0, %c0_i32_0 : i32, i32, i32
  }
  func.func @transform_2(%arg0: i32) -> (i32, i32, i32) {
    %c0_i32 = arith.constant 0 : i32
    %c0_i32_0 = arith.constant 0 : i32
    %c0_i32_1 = arith.constant 0 : i32
    return %c0_i32, %arg0, %c0_i32_0 : i32, i32, i32
  }
  func.func @transform_3(%arg0: i32) -> (i32, i32) {
    %c0_i32 = arith.constant 0 : i32
    %c0_i32_0 = arith.constant 0 : i32
    return %arg0, %c0_i32 : i32, i32
  }
  func.func @transform_4(%arg0: i32) -> (i32, i32) {
    %c0_i32 = arith.constant 0 : i32
    %c0_i32_0 = arith.constant 0 : i32
    %c0_i32_1 = arith.constant 0 : i32
    return %c0_i32, %c0_i32_0 : i32, i32
  }
  func.func @transform_5(%arg0: i32) -> (i32, i32) {
    %c0_i32 = arith.constant 0 : i32
    %c0_i32_0 = arith.constant 0 : i32
    %c0_i32_1 = arith.constant 0 : i32
    return %c0_i32, %c0_i32_0 : i32, i32
  }
  func.func @transform_6(%arg0: i32) -> (i32, i32) {
    %c0_i32 = arith.constant 0 : i32
    %c0_i32_0 = arith.constant 0 : i32
    %c0_i32_1 = arith.constant 0 : i32
    return %c0_i32, %c0_i32_0 : i32, i32
  }
  func.func @transform_7(%arg0: i32) -> (i32, i32) {
    %c0_i32 = arith.constant 0 : i32
    %c0_i32_0 = arith.constant 0 : i32
    %c0_i32_1 = arith.constant 0 : i32
    return %c0_i32, %c0_i32_0 : i32, i32
  }
  func.func @transform_8(%arg0: i32) -> (i32, i32) {
    %c0_i32 = arith.constant 0 : i32
    %c0_i32_0 = arith.constant 0 : i32
    %c0_i32_1 = arith.constant 0 : i32
    return %c0_i32, %c0_i32_0 : i32, i32
  }
  func.func @transform_9(%arg0: i32) -> (i32, i32) {
    %c0_i32 = arith.constant 0 : i32
    %c0_i32_0 = arith.constant 0 : i32
    return %arg0, %c0_i32 : i32, i32
  }
}

</mosaic_0001>

<sc_bundles>
// kernel: kernel.10.cloned.1.call-start
scs
__scs_entry_jumppad:
0x0: {  	(pc) =	sbr.rel $0x88, $3  }
0x1: {  	(tag) =	ssettag $0x0;
	lr =	simm.s32 $0x1  }
0x2: {  	[smem:$0x3F8E] =	sst lr;
	_ =	strace $0xD0000000  }
0x3: {  	_ = 	snop  }
0x4: {  	_ = 	snop  }
0x5: {  	_ = 	snop  }
0x6: {  	_ = 	snop  }
0x7: {  	_ = 	snop  }
__scs_overlays_trampoline_lowered:
0x8: {  	[smem:$0x3F9D] =	sst s0  }
0x9: {  	[smem:$0x3F9E] =	sst s1  }
0xa: {  	[smem:$0x3F9F] =	sst s2  }
0xb: {  	[smem:$0x3FA0] =	sst s3  }
0xc: {  	[smem:$0x3FA1] =	sst s4  }
0xd: {  	[smem:$0x3FA2] =	sst s5  }
0xe: {  	[smem:$0x3FA3] =	sst s6  }
0xf: {  	[smem:$0x3FA4] =	sst s7  }
0x10: {  	[smem:$0x3FA5] =	sst s8  }
0x11: {  	[smem:$0x3FA6] =	sst s9;
	s0 =	simm.s32 @!p0 $0x0  }
0x12: {  	s1 =	sld [smem:$0x3F8C];
	s0 =	simm.s32 @p0 $0x1  }
0x13: {  	[smem:$0x3FA7] =	sst s0;
	s0 =	simm.s32 @!p1 $0x0  }
0x14: {  	s2 =	sld [smem:$0x3F8B];
	s0 =	simm.s32 @p1 $0x1  }
0x15: {  	[smem:$0x3FA8] =	sst s0;
	s0 =	simm.s32 @!p2 $0x0  }
0x16: {  	s3 =	sld [smem:$0x3FDB];
	s0 =	simm.s32 @p2 $0x1  }
0x17: {  	s4 =	simm.s32 $0x1BF5;
	[smem:$0x3FAA] =	sst s0  }
0x18: {  	s0 =	sld [smem:$0x3F8D];
	_ =	swait.ge [sflag:s4], $0x0  }
0x19: {  	s7 =	sld [smem:$0x3F8E]  }
0x1a: {  	s8 =	sadd.s32 $0xFFFFE003, lr  }
0x1b: {  	s9 =	sadd.s32 $0xFFFFFEF7, lr;
	s5 =	simm.s32 $0xFFFFFFFF;
	p2 =	slt.u32 s8, $0xFFFFF086  }
0x1c: {  	p1 =	slt.u32 s9, $0xF7A;
	s5 =	simm.s32 @!p2 $0x0  }
0x1d: {  	s5 =	simm.s32 @p1 $0x1;
	p0 =	seq.s32 s7, s2  }
0x1e: {  	s7 =	smul.u32 @!p0 $0xF7A, s2;
	p2 =	seq.s32 @!p0 s5, $0x0  }
0x1f: {  	s9 =	smul.u32 $0xF7A, s1;
	s8 =	simm.s32 @!p0 $0x1BF5;
	p2 =	por !p2, p0  }
0x20: {  	[sflag:s8] =	ssyncset.s32 @!p0 $0xFFFFF086;
	s6 =	sadd.s32 @!p0 s3, s7;
	s7 =	simm.s32 @!p0 $0x108  }
0x21: {  	s3 =	sadd.s32 s3, s9;
	s6 =	sadd.s32 @!p0 $0x88, s6;
	s7 =	simm.s32 @p2 $0x1082  }
0x22: {  	[simem:s7], [sflag:s8] =	dma.local @!p0 [hbm:s6], $0xF7A  }
0x23: {  	s9 =	sor.u32 $0xD0000000, s2;
	s6 =	simm.s32 $0x108;
	_ =	swait.ge @!p0 [sflag:s8], $0x0  }
0x24: {  	s3 =	sadd.s32 $0x88, s3;
	s6 =	simm.s32 @!p1 $0x1082;
	[sflag:s4] =	ssyncset.s32 $0xFFFFF086  }
0x25: {  	[simem:s6], [sflag:s4] =	dma.local [hbm:s3], $0xF7A  }
0x26: {  	[smem:$0x3F8E] =	sst s1;
	(tag) =	ssettag s2;
	_ =	strace s9  }
0x27: {  	s1 =	sld [smem:$0x3F9E]  }
0x28: {  	s2 =	sld [smem:$0x3F9F]  }
0x29: {  	s4 =	sld [smem:$0x3FA1]  }
0x2a: {  	p0 =	seq.s32 s5, $0x0;
	s5 =	sld [smem:$0x3FA2]  }
0x2b: {  	s6 =	sld [smem:$0x3FA3]  }
0x2c: {  	s7 =	sld [smem:$0x3FA4]  }
0x2d: {  	s3 =	simm.s32 $0x108;
	s8 =	sld [smem:$0x3FA5]  }
0x2e: {  	s3 =	simm.s32 @!p0 $0x1082;
	s9 =	sld [smem:$0x3FA6]  }
0x2f: {  	lr =	sadd.s32 s0, s3;
	s0 =	sld [smem:$0x3F9D]  }
0x30: {  	s3 =	sld [smem:$0x3FA0]  }
0x31: {  	[smem:$0x3FA9] =	sst s10  }
0x32: {  	s10 =	sld [smem:$0x3FA7];
	_ =	sdelay $0x3  }
0x33: {  	p0 =	seq.s32 s10, $0x1;
	s10 =	sld [smem:$0x3FA9];
	_ =	sdelay $0x3  }
0x34: {  	[smem:$0x3FA9] =	sst s10  }
0x35: {  	s10 =	sld [smem:$0x3FA8];
	_ =	sdelay $0x3  }
0x36: {  	p1 =	seq.s32 s10, $0x1;
	s10 =	sld [smem:$0x3FA9];
	_ =	sdelay $0x3  }
0x37: {  	[smem:$0x3FA9] =	sst s10  }
0x38: {  	s10 =	sld [smem:$0x3FAA]  }
0x39: {  	_ = 	snop;
	(pc) =	sbr.ind lr, $3  }
0x3a: {  	_ = 	snop  }
0x3b: {  	_ = 	snop  }
0x3c: {  	p2 =	seq.s32 s10, $0x1;
	s10 =	sld [smem:$0x3FA9]  }
0x3d: {  	_ =	shalt  }
0x3e: {  	_ =	shalt  }
0x3f: {  	_ =	shalt  }
0x40: {  	_ =	shalt  }
0x41: {  	_ =	shalt  }
0x42: {  	_ =	shalt  }
0x43: {  	_ =	shalt  }
0x44: {  	_ =	shalt  }
0x45: {  	_ =	shalt  }
0x46: {  	_ =	shalt  }
0x47: {  	_ =	shalt  }
0x48: {  	_ =	shalt  }
0x49: {  	_ =	shalt  }
0x4a: {  	_ =	shalt  }
0x4b: {  	_ =	shalt  }
0x4c: {  	_ =	shalt  }
0x4d: {  	_ =	shalt  }
0x4e: {  	_ =	shalt  }
0x4f: {  	_ =	shalt  }
0x50: {  	_ =	shalt  }
0x51: {  	_ =	shalt  }
0x52: {  	_ =	shalt  }
0x53: {  	_ =	shalt  }
0x54: {  	_ =	shalt  }
0x55: {  	_ =	shalt  }
0x56: {  	_ =	shalt  }
0x57: {  	_ =	shalt  }
0x58: {  	_ =	shalt  }
0x59: {  	_ =	shalt  }
0x5a: {  	_ =	shalt  }
0x5b: {  	_ =	shalt  }
0x5c: {  	_ =	shalt  }
0x5d: {  	_ =	shalt  }
0x5e: {  	_ =	shalt  }
0x5f: {  	_ =	shalt  }
0x60: {  	_ =	shalt  }
0x61: {  	_ =	shalt  }
0x62: {  	_ =	shalt  }
0x63: {  	_ =	shalt  }
0x64: {  	_ =	shalt  }
0x65: {  	_ =	shalt  }
0x66: {  	_ =	shalt  }
0x67: {  	_ =	shalt  }
0x68: {  	_ =	shalt  }
0x69: {  	_ =	shalt  }
0x6a: {  	_ =	shalt  }
0x6b: {  	_ =	shalt  }
0x6c: {  	_ =	shalt  }
0x6d: {  	_ =	shalt  }
0x6e: {  	_ =	shalt  }
0x6f: {  	_ =	shalt  }
0x70: {  	_ =	shalt  }
0x71: {  	_ =	shalt  }
0x72: {  	_ =	shalt  }
0x73: {  	_ =	shalt  }
0x74: {  	_ =	shalt  }
0x75: {  	_ =	shalt  }
0x76: {  	_ =	shalt  }
0x77: {  	_ =	shalt  }
0x78: {  	_ =	shalt  }
0x79: {  	_ =	shalt  }
0x7a: {  	_ =	shalt  }
0x7b: {  	_ =	shalt  }
0x7c: {  	_ =	shalt  }
0x7d: {  	_ =	shalt  }
0x7e: {  	_ =	shalt  }
0x7f: {  	_ =	shalt  }
0x80: {  	_ =	shalt  }
0x81: {  	_ =	shalt  }
0x82: {  	_ =	shalt  }
0x83: {  	_ =	shalt  }
0x84: {  	_ =	shalt  }
0x85: {  	_ =	shalt  }
0x86: {  	_ =	shalt  }
0x87: {  	_ =	shalt  }
.Lfunc_end0:
.L_simem_size_0:
called_computation_lowered:
.L_overlay_start_0:
0x88: {  	s2 =	sld [smem:$0x3FD9]  }
0x89: {  	s3 =	sld [smem:$0x3FFE];
	_ =	sdelay $0x1  }
0x8a: {  	s1 =	srdreg.scid  }
0x8b: {  	s0 =	sand.u32 $0x1, s1  }
0x8c: {  	s17 =	sshll.u32 s0, $0xA;
	s2 =	sadd.s32 s3, s2  }
0x8d: {  	s2 =	sadd.s32 s2, s17  }
0x8e: {  	[smem:$0x3FB5] =	sst s2  }
0x8f: {  	_ = 	snop  }
0x90: {  	s18 =	sld [smem:$0x3FD0];
	(tm) =	ssettm $0x1  }
0x91: {  	s19 =	sld [smem:$0x3FFB];
	_ =	sdelay $0x3  }
0x92: {  	_ =	strace s19  }
0x93: {  	s2 =	sld [smem:$0x3FFC];
	_ =	sdelay $0x3  }
0x94: {  	_ =	strace s2  }
0x95: {  	s2 =	sld [smem:$0x3FFD];
	_ =	sdelay $0x3  }
0x96: {  	_ =	strace s2  }
0x97: {  	_ =	strace $0x8FFFFFFF  }
0x98: {  	s20 =	sld [smem:$0x3FDB];
	_ =	sdelay $0x1  }
0x99: {  	s4 =	simm.s32 $_scs_section_size  }
0x9a: {  	s5 =	simm.s32 $_size__tile_overlayer_lowered;
	s6 =	simm.s32 $_tile_overlayer_lowered  }
0x9b: {  	s7 =	simm.s32 $0x1BFF;
	s21 =	sshll.u32 s6, $0x1;
	s4 =	sadd.s32 s4, s20  }
0x9c: {  	s22 =	simm.s32 $0x0;
	s5 =	sshll.u32 s5, $0x1;
	s6 =	sadd.s32 s21, s4  }
0x9d: {  	[timem:s22], [sflag:s7] =	dma.local [hbm:s6], s5  }
0x9e: {  	_ =	swait.ge [sflag:s7], s5  }
0x9f: {  	s5 =	ssub.s32 $0x0, s5;
	[sflag:s7] =	ssyncset.done $0x0  }
0xa0: {  	[sflag:s7] =	ssyncadd.s32 s5;
	_ =	sdelay $0x1  }
0xa1: {  	s23 =	simm.s32 $0x1B8B  }
0xa2: {  	_ =	swait.ge [sflag:s23], $0x1  }
0xa3: {  	[sflag:s23] =	ssyncset.done $0x0  }
0xa4: {  	[sflag:s23] =	ssyncadd.s32 $0xFFFFFFFF  }
0xa5: {  	s5 =	sld [smem:$0x0]  }
0xa6: {  	s6 =	sand.u32 $0xFFFFFFFE, s1  }
0xa7: {  	p0 =	sne.s32 s1, s6  }
0xa8: {  	s6 =	sshll.u32 @p0 s6, $0xE  }
0xa9: {  	s6 =	sadd.s32 @p0 $0x11B8D, s6;
	s7 =	sshll.u32 @p0 s5, $0x11  }
0xaa: {  	s6 =	sor.u32 @p0 s7, s6  }
0xab: {  	[sflag:s6] =	ssyncadd.remote.s32 @p0 $0x1;
	_ =	sdelay $0x1  }
0xac: {  	s6 =	simm.s32 @p0 $0x1B8D  }
0xad: {  	_ =	swait.eq @p0 [sflag:s6], $0x1  }
0xae: {  	[sflag:s6] =	ssyncadd.s32 @p0 $0xFFFFFFFF  }
0xaf: {  	s7 =	sshll.u32 @!p0 s1, $0xE  }
0xb0: {  	s7 =	sor.u32 @!p0 $0x4000, s7;
	s6 =	simm.s32 @!p0 $0x1B8D  }
0xb1: {  	s5 =	sshll.u32 @!p0 s5, $0x11;
	s7 =	sadd.s32 @!p0 $0x11B8D, s7;
	_ =	swait.eq @!p0 [sflag:s6], $0x1  }
0xb2: {  	s5 =	sor.u32 @!p0 s5, s7;
	[sflag:s6] =	ssyncadd.s32 @!p0 $0xFFFFFFFF  }
0xb3: {  	s25 =	simm.s32 $0x1B8E;
	s24 =	sld [smem:$0x3FFE];
	[sflag:s5] =	ssyncadd.remote.s32 @!p0 $0x1  }
0xb4: {  	s26 =	simm.s32 $execute0_lowered;
	[smem:$0x3FD2] =	sst s25  }
0xb5: {  	s6 =	sshll.u32 s26, $0x1;
	_ =	strace $0x80000049;
	[dreg:$0x1] =	wrdreg $0xFFFFFFFF  }
0xb6: {  	s28 =	simm.s32 $_size_execute0_lowered;
	s4 =	sadd.s32 s4, s6;
	[dreg:$0x0] =	wrdreg $0x0  }
0xb7: {  	s6 =	sshll.u32 s28, $0x1;
	[dreg:$0x2] =	wrdreg s4  }
0xb8: {  	[dreg:$0x3] =	wrdreg s6  }
0xb9: {  	[dreg:$0x4] =	wrdreg $0xC0  }
0xba: {  	_ =	task [dreg:s22], $0x5FFFF  }
0xbb: {  	[dreg:$0x1] =	wrdreg $0xFFFFFFFF  }
0xbc: {  	[dreg:$0x0] =	wrdreg $0x60  }
0xbd: {  	[dreg:$0x2] =	wrdreg s18  }
0xbe: {  	[dreg:$0x3] =	wrdreg s24  }
0xbf: {  	[dreg:$0x4] =	wrdreg $0xA8000  }
0xc0: {  	[dreg:$0x5] =	wrdreg $0x9  }
0xc1: {  	_ =	task.clear_ibuf [dreg:s22], $0x6FFFF;
	_ =	strace $0x90000049  }
0xc2: {  	s29 =	simm.s32 $0x9;
	_ =	strace $0x8000004B  }
0xc3: {  	_ =	swait.ge [sflag:s29], $0x1  }
0xc4: {  	[sflag:s29] =	ssyncadd.s32 $0xFFFFFFFF  }
0xc5: {  	_ =	strace $0x9000004B  }
0xc6: {  	_ =	sfence  }
0xc7: {  	s30 =	sld [smem:$0x0];
	_ =	sdelay $0x2  }
0xc8: {  	s31 =	sshll.u32 s1, $0xD;
	s1 =	sshrl.u32 s1, $0x2  }
0xc9: {  	s4 =	sand.u32 $0x4000, s31;
	s1 =	sadd.s32 s1, s30  }
0xca: {  	s0 =	sor.u32 s4, s0;
	s1 =	sshll.u32 s1, $0x11  }
0xcb: {  	s0 =	sor.u32 s1, s0  }
0xcc: {  	s0 =	sadd.s32 $0x8F2B, s0  }
0xcd: {  	[sflag:s0] =	ssyncadd.remote.s32 $0x1  }
0xce: {  	_ =	sfence.sel $0xFFFF  }
0xcf: {  	[dreg:$0x0] =	wrdreg $0xFFFFFFFF;
	(pc) =	sbr.abs _section_cstart, $3  }
0xd0: {  	[dreg:$0x1] =	wrdreg $0xFFFFFFFF  }
0xd1: {  	_ =	task.clear_ibuf [dreg:s22], $0x2FFFF;
	_ =	strace $0x9FFFFFFF  }
0xd2: {  	(tm) =	ssettm $0x7FFFFFFF  }
0xd3: {  	_ =	shalt  }
tec
execute0_lowered:
.L_overlay_start_1:
0x0: {  	(tag) =	ssettag $0x1  }
0x1: {  	s1 =	rddreg [dreg:$0x0];
	s2 =	srdreg.scid  }
0x2: {  	s0 =	stileid.u32;
	s4 =	rddreg [dreg:$0x1];
	s19 =	simm.s32 $0x2800  }
0x3: {  	s20 =	simm.s32 $0x6800;
	s21 =	simm.s32 $0x1;
	s22 =	simm.s32 $0x2  }
0x4: {  	s23 =	simm.s32 $0x3;
	s24 =	simm.s32 $0x80;
	s25 =	simm.s32 $0x0  }
0x5: {  	s8 =	sand.u32 $0x1, s2;
	s3 =	sshll.u32 s0, $0x1;
	s10 =	smul.u32 $0x4E000, s0  }
0x6: {  	s2 =	rddreg [dreg:$0x2];
	s11 =	sadd.s32 $0x4FA600, s4;
	s13 =	smul.u32 $0x2700, s0  }
0x7: {  	s12 =	sadd.s32 $0x76B600, s4;
	s15 =	smul.u32 $0x28000, s0;
	s6 =	sor.u32 s8, s3  }
0x8: {  	s3 =	simm.s32 $0x0;
	s28 =	ssub.s32 $0x2, s8;
	s29 =	smul.u32 $0x14000, s8  }
0x9: {  	s16 =	sadd.s32 $0x124800, s2;
	s8 =	sadd.s32 $0x24900, s1;
	s5 =	smul.u32 $0x280, s6  }
0xa: {  	[smem:$0x7FF] =	sst s3;
	s9 =	sshrl.u32 s28, $0x1;
	p0 =	seq.s32 s6, $0x1F  }
0xb: {  	s10 =	sshrl.u32 s10, $0x2;
	s14 =	smul.u32 $0x14000, s6;
	s30 =	sadd.s32 s15, s12  }
0xc: {  	s15 =	sadd.s32 s15, s11;
	_ =	strace $0x8000004A;
	s9 =	ssub.s32 s28, s9  }
0xd: {  	s18 =	sadd.s32 s10, s2;
	s31 =	sadd.s32 s29, s15;
	s15 =	simm.s32 $0x1400  }
0xe: {  	s7 =	sadd.s32 s5, s4;
	s4 =	simm.s32 $0x9;
	s9 =	smax.u32 s9, $0x1  }
0xf: {  	s10 =	sadd.s32 s11, s14;
	s11 =	sadd.s32 s12, s14;
	s4 =	simm.s32 @!p0 $0x27  }
0x10: {  	s14 =	simm.s32 $0x4;
	s5 =	sadd.s32 $0x4F0600, s7;
	s6 =	sadd.s32 $0x4F5600, s7  }
0x11: {  	s7 =	sadd.s32 s1, s13;
	s1 =	sadd.s32 s29, s30;
	p0 =	seq.s32 s0, $0xF  }
0x12: {  	s13 =	sadd.s32 $0x800, s31;
	s1 =	sadd.s32 $0x800, s1;
	s12 =	sshll.u32 @!p0 s0, $0x6  }
0x13: {  	s16 =	sshrl.u32 @p0 s16, $0x3;
	s18 =	sshrl.u32 @!p0 s18, $0x3;
	s17 =	sor.u32 @!p0 $0x1C04, s12  }
.LBB2_1:
0x14: {  	[tilespmem:s3], [sflag:$0x4] =	stream.linear.gather [hbm4b:s5+s3], $0x1400, $0x38;
	[tilespmem:$0x1E080] =	vst v63  }
0x15: {  	_ =	swait.ge [sflag:s14], $0x1400  }
0x16: {  	[sflag:s14] =	ssyncset.done $0x0  }
0x17: {  	[sflag:s14] =	ssyncadd.s32 $0xFFFFEC00  }
0x18: {  	[tilespmem:s15], [sflag:$0x4] =	stream.linear.gather [hbm4b:s6+s3], $0x1400, $0x38;
	[tilespmem:$0x1E080] =	vst v63  }
0x19: {  	_ =	swait.ge [sflag:s14], $0x1400  }
0x1a: {  	[sflag:s14] =	ssyncset.done $0x0  }
0x1b: {  	s12 =	simm.s32 @p0 $0x1FC4;
	[sflag:s14] =	ssyncadd.s32 $0xFFFFEC00  }
0x1c: {  	[spmem:s16], [sflag:s12] =	dma.local @p0 [hbm:s8], $0x2800  }
0x1d: {  	s12 =	simm.s32 @p0 $0x4  }
0x1e: {  	_ =	swait.ge @p0 [sflag:s12], $0x2800  }
0x1f: {  	[sflag:s12] =	ssyncset.done @p0 $0x0  }
0x20: {  	[sflag:s12] =	ssyncadd.s32 @p0 $0xFFFFD800;
	s12 =	simm.s32 @!p0 $0x4  }
0x21: {  	[spmem:s18], [sflag:s17] =	dma.local @!p0 [hbm:s7], $0x2700  }
0x22: {  	_ =	swait.ge @!p0 [sflag:s12], $0x2700  }
0x23: {  	[sflag:s12] =	ssyncset.done @!p0 $0x0  }
0x24: {  	[sflag:s12] =	ssyncadd.s32 @!p0 $0xFFFFD900  }
0x25: {  	[bflag:$0x0] =	sbarrier.arrive $0xFFFF  }
0x26: {  	[tilespmem:s19], [sflag:$0x1] =	stream.indirect.gather [spmem:s2], $0x80, s3, s24, $0xb8;
	[tilespmem:$0x1E080] =	vst v63  }
0x27: {  	_ = 	snop  }
0x28: {  	[tilespmem:s20], [sflag:$0x1] =	stream.indirect.gather [spmem:s2], $0x80, s15, s24, $0xb8;
	[tilespmem:$0x1E080] =	vst v63  }
0x29: {  	_ =	swait.ge [sflag:s21], $0x4000  }
0x2a: {  	[sflag:s21] =	ssyncset.done $0x0  }
0x2b: {  	[sflag:s21] =	ssyncadd.s32 $0xFFFFC000  }
0x2c: {  	_ =	swait.ge [sflag:s21], $0x4000  }
0x2d: {  	[sflag:s21] =	ssyncset.done $0x0  }
0x2e: {  	[sflag:s21] =	ssyncadd.s32 $0xFFFFC000  }
0x2f: {  	[hbm4b:s10+s3] =	stream.linear.scatter [tilespmem:s19], [sflag:$0x2], $0x4000, $0x38;
	[tilespmem:$0x1E080] =	vst v63  }
0x30: {  	_ = 	snop  }
0x31: {  	[hbm4b:s11+s3] =	stream.linear.scatter [tilespmem:s20], [sflag:$0x3], $0x4000, $0x38;
	[tilespmem:$0x1E080] =	vst v63  }
0x32: {  	_ =	swait.ge [sflag:s22], $0x4000  }
0x33: {  	[sflag:s22] =	ssyncset.done $0x0  }
0x34: {  	[sflag:s22] =	ssyncadd.s32 $0xFFFFC000  }
0x35: {  	_ =	swait.ge [sflag:s23], $0x4000  }
0x36: {  	[sflag:s23] =	ssyncset.done $0x0  }
0x37: {  	[sflag:s23] =	ssyncadd.s32 $0xFFFFC000  }
0x38: {  	[tilespmem:s19], [sflag:$0x1] =	stream.indirect.gather [spmem:s2], $0x80, s24, s24, $0xb8;
	[tilespmem:$0x1E080] =	vst v63  }
0x39: {  	s26 =	simm.s32 $0x1480  }
0x3a: {  	[tilespmem:s20], [sflag:$0x1] =	stream.indirect.gather [spmem:s2], $0x80, s26, s24, $0xb8;
	[tilespmem:$0x1E080] =	vst v63  }
0x3b: {  	_ =	swait.ge [sflag:s21], $0x4000  }
0x3c: {  	p1 =	sne.s32 s4, $0x1;
	[sflag:s21] =	ssyncset.done $0x0  }
.Ltmp0:
0x3d: {  	[sflag:s21] =	ssyncadd.s32 $0xFFFFC000;
	(pc) =	sbr.rel @!p1 .LBB2_3-.Ltmp0, $4  }
0x3e: {  	s28 =	sadd.s32 $0x800, s13;
	s29 =	simm.s32 $0x100;
	_ =	swait.ge [sflag:s21], $0x4000  }
0x3f: {  	s30 =	simm.s32 $0x1500;
	s31 =	sadd.s32 $0x800, s1;
	[sflag:s21] =	ssyncset.done $0x0  }
0x40: {  	s12 =	smov.u32 s1;
	s26 =	sadd.s32 $0xFFFFFFFF, s4;
	[sflag:s21] =	ssyncadd.s32 $0xFFFFC000  }
0x41: {  	[hbm4b:s13+s3] =	stream.linear.scatter [tilespmem:s19], [sflag:$0x2], $0x4000, $0x38;
	[tilespmem:$0x1E080] =	vst v63  }
.LBB2_2:
0x42: {  	[hbm4b:s12+s3] =	stream.linear.scatter [tilespmem:s20], [sflag:$0x3], $0x4000, $0x38;
	[tilespmem:$0x1E080] =	vst v63  }
0x43: {  	p1 =	sne.s32 s26, $0x1;
	s26 =	sadd.s32 $0xFFFFFFFF, s26;
	_ =	swait.ge [sflag:s22], $0x4000  }
0x44: {  	s0 =	smov.u32 s28;
	s12 =	smov.u32 s31;
	[sflag:s22] =	ssyncset.done $0x0  }
0x45: {  	[sflag:s22] =	ssyncadd.s32 $0xFFFFC000  }
0x46: {  	_ =	swait.ge [sflag:s23], $0x4000  }
0x47: {  	[sflag:s23] =	ssyncset.done $0x0  }
0x48: {  	[sflag:s23] =	ssyncadd.s32 $0xFFFFC000  }
0x49: {  	[tilespmem:s19], [sflag:$0x1] =	stream.indirect.gather [spmem:s2], $0x80, s29, s24, $0xb8;
	[tilespmem:$0x1E080] =	vst v63  }
0x4a: {  	_ = 	snop  }
0x4b: {  	[tilespmem:s20], [sflag:$0x1] =	stream.indirect.gather [spmem:s2], $0x80, s30, s24, $0xb8;
	[tilespmem:$0x1E080] =	vst v63  }
0x4c: {  	_ =	swait.ge [sflag:s21], $0x4000  }
0x4d: {  	[sflag:s21] =	ssyncset.done $0x0  }
0x4e: {  	[sflag:s21] =	ssyncadd.s32 $0xFFFFC000  }
.Ltmp1:
0x4f: {  	_ =	swait.ge [sflag:s21], $0x4000;
	(pc) =	sbr.rel @p1 .LBB2_2-.Ltmp1, $4  }
0x50: {  	[sflag:s21] =	ssyncset.done $0x0  }
0x51: {  	s28 =	sadd.s32 $0x800, s28;
	[sflag:s21] =	ssyncadd.s32 $0xFFFFC000  }
0x52: {  	[hbm4b:s0+s3] =	stream.linear.scatter [tilespmem:s19], [sflag:$0x2], $0x4000, $0x38;
	[tilespmem:$0x1E080] =	vst v63  }
0x53: {  	s31 =	sadd.s32 $0x800, s31;
	s29 =	sadd.s32 $0x80, s29;
	s30 =	sadd.s32 $0x80, s30  }
.LBB2_3:
0x54: {  	[hbm4b:s12+s3] =	stream.linear.scatter [tilespmem:s20], [sflag:$0x3], $0x4000, $0x38;
	[tilespmem:$0x1E080] =	vst v63  }
0x55: {  	s25 =	sadd.s32 $0x1, s25  }
0x56: {  	_ =	swait.ge [sflag:s22], $0x4000;
	p1 =	sne.s32 s25, s9  }
.Ltmp2:
0x57: {  	[sflag:s22] =	ssyncset.done $0x0;
	(pc) =	sbr.rel @p1 .LBB2_1-.Ltmp2, $4  }
0x58: {  	[sflag:s22] =	ssyncadd.s32 $0xFFFFC000  }
0x59: {  	_ =	swait.ge [sflag:s23], $0x4000  }
0x5a: {  	[sflag:s23] =	ssyncset.done $0x0  }
0x5b: {  	[sflag:s23] =	ssyncadd.s32 $0xFFFFC000  }
0x5c: {  	_ =	sfence.sel $0x180000  }
0x5d: {  	[bflag:$0x0] =	sbarrier.arrive $0xFFFF  }
0x5e: {  	_ =	strace $0x9000004A  }
0x5f: {  	s0 =	stileid.u32;
	[bflag:$0x2] =	sbarrier.arrive $0xFFFF  }
0x60: {  	p0 =	sne.s32 s0, $0x0;
	s0 =	rddreg [dreg:$0x3]  }
0x61: {  	s0 =	sadd.s32 @!p0 $0x100000, s0  }
0x62: {  	[sflag:s0] =	ssyncadd.tile.s32 @!p0 $0x1;
	_ =	shalt  }
.Lfunc_end2:
_tile_overlayer_lowered:
.L_overlay_start_2:
0x63: {  	(tag) =	ssettag $0x2  }
0x64: {  	s0 =	rddreg [dreg:$0x0];
	s2 =	stileid.u32  }
0x65: {  	s1 =	rddreg [dreg:$0x1];
	p0 =	sne.s32 s2, $0x0  }
0x66: {  	s3 =	rddreg [dreg:$0x2];
	[bflag:$0x3] =	sbarrier.arrive $0xFFFF;
	s2 =	simm.s32 @!p0 $0x1C04  }
0x67: {  	[timem:s3], [sflag:s2] =	dma.local @!p0 [hbm:s0], s1  }
0x68: {  	s0 =	simm.s32 @!p0 $0x4  }
0x69: {  	_ =	swait.ge @!p0 [sflag:s0], s1  }
0x6a: {  	s1 =	ssub.s32 @!p0 $0x0, s1;
	[sflag:s0] =	ssyncset.done @!p0 $0x0  }
0x6b: {  	[sflag:s0] =	ssyncadd.s32 @!p0 s1  }
0x6c: {  	[bflag:$0x3] =	sbarrier.arrive $0xFFFF  }
0x6d: {  	_ =	shalt  }

// kernel: kernel.13.cloned.1.call-start
scs
__scs_entry_jumppad:
0x0: {  	(pc) =	sbr.rel $0x88, $3  }
0x1: {  	(tag) =	ssettag $0x0;
	lr =	simm.s32 $0x1  }
0x2: {  	[smem:$0x3F8E] =	sst lr;
	_ =	strace $0xD0000000  }
0x3: {  	_ = 	snop  }
0x4: {  	_ = 	snop  }
0x5: {  	_ = 	snop  }
0x6: {  	_ = 	snop  }
0x7: {  	_ = 	snop  }
__scs_overlays_trampoline_lowered:
0x8: {  	[smem:$0x3F9D] =	sst s0  }
0x9: {  	[smem:$0x3F9E] =	sst s1  }
0xa: {  	[smem:$0x3F9F] =	sst s2  }
0xb: {  	[smem:$0x3FA0] =	sst s3  }
0xc: {  	[smem:$0x3FA1] =	sst s4  }
0xd: {  	[smem:$0x3FA2] =	sst s5  }
0xe: {  	[smem:$0x3FA3] =	sst s6  }
0xf: {  	[smem:$0x3FA4] =	sst s7  }
0x10: {  	[smem:$0x3FA5] =	sst s8  }
0x11: {  	[smem:$0x3FA6] =	sst s9;
	s0 =	simm.s32 @!p0 $0x0  }
0x12: {  	s1 =	sld [smem:$0x3F8C];
	s0 =	simm.s32 @p0 $0x1  }
0x13: {  	[smem:$0x3FA7] =	sst s0;
	s0 =	simm.s32 @!p1 $0x0  }
0x14: {  	s2 =	sld [smem:$0x3F8B];
	s0 =	simm.s32 @p1 $0x1  }
0x15: {  	[smem:$0x3FA8] =	sst s0;
	s0 =	simm.s32 @!p2 $0x0  }
0x16: {  	s3 =	sld [smem:$0x3FDB];
	s0 =	simm.s32 @p2 $0x1  }
0x17: {  	s4 =	simm.s32 $0x1BF5;
	[smem:$0x3FAA] =	sst s0  }
0x18: {  	s0 =	sld [smem:$0x3F8D];
	_ =	swait.ge [sflag:s4], $0x0  }
0x19: {  	s7 =	sld [smem:$0x3F8E]  }
0x1a: {  	s8 =	sadd.s32 $0xFFFFE003, lr  }
0x1b: {  	s9 =	sadd.s32 $0xFFFFFEF7, lr;
	s5 =	simm.s32 $0xFFFFFFFF;
	p2 =	slt.u32 s8, $0xFFFFF086  }
0x1c: {  	p1 =	slt.u32 s9, $0xF7A;
	s5 =	simm.s32 @!p2 $0x0  }
0x1d: {  	s5 =	simm.s32 @p1 $0x1;
	p0 =	seq.s32 s7, s2  }
0x1e: {  	s7 =	smul.u32 @!p0 $0xF7A, s2;
	p2 =	seq.s32 @!p0 s5, $0x0  }
0x1f: {  	s9 =	smul.u32 $0xF7A, s1;
	s8 =	simm.s32 @!p0 $0x1BF5;
	p2 =	por !p2, p0  }
0x20: {  	[sflag:s8] =	ssyncset.s32 @!p0 $0xFFFFF086;
	s6 =	sadd.s32 @!p0 s3, s7;
	s7 =	simm.s32 @!p0 $0x108  }
0x21: {  	s3 =	sadd.s32 s3, s9;
	s6 =	sadd.s32 @!p0 $0x88, s6;
	s7 =	simm.s32 @p2 $0x1082  }
0x22: {  	[simem:s7], [sflag:s8] =	dma.local @!p0 [hbm:s6], $0xF7A  }
0x23: {  	s9 =	sor.u32 $0xD0000000, s2;
	s6 =	simm.s32 $0x108;
	_ =	swait.ge @!p0 [sflag:s8], $0x0  }
0x24: {  	s3 =	sadd.s32 $0x88, s3;
	s6 =	simm.s32 @!p1 $0x1082;
	[sflag:s4] =	ssyncset.s32 $0xFFFFF086  }
0x25: {  	[simem:s6], [sflag:s4] =	dma.local [hbm:s3], $0xF7A  }
0x26: {  	[smem:$0x3F8E] =	sst s1;
	(tag) =	ssettag s2;
	_ =	strace s9  }
0x27: {  	s1 =	sld [smem:$0x3F9E]  }
0x28: {  	s2 =	sld [smem:$0x3F9F]  }
0x29: {  	s4 =	sld [smem:$0x3FA1]  }
0x2a: {  	p0 =	seq.s32 s5, $0x0;
	s5 =	sld [smem:$0x3FA2]  }
0x2b: {  	s6 =	sld [smem:$0x3FA3]  }
0x2c: {  	s7 =	sld [smem:$0x3FA4]  }
0x2d: {  	s3 =	simm.s32 $0x108;
	s8 =	sld [smem:$0x3FA5]  }
0x2e: {  	s3 =	simm.s32 @!p0 $0x1082;
	s9 =	sld [smem:$0x3FA6]  }
0x2f: {  	lr =	sadd.s32 s0, s3;
	s0 =	sld [smem:$0x3F9D]  }
0x30: {  	s3 =	sld [smem:$0x3FA0]  }
0x31: {  	[smem:$0x3FA9] =	sst s10  }
0x32: {  	s10 =	sld [smem:$0x3FA7];
	_ =	sdelay $0x3  }
0x33: {  	p0 =	seq.s32 s10, $0x1;
	s10 =	sld [smem:$0x3FA9];
	_ =	sdelay $0x3  }
0x34: {  	[smem:$0x3FA9] =	sst s10  }
0x35: {  	s10 =	sld [smem:$0x3FA8];
	_ =	sdelay $0x3  }
0x36: {  	p1 =	seq.s32 s10, $0x1;
	s10 =	sld [smem:$0x3FA9];
	_ =	sdelay $0x3  }
0x37: {  	[smem:$0x3FA9] =	sst s10  }
0x38: {  	s10 =	sld [smem:$0x3FAA]  }
0x39: {  	_ = 	snop;
	(pc) =	sbr.ind lr, $3  }
0x3a: {  	_ = 	snop  }
0x3b: {  	_ = 	snop  }
0x3c: {  	p2 =	seq.s32 s10, $0x1;
	s10 =	sld [smem:$0x3FA9]  }
0x3d: {  	_ =	shalt  }
0x3e: {  	_ =	shalt  }
0x3f: {  	_ =	shalt  }
0x40: {  	_ =	shalt  }
0x41: {  	_ =	shalt  }
0x42: {  	_ =	shalt  }
0x43: {  	_ =	shalt  }
0x44: {  	_ =	shalt  }
0x45: {  	_ =	shalt  }
0x46: {  	_ =	shalt  }
0x47: {  	_ =	shalt  }
0x48: {  	_ =	shalt  }
0x49: {  	_ =	shalt  }
0x4a: {  	_ =	shalt  }
0x4b: {  	_ =	shalt  }
0x4c: {  	_ =	shalt  }
0x4d: {  	_ =	shalt  }
0x4e: {  	_ =	shalt  }
0x4f: {  	_ =	shalt  }
0x50: {  	_ =	shalt  }
0x51: {  	_ =	shalt  }
0x52: {  	_ =	shalt  }
0x53: {  	_ =	shalt  }
0x54: {  	_ =	shalt  }
0x55: {  	_ =	shalt  }
0x56: {  	_ =	shalt  }
0x57: {  	_ =	shalt  }
0x58: {  	_ =	shalt  }
0x59: {  	_ =	shalt  }
0x5a: {  	_ =	shalt  }
0x5b: {  	_ =	shalt  }
0x5c: {  	_ =	shalt  }
0x5d: {  	_ =	shalt  }
0x5e: {  	_ =	shalt  }
0x5f: {  	_ =	shalt  }
0x60: {  	_ =	shalt  }
0x61: {  	_ =	shalt  }
0x62: {  	_ =	shalt  }
0x63: {  	_ =	shalt  }
0x64: {  	_ =	shalt  }
0x65: {  	_ =	shalt  }
0x66: {  	_ =	shalt  }
0x67: {  	_ =	shalt  }
0x68: {  	_ =	shalt  }
0x69: {  	_ =	shalt  }
0x6a: {  	_ =	shalt  }
0x6b: {  	_ =	shalt  }
0x6c: {  	_ =	shalt  }
0x6d: {  	_ =	shalt  }
0x6e: {  	_ =	shalt  }
0x6f: {  	_ =	shalt  }
0x70: {  	_ =	shalt  }
0x71: {  	_ =	shalt  }
0x72: {  	_ =	shalt  }
0x73: {  	_ =	shalt  }
0x74: {  	_ =	shalt  }
0x75: {  	_ =	shalt  }
0x76: {  	_ =	shalt  }
0x77: {  	_ =	shalt  }
0x78: {  	_ =	shalt  }
0x79: {  	_ =	shalt  }
0x7a: {  	_ =	shalt  }
0x7b: {  	_ =	shalt  }
0x7c: {  	_ =	shalt  }
0x7d: {  	_ =	shalt  }
0x7e: {  	_ =	shalt  }
0x7f: {  	_ =	shalt  }
0x80: {  	_ =	shalt  }
0x81: {  	_ =	shalt  }
0x82: {  	_ =	shalt  }
0x83: {  	_ =	shalt  }
0x84: {  	_ =	shalt  }
0x85: {  	_ =	shalt  }
0x86: {  	_ =	shalt  }
0x87: {  	_ =	shalt  }
.Lfunc_end0:
.L_simem_size_0:
called_computation.1_lowered:
.L_overlay_start_0:
0x88: {  	s2 =	sld [smem:$0x3FD9]  }
0x89: {  	s3 =	sld [smem:$0x3FFE];
	_ =	sdelay $0x1  }
0x8a: {  	s1 =	srdreg.scid  }
0x8b: {  	s0 =	sand.u32 $0x1, s1  }
0x8c: {  	s17 =	sshll.u32 s0, $0xA;
	s2 =	sadd.s32 s3, s2  }
0x8d: {  	s2 =	sadd.s32 s2, s17  }
0x8e: {  	[smem:$0x3FB5] =	sst s2  }
0x8f: {  	_ = 	snop  }
0x90: {  	s2 =	sld [smem:$0x3FD0];
	(tm) =	ssettm $0x1  }
0x91: {  	s18 =	sld [smem:$0x3FFB];
	_ =	sdelay $0x3  }
0x92: {  	_ =	strace s18  }
0x93: {  	s3 =	sld [smem:$0x3FFC];
	_ =	sdelay $0x3  }
0x94: {  	_ =	strace s3  }
0x95: {  	s3 =	sld [smem:$0x3FFD];
	_ =	sdelay $0x3  }
0x96: {  	_ =	strace s3  }
0x97: {  	_ =	strace $0x8FFFFFFF  }
0x98: {  	s19 =	sld [smem:$0x3FDB];
	_ =	sdelay $0x1  }
0x99: {  	s4 =	simm.s32 $_scs_section_size  }
0x9a: {  	s5 =	simm.s32 $_size__tile_overlayer_lowered;
	s6 =	simm.s32 $_tile_overlayer_lowered  }
0x9b: {  	s22 =	simm.s32 $0x1BFF;
	s21 =	sshll.u32 s6, $0x1;
	s3 =	sadd.s32 s4, s19  }
0x9c: {  	s7 =	simm.s32 $0x0;
	s20 =	sshll.u32 s5, $0x1;
	s5 =	sadd.s32 s21, s3  }
0x9d: {  	[timem:s7], [sflag:s22] =	dma.local [hbm:s5], s20  }
0x9e: {  	_ =	swait.ge [sflag:s22], s20  }
0x9f: {  	s4 =	ssub.s32 $0x0, s20;
	[sflag:s22] =	ssyncset.done $0x0  }
0xa0: {  	[sflag:s22] =	ssyncadd.s32 s4;
	_ =	sdelay $0x1  }
0xa1: {  	s23 =	simm.s32 $0x1B8B  }
0xa2: {  	_ =	swait.ge [sflag:s23], $0x1  }
0xa3: {  	[sflag:s23] =	ssyncset.done $0x0  }
0xa4: {  	s25 =	simm.s32 $0x1B8E;
	s24 =	sld [smem:$0x3FFE];
	[sflag:s23] =	ssyncadd.s32 $0xFFFFFFFF  }
0xa5: {  	s26 =	simm.s32 $execute0_lowered;
	[smem:$0x3FD2] =	sst s25  }
0xa6: {  	s5 =	sshll.u32 s26, $0x1;
	_ =	strace $0x80000046;
	[dreg:$0x1] =	wrdreg $0xFFFFFFFF  }
0xa7: {  	s28 =	simm.s32 $_size_execute0_lowered;
	s3 =	sadd.s32 s3, s5;
	[dreg:$0x0] =	wrdreg $0x0  }
0xa8: {  	s5 =	sshll.u32 s28, $0x1;
	[dreg:$0x2] =	wrdreg s3  }
0xa9: {  	[dreg:$0x3] =	wrdreg s5  }
0xaa: {  	[dreg:$0x4] =	wrdreg $0xC0  }
0xab: {  	_ =	task [dreg:s7], $0x5FFFF  }
0xac: {  	[dreg:$0x1] =	wrdreg $0xFFFFFFFF  }
0xad: {  	[dreg:$0x0] =	wrdreg $0x60  }
0xae: {  	[dreg:$0x2] =	wrdreg s2  }
0xaf: {  	[dreg:$0x3] =	wrdreg s24  }
0xb0: {  	[dreg:$0x4] =	wrdreg $0xA8000  }
0xb1: {  	[dreg:$0x5] =	wrdreg $0xA  }
0xb2: {  	_ =	task.clear_ibuf [dreg:s7], $0x6FFFF;
	_ =	strace $0x90000046  }
0xb3: {  	s29 =	simm.s32 $0xA;
	_ =	strace $0x80000048  }
0xb4: {  	_ =	swait.ge [sflag:s29], $0x1  }
0xb5: {  	[sflag:s29] =	ssyncadd.s32 $0xFFFFFFFF  }
0xb6: {  	_ =	strace $0x90000048  }
0xb7: {  	_ =	sfence  }
0xb8: {  	s30 =	sld [smem:$0x0];
	_ =	sdelay $0x2  }
0xb9: {  	s31 =	sshll.u32 s1, $0xD;
	s1 =	sshrl.u32 s1, $0x2  }
0xba: {  	s3 =	sand.u32 $0x4000, s31;
	s1 =	sadd.s32 s1, s30  }
0xbb: {  	s0 =	sor.u32 s3, s0;
	s1 =	sshll.u32 s1, $0x11  }
0xbc: {  	s0 =	sor.u32 s1, s0  }
0xbd: {  	s0 =	sadd.s32 $0x8F2B, s0  }
0xbe: {  	[sflag:s0] =	ssyncadd.remote.s32 $0x1  }
0xbf: {  	_ =	sfence.sel $0xFFFF  }
0xc0: {  	[dreg:$0x0] =	wrdreg $0xFFFFFFFF;
	(pc) =	sbr.abs _section_cstart, $3  }
0xc1: {  	[dreg:$0x1] =	wrdreg $0xFFFFFFFF  }
0xc2: {  	_ =	task.clear_ibuf [dreg:s7], $0x2FFFF;
	_ =	strace $0x9FFFFFFF  }
0xc3: {  	(tm) =	ssettm $0x7FFFFFFF  }
tec
execute0_lowered:
.L_overlay_start_1:
0x0: {  	(tag) =	ssettag $0x1  }
0x1: {  	s1 =	rddreg [dreg:$0x0];
	s2 =	srdreg.scid  }
0x2: {  	s0 =	stileid.u32;
	s4 =	rddreg [dreg:$0x1];
	s19 =	simm.s32 $0x2800  }
0x3: {  	s20 =	simm.s32 $0x6800;
	s21 =	simm.s32 $0x1;
	s22 =	simm.s32 $0x2  }
0x4: {  	s23 =	simm.s32 $0x3;
	s24 =	simm.s32 $0x80;
	s25 =	simm.s32 $0x0  }
0x5: {  	s8 =	sand.u32 $0x1, s2;
	s3 =	sshll.u32 s0, $0x1;
	s10 =	smul.u32 $0x4E000, s0  }
0x6: {  	s2 =	rddreg [dreg:$0x2];
	s11 =	sadd.s32 $0xE600, s4;
	s13 =	smul.u32 $0x2700, s0  }
0x7: {  	s12 =	sadd.s32 $0x27F600, s4;
	s15 =	smul.u32 $0x28000, s0;
	s6 =	sor.u32 s8, s3  }
0x8: {  	s3 =	simm.s32 $0x0;
	s28 =	ssub.s32 $0x2, s8;
	s29 =	smul.u32 $0x14000, s8  }
0x9: {  	s16 =	sadd.s32 $0x124800, s2;
	s8 =	sadd.s32 $0x24900, s1;
	s5 =	smul.u32 $0x280, s6  }
0xa: {  	[smem:$0x7FF] =	sst s3;
	s9 =	sshrl.u32 s28, $0x1;
	p0 =	seq.s32 s6, $0x1F  }
0xb: {  	s10 =	sshrl.u32 s10, $0x2;
	s14 =	smul.u32 $0x14000, s6;
	s30 =	sadd.s32 s15, s12  }
0xc: {  	s15 =	sadd.s32 s15, s11;
	_ =	strace $0x80000047;
	s9 =	ssub.s32 s28, s9  }
0xd: {  	s18 =	sadd.s32 s10, s2;
	s31 =	sadd.s32 s29, s15;
	s15 =	simm.s32 $0x1400  }
0xe: {  	s7 =	sadd.s32 s5, s4;
	s4 =	simm.s32 $0x9;
	s9 =	smax.u32 s9, $0x1  }
0xf: {  	s10 =	sadd.s32 s11, s14;
	s11 =	sadd.s32 s12, s14;
	s14 =	simm.s32 $0x4  }
0x10: {  	s4 =	simm.s32 @!p0 $0x27;
	s5 =	sadd.s32 $0x4600, s7;
	s6 =	sadd.s32 $0x9600, s7  }
0x11: {  	s7 =	sadd.s32 s1, s13;
	s1 =	sadd.s32 s29, s30;
	p0 =	seq.s32 s0, $0xF  }
0x12: {  	s13 =	sadd.s32 $0x800, s31;
	s1 =	sadd.s32 $0x800, s1;
	s12 =	sshll.u32 @!p0 s0, $0x6  }
0x13: {  	s16 =	sshrl.u32 @p0 s16, $0x3;
	s18 =	sshrl.u32 @!p0 s18, $0x3;
	s17 =	sor.u32 @!p0 $0x1C04, s12  }
.LBB2_1:
0x14: {  	[tilespmem:s3], [sflag:$0x4] =	stream.linear.gather [hbm4b:s5+s3], $0x1400, $0x38;
	[tilespmem:$0x1E080] =	vst v63  }
0x15: {  	_ =	swait.ge [sflag:s14], $0x1400  }
0x16: {  	[sflag:s14] =	ssyncset.done $0x0  }
0x17: {  	[sflag:s14] =	ssyncadd.s32 $0xFFFFEC00  }
0x18: {  	[tilespmem:s15], [sflag:$0x4] =	stream.linear.gather [hbm4b:s6+s3], $0x1400, $0x38;
	[tilespmem:$0x1E080] =	vst v63  }
0x19: {  	_ =	swait.ge [sflag:s14], $0x1400  }
0x1a: {  	[sflag:s14] =	ssyncset.done $0x0  }
0x1b: {  	s12 =	simm.s32 @p0 $0x1FC4;
	[sflag:s14] =	ssyncadd.s32 $0xFFFFEC00  }
0x1c: {  	[spmem:s16], [sflag:s12] =	dma.local @p0 [hbm:s8], $0x2800  }
0x1d: {  	s12 =	simm.s32 @p0 $0x4  }
0x1e: {  	_ =	swait.ge @p0 [sflag:s12], $0x2800  }
0x1f: {  	[sflag:s12] =	ssyncset.done @p0 $0x0  }
0x20: {  	[sflag:s12] =	ssyncadd.s32 @p0 $0xFFFFD800;
	s12 =	simm.s32 @!p0 $0x4  }
0x21: {  	[spmem:s18], [sflag:s17] =	dma.local @!p0 [hbm:s7], $0x2700  }
0x22: {  	_ =	swait.ge @!p0 [sflag:s12], $0x2700  }
0x23: {  	[sflag:s12] =	ssyncset.done @!p0 $0x0  }
0x24: {  	[sflag:s12] =	ssyncadd.s32 @!p0 $0xFFFFD900  }
0x25: {  	[bflag:$0x0] =	sbarrier.arrive $0xFFFF  }
0x26: {  	[tilespmem:s19], [sflag:$0x1] =	stream.indirect.gather [spmem:s2], $0x80, s3, s24, $0xb8;
	[tilespmem:$0x1E080] =	vst v63  }
0x27: {  	_ = 	snop  }
0x28: {  	[tilespmem:s20], [sflag:$0x1] =	stream.indirect.gather [spmem:s2], $0x80, s15, s24, $0xb8;
	[tilespmem:$0x1E080] =	vst v63  }
0x29: {  	_ =	swait.ge [sflag:s21], $0x4000  }
0x2a: {  	[sflag:s21] =	ssyncset.done $0x0  }
0x2b: {  	[sflag:s21] =	ssyncadd.s32 $0xFFFFC000  }
0x2c: {  	_ =	swait.ge [sflag:s21], $0x4000  }
0x2d: {  	[sflag:s21] =	ssyncset.done $0x0  }
0x2e: {  	[sflag:s21] =	ssyncadd.s32 $0xFFFFC000  }
0x2f: {  	[hbm4b:s10+s3] =	stream.linear.scatter [tilespmem:s19], [sflag:$0x2], $0x4000, $0x38;
	[tilespmem:$0x1E080] =	vst v63  }
0x30: {  	_ = 	snop  }
0x31: {  	[hbm4b:s11+s3] =	stream.linear.scatter [tilespmem:s20], [sflag:$0x3], $0x4000, $0x38;
	[tilespmem:$0x1E080] =	vst v63  }
0x32: {  	_ =	swait.ge [sflag:s22], $0x4000  }
0x33: {  	[sflag:s22] =	ssyncset.done $0x0  }
0x34: {  	[sflag:s22] =	ssyncadd.s32 $0xFFFFC000  }
0x35: {  	_ =	swait.ge [sflag:s23], $0x4000  }
0x36: {  	[sflag:s23] =	ssyncset.done $0x0  }
0x37: {  	[sflag:s23] =	ssyncadd.s32 $0xFFFFC000  }
0x38: {  	[tilespmem:s19], [sflag:$0x1] =	stream.indirect.gather [spmem:s2], $0x80, s24, s24, $0xb8;
	[tilespmem:$0x1E080] =	vst v63  }
0x39: {  	s26 =	simm.s32 $0x1480  }
0x3a: {  	[tilespmem:s20], [sflag:$0x1] =	stream.indirect.gather [spmem:s2], $0x80, s26, s24, $0xb8;
	[tilespmem:$0x1E080] =	vst v63  }
0x3b: {  	_ =	swait.ge [sflag:s21], $0x4000  }
0x3c: {  	p1 =	sne.s32 s4, $0x1;
	[sflag:s21] =	ssyncset.done $0x0  }
.Ltmp0:
0x3d: {  	[sflag:s21] =	ssyncadd.s32 $0xFFFFC000;
	(pc) =	sbr.rel @!p1 .LBB2_3-.Ltmp0, $4  }
0x3e: {  	s28 =	sadd.s32 $0x800, s13;
	s29 =	simm.s32 $0x100;
	_ =	swait.ge [sflag:s21], $0x4000  }
0x3f: {  	s30 =	simm.s32 $0x1500;
	s31 =	sadd.s32 $0x800, s1;
	[sflag:s21] =	ssyncset.done $0x0  }
0x40: {  	s12 =	smov.u32 s1;
	s26 =	sadd.s32 $0xFFFFFFFF, s4;
	[sflag:s21] =	ssyncadd.s32 $0xFFFFC000  }
0x41: {  	[hbm4b:s13+s3] =	stream.linear.scatter [tilespmem:s19], [sflag:$0x2], $0x4000, $0x38;
	[tilespmem:$0x1E080] =	vst v63  }
.LBB2_2:
0x42: {  	[hbm4b:s12+s3] =	stream.linear.scatter [tilespmem:s20], [sflag:$0x3], $0x4000, $0x38;
	[tilespmem:$0x1E080] =	vst v63  }
0x43: {  	p1 =	sne.s32 s26, $0x1;
	s26 =	sadd.s32 $0xFFFFFFFF, s26;
	_ =	swait.ge [sflag:s22], $0x4000  }
0x44: {  	s0 =	smov.u32 s28;
	s12 =	smov.u32 s31;
	[sflag:s22] =	ssyncset.done $0x0  }
0x45: {  	[sflag:s22] =	ssyncadd.s32 $0xFFFFC000  }
0x46: {  	_ =	swait.ge [sflag:s23], $0x4000  }
0x47: {  	[sflag:s23] =	ssyncset.done $0x0  }
0x48: {  	[sflag:s23] =	ssyncadd.s32 $0xFFFFC000  }
0x49: {  	[tilespmem:s19], [sflag:$0x1] =	stream.indirect.gather [spmem:s2], $0x80, s29, s24, $0xb8;
	[tilespmem:$0x1E080] =	vst v63  }
0x4a: {  	_ = 	snop  }
0x4b: {  	[tilespmem:s20], [sflag:$0x1] =	stream.indirect.gather [spmem:s2], $0x80, s30, s24, $0xb8;
	[tilespmem:$0x1E080] =	vst v63  }
0x4c: {  	_ =	swait.ge [sflag:s21], $0x4000  }
0x4d: {  	[sflag:s21] =	ssyncset.done $0x0  }
0x4e: {  	[sflag:s21] =	ssyncadd.s32 $0xFFFFC000  }
.Ltmp1:
0x4f: {  	_ =	swait.ge [sflag:s21], $0x4000;
	(pc) =	sbr.rel @p1 .LBB2_2-.Ltmp1, $4  }
0x50: {  	[sflag:s21] =	ssyncset.done $0x0  }
0x51: {  	s28 =	sadd.s32 $0x800, s28;
	[sflag:s21] =	ssyncadd.s32 $0xFFFFC000  }
0x52: {  	[hbm4b:s0+s3] =	stream.linear.scatter [tilespmem:s19], [sflag:$0x2], $0x4000, $0x38;
	[tilespmem:$0x1E080] =	vst v63  }
0x53: {  	s31 =	sadd.s32 $0x800, s31;
	s29 =	sadd.s32 $0x80, s29;
	s30 =	sadd.s32 $0x80, s30  }
.LBB2_3:
0x54: {  	[hbm4b:s12+s3] =	stream.linear.scatter [tilespmem:s20], [sflag:$0x3], $0x4000, $0x38;
	[tilespmem:$0x1E080] =	vst v63  }
0x55: {  	s25 =	sadd.s32 $0x1, s25  }
0x56: {  	_ =	swait.ge [sflag:s22], $0x4000;
	p1 =	sne.s32 s25, s9  }
.Ltmp2:
0x57: {  	[sflag:s22] =	ssyncset.done $0x0;
	(pc) =	sbr.rel @p1 .LBB2_1-.Ltmp2, $4  }
0x58: {  	[sflag:s22] =	ssyncadd.s32 $0xFFFFC000  }
0x59: {  	_ =	swait.ge [sflag:s23], $0x4000  }
0x5a: {  	[sflag:s23] =	ssyncset.done $0x0  }
0x5b: {  	[sflag:s23] =	ssyncadd.s32 $0xFFFFC000  }
0x5c: {  	_ =	sfence.sel $0x180000  }
0x5d: {  	[bflag:$0x0] =	sbarrier.arrive $0xFFFF  }
0x5e: {  	_ =	strace $0x90000047  }
0x5f: {  	s0 =	stileid.u32;
	[bflag:$0x2] =	sbarrier.arrive $0xFFFF  }
0x60: {  	p0 =	sne.s32 s0, $0x0;
	s0 =	rddreg [dreg:$0x3]  }
0x61: {  	s0 =	sadd.s32 @!p0 $0x100000, s0  }
0x62: {  	[sflag:s0] =	ssyncadd.tile.s32 @!p0 $0x1;
	_ =	shalt  }
.Lfunc_end2:
_tile_overlayer_lowered:
.L_overlay_start_2:
0x63: {  	(tag) =	ssettag $0x2  }
0x64: {  	s0 =	rddreg [dreg:$0x0];
	s2 =	stileid.u32  }
0x65: {  	s1 =	rddreg [dreg:$0x1];
	p0 =	sne.s32 s2, $0x0  }
0x66: {  	s3 =	rddreg [dreg:$0x2];
	[bflag:$0x3] =	sbarrier.arrive $0xFFFF;
	s2 =	simm.s32 @!p0 $0x1C04  }
0x67: {  	[timem:s3], [sflag:s2] =	dma.local @!p0 [hbm:s0], s1  }
0x68: {  	s0 =	simm.s32 @!p0 $0x4  }
0x69: {  	_ =	swait.ge @!p0 [sflag:s0], s1  }
0x6a: {  	s1 =	ssub.s32 @!p0 $0x0, s1;
	[sflag:s0] =	ssyncset.done @!p0 $0x0  }
0x6b: {  	[sflag:s0] =	ssyncadd.s32 @!p0 s1  }
0x6c: {  	[bflag:$0x3] =	sbarrier.arrive $0xFFFF  }
0x6d: {  	_ =	shalt  }

// kernel: kernel.16.cloned.1.call-start
scs
__scs_entry_jumppad:
0x0: {  	(pc) =	sbr.rel $0x88, $3  }
0x1: {  	(tag) =	ssettag $0x0;
	lr =	simm.s32 $0x1  }
0x2: {  	[smem:$0x3F8E] =	sst lr;
	_ =	strace $0xD0000000  }
0x3: {  	_ = 	snop  }
0x4: {  	_ = 	snop  }
0x5: {  	_ = 	snop  }
0x6: {  	_ = 	snop  }
0x7: {  	_ = 	snop  }
__scs_overlays_trampoline_lowered:
0x8: {  	[smem:$0x3F9D] =	sst s0  }
0x9: {  	[smem:$0x3F9E] =	sst s1  }
0xa: {  	[smem:$0x3F9F] =	sst s2  }
0xb: {  	[smem:$0x3FA0] =	sst s3  }
0xc: {  	[smem:$0x3FA1] =	sst s4  }
0xd: {  	[smem:$0x3FA2] =	sst s5  }
0xe: {  	[smem:$0x3FA3] =	sst s6  }
0xf: {  	[smem:$0x3FA4] =	sst s7  }
0x10: {  	[smem:$0x3FA5] =	sst s8  }
0x11: {  	[smem:$0x3FA6] =	sst s9;
	s0 =	simm.s32 @!p0 $0x0  }
0x12: {  	s1 =	sld [smem:$0x3F8C];
	s0 =	simm.s32 @p0 $0x1  }
0x13: {  	[smem:$0x3FA7] =	sst s0;
	s0 =	simm.s32 @!p1 $0x0  }
0x14: {  	s2 =	sld [smem:$0x3F8B];
	s0 =	simm.s32 @p1 $0x1  }
0x15: {  	[smem:$0x3FA8] =	sst s0;
	s0 =	simm.s32 @!p2 $0x0  }
0x16: {  	s3 =	sld [smem:$0x3FDB];
	s0 =	simm.s32 @p2 $0x1  }
0x17: {  	s4 =	simm.s32 $0x1BF5;
	[smem:$0x3FAA] =	sst s0  }
0x18: {  	s0 =	sld [smem:$0x3F8D];
	_ =	swait.ge [sflag:s4], $0x0  }
0x19: {  	s7 =	sld [smem:$0x3F8E]  }
0x1a: {  	s8 =	sadd.s32 $0xFFFFE003, lr  }
0x1b: {  	s9 =	sadd.s32 $0xFFFFFEF7, lr;
	s5 =	simm.s32 $0xFFFFFFFF;
	p2 =	slt.u32 s8, $0xFFFFF086  }
0x1c: {  	p1 =	slt.u32 s9, $0xF7A;
	s5 =	simm.s32 @!p2 $0x0  }
0x1d: {  	s5 =	simm.s32 @p1 $0x1;
	p0 =	seq.s32 s7, s2  }
0x1e: {  	s7 =	smul.u32 @!p0 $0xF7A, s2;
	p2 =	seq.s32 @!p0 s5, $0x0  }
0x1f: {  	s9 =	smul.u32 $0xF7A, s1;
	s8 =	simm.s32 @!p0 $0x1BF5;
	p2 =	por !p2, p0  }
0x20: {  	[sflag:s8] =	ssyncset.s32 @!p0 $0xFFFFF086;
	s6 =	sadd.s32 @!p0 s3, s7;
	s7 =	simm.s32 @!p0 $0x108  }
0x21: {  	s3 =	sadd.s32 s3, s9;
	s6 =	sadd.s32 @!p0 $0x88, s6;
	s7 =	simm.s32 @p2 $0x1082  }
0x22: {  	[simem:s7], [sflag:s8] =	dma.local @!p0 [hbm:s6], $0xF7A  }
0x23: {  	s9 =	sor.u32 $0xD0000000, s2;
	s6 =	simm.s32 $0x108;
	_ =	swait.ge @!p0 [sflag:s8], $0x0  }
0x24: {  	s3 =	sadd.s32 $0x88, s3;
	s6 =	simm.s32 @!p1 $0x1082;
	[sflag:s4] =	ssyncset.s32 $0xFFFFF086  }
0x25: {  	[simem:s6], [sflag:s4] =	dma.local [hbm:s3], $0xF7A  }
0x26: {  	[smem:$0x3F8E] =	sst s1;
	(tag) =	ssettag s2;
	_ =	strace s9  }
0x27: {  	s1 =	sld [smem:$0x3F9E]  }
0x28: {  	s2 =	sld [smem:$0x3F9F]  }
0x29: {  	s4 =	sld [smem:$0x3FA1]  }
0x2a: {  	p0 =	seq.s32 s5, $0x0;
	s5 =	sld [smem:$0x3FA2]  }
0x2b: {  	s6 =	sld [smem:$0x3FA3]  }
0x2c: {  	s7 =	sld [smem:$0x3FA4]  }
0x2d: {  	s3 =	simm.s32 $0x108;
	s8 =	sld [smem:$0x3FA5]  }
0x2e: {  	s3 =	simm.s32 @!p0 $0x1082;
	s9 =	sld [smem:$0x3FA6]  }
0x2f: {  	lr =	sadd.s32 s0, s3;
	s0 =	sld [smem:$0x3F9D]  }
0x30: {  	s3 =	sld [smem:$0x3FA0]  }
0x31: {  	[smem:$0x3FA9] =	sst s10  }
0x32: {  	s10 =	sld [smem:$0x3FA7];
	_ =	sdelay $0x3  }
0x33: {  	p0 =	seq.s32 s10, $0x1;
	s10 =	sld [smem:$0x3FA9];
	_ =	sdelay $0x3  }
0x34: {  	[smem:$0x3FA9] =	sst s10  }
0x35: {  	s10 =	sld [smem:$0x3FA8];
	_ =	sdelay $0x3  }
0x36: {  	p1 =	seq.s32 s10, $0x1;
	s10 =	sld [smem:$0x3FA9];
	_ =	sdelay $0x3  }
0x37: {  	[smem:$0x3FA9] =	sst s10  }
0x38: {  	s10 =	sld [smem:$0x3FAA]  }
0x39: {  	_ = 	snop;
	(pc) =	sbr.ind lr, $3  }
0x3a: {  	_ = 	snop  }
0x3b: {  	_ = 	snop  }
0x3c: {  	p2 =	seq.s32 s10, $0x1;
	s10 =	sld [smem:$0x3FA9]  }
0x3d: {  	_ =	shalt  }
0x3e: {  	_ =	shalt  }
0x3f: {  	_ =	shalt  }
0x40: {  	_ =	shalt  }
0x41: {  	_ =	shalt  }
0x42: {  	_ =	shalt  }
0x43: {  	_ =	shalt  }
0x44: {  	_ =	shalt  }
0x45: {  	_ =	shalt  }
0x46: {  	_ =	shalt  }
0x47: {  	_ =	shalt  }
0x48: {  	_ =	shalt  }
0x49: {  	_ =	shalt  }
0x4a: {  	_ =	shalt  }
0x4b: {  	_ =	shalt  }
0x4c: {  	_ =	shalt  }
0x4d: {  	_ =	shalt  }
0x4e: {  	_ =	shalt  }
0x4f: {  	_ =	shalt  }
0x50: {  	_ =	shalt  }
0x51: {  	_ =	shalt  }
0x52: {  	_ =	shalt  }
0x53: {  	_ =	shalt  }
0x54: {  	_ =	shalt  }
0x55: {  	_ =	shalt  }
0x56: {  	_ =	shalt  }
0x57: {  	_ =	shalt  }
0x58: {  	_ =	shalt  }
0x59: {  	_ =	shalt  }
0x5a: {  	_ =	shalt  }
0x5b: {  	_ =	shalt  }
0x5c: {  	_ =	shalt  }
0x5d: {  	_ =	shalt  }
0x5e: {  	_ =	shalt  }
0x5f: {  	_ =	shalt  }
0x60: {  	_ =	shalt  }
0x61: {  	_ =	shalt  }
0x62: {  	_ =	shalt  }
0x63: {  	_ =	shalt  }
0x64: {  	_ =	shalt  }
0x65: {  	_ =	shalt  }
0x66: {  	_ =	shalt  }
0x67: {  	_ =	shalt  }
0x68: {  	_ =	shalt  }
0x69: {  	_ =	shalt  }
0x6a: {  	_ =	shalt  }
0x6b: {  	_ =	shalt  }
0x6c: {  	_ =	shalt  }
0x6d: {  	_ =	shalt  }
0x6e: {  	_ =	shalt  }
0x6f: {  	_ =	shalt  }
0x70: {  	_ =	shalt  }
0x71: {  	_ =	shalt  }
0x72: {  	_ =	shalt  }
0x73: {  	_ =	shalt  }
0x74: {  	_ =	shalt  }
0x75: {  	_ =	shalt  }
0x76: {  	_ =	shalt  }
0x77: {  	_ =	shalt  }
0x78: {  	_ =	shalt  }
0x79: {  	_ =	shalt  }
0x7a: {  	_ =	shalt  }
0x7b: {  	_ =	shalt  }
0x7c: {  	_ =	shalt  }
0x7d: {  	_ =	shalt  }
0x7e: {  	_ =	shalt  }
0x7f: {  	_ =	shalt  }
0x80: {  	_ =	shalt  }
0x81: {  	_ =	shalt  }
0x82: {  	_ =	shalt  }
0x83: {  	_ =	shalt  }
0x84: {  	_ =	shalt  }
0x85: {  	_ =	shalt  }
0x86: {  	_ =	shalt  }
0x87: {  	_ =	shalt  }
.Lfunc_end0:
.L_simem_size_0:
called_computation.2_lowered:
.L_overlay_start_0:
0x88: {  	s2 =	sld [smem:$0x3FD9]  }
0x89: {  	s3 =	sld [smem:$0x3FFE];
	_ =	sdelay $0x1  }
0x8a: {  	s1 =	srdreg.scid  }
0x8b: {  	s0 =	sand.u32 $0x1, s1  }
0x8c: {  	s17 =	sshll.u32 s0, $0xA;
	s2 =	sadd.s32 s3, s2  }
0x8d: {  	s2 =	sadd.s32 s2, s17  }
0x8e: {  	[smem:$0x3FB5] =	sst s2  }
0x8f: {  	_ = 	snop  }
0x90: {  	(tm) =	ssettm $0x1  }
0x91: {  	s18 =	sld [smem:$0x3FFB];
	_ =	sdelay $0x3  }
0x92: {  	_ =	strace s18  }
0x93: {  	s2 =	sld [smem:$0x3FFC];
	_ =	sdelay $0x3  }
0x94: {  	_ =	strace s2  }
0x95: {  	s2 =	sld [smem:$0x3FFD];
	_ =	sdelay $0x3  }
0x96: {  	_ =	strace s2  }
0x97: {  	_ =	strace $0x8FFFFFFF  }
0x98: {  	s19 =	sld [smem:$0x3FDB];
	_ =	sdelay $0x1  }
0x99: {  	s20 =	simm.s32 $_scs_section_size  }
0x9a: {  	s4 =	simm.s32 $_size__tile_overlayer_lowered;
	s5 =	simm.s32 $_tile_overlayer_lowered  }
0x9b: {  	s6 =	simm.s32 $0x1BFF;
	s21 =	sshll.u32 s5, $0x1;
	s3 =	sadd.s32 s20, s19  }
0x9c: {  	s22 =	simm.s32 $0x0;
	s4 =	sshll.u32 s4, $0x1;
	s5 =	sadd.s32 s21, s3  }
0x9d: {  	[timem:s22], [sflag:s6] =	dma.local [hbm:s5], s4  }
0x9e: {  	_ =	swait.ge [sflag:s6], s4  }
0x9f: {  	s4 =	ssub.s32 $0x0, s4;
	[sflag:s6] =	ssyncset.done $0x0  }
0xa0: {  	[sflag:s6] =	ssyncadd.s32 s4;
	_ =	sdelay $0x1  }
0xa1: {  	s23 =	simm.s32 $0x1B8B  }
0xa2: {  	_ =	swait.ge [sflag:s23], $0x1  }
0xa3: {  	[sflag:s23] =	ssyncset.done $0x0  }
0xa4: {  	[sflag:s23] =	ssyncadd.s32 $0xFFFFFFFF  }
0xa5: {  	s4 =	sld [smem:$0x0]  }
0xa6: {  	s5 =	sand.u32 $0xFFFFFFFE, s1  }
0xa7: {  	p0 =	sne.s32 s1, s5  }
0xa8: {  	s5 =	sshll.u32 @p0 s5, $0xE  }
0xa9: {  	s5 =	sadd.s32 @p0 $0x11B8D, s5;
	s6 =	sshll.u32 @p0 s4, $0x11  }
0xaa: {  	s5 =	sor.u32 @p0 s6, s5  }
0xab: {  	[sflag:s5] =	ssyncadd.remote.s32 @p0 $0x1;
	_ =	sdelay $0x1  }
0xac: {  	s5 =	simm.s32 @p0 $0x1B8D  }
0xad: {  	_ =	swait.eq @p0 [sflag:s5], $0x1  }
0xae: {  	[sflag:s5] =	ssyncadd.s32 @p0 $0xFFFFFFFF  }
0xaf: {  	s6 =	sshll.u32 @!p0 s1, $0xE  }
0xb0: {  	s6 =	sor.u32 @!p0 $0x4000, s6;
	s5 =	simm.s32 @!p0 $0x1B8D  }
0xb1: {  	s4 =	sshll.u32 @!p0 s4, $0x11;
	s6 =	sadd.s32 @!p0 $0x11B8D, s6;
	_ =	swait.eq @!p0 [sflag:s5], $0x1  }
0xb2: {  	s4 =	sor.u32 @!p0 s4, s6;
	[sflag:s5] =	ssyncadd.s32 @!p0 $0xFFFFFFFF  }
0xb3: {  	s25 =	simm.s32 $0x1B8E;
	s24 =	sld [smem:$0x3FFE];
	[sflag:s4] =	ssyncadd.remote.s32 @!p0 $0x1  }
0xb4: {  	s26 =	simm.s32 $execute0_lowered;
	[smem:$0x3FD2] =	sst s25  }
0xb5: {  	s5 =	sshll.u32 s26, $0x1;
	_ =	strace $0x8000004F;
	[dreg:$0x1] =	wrdreg $0xFFFFFFFF  }
0xb6: {  	s28 =	simm.s32 $_size_execute0_lowered;
	s3 =	sadd.s32 s3, s5;
	[dreg:$0x0] =	wrdreg $0x0  }
0xb7: {  	s5 =	sshll.u32 s28, $0x1;
	[dreg:$0x2] =	wrdreg s3  }
0xb8: {  	[dreg:$0x3] =	wrdreg s5  }
0xb9: {  	[dreg:$0x4] =	wrdreg $0xC0  }
0xba: {  	_ =	task [dreg:s22], $0x5FFFF  }
0xbb: {  	[dreg:$0x1] =	wrdreg $0xFFFFFFFF  }
0xbc: {  	[dreg:$0x0] =	wrdreg $0x60  }
0xbd: {  	[dreg:$0x2] =	wrdreg s24  }
0xbe: {  	[dreg:$0x3] =	wrdreg $0x9C000  }
0xbf: {  	[dreg:$0x4] =	wrdreg $0x9  }
0xc0: {  	_ =	task.clear_ibuf [dreg:s22], $0x5FFFF;
	_ =	strace $0x9000004F  }
0xc1: {  	s29 =	simm.s32 $0x9;
	_ =	strace $0x80000051  }
0xc2: {  	_ =	swait.ge [sflag:s29], $0x1  }
0xc3: {  	[sflag:s29] =	ssyncadd.s32 $0xFFFFFFFF  }
0xc4: {  	_ =	strace $0x90000051  }
0xc5: {  	_ =	sfence  }
0xc6: {  	s30 =	sld [smem:$0x0];
	_ =	sdelay $0x2  }
0xc7: {  	s31 =	sshll.u32 s1, $0xD;
	s1 =	sshrl.u32 s1, $0x2  }
0xc8: {  	s4 =	sand.u32 $0x4000, s31;
	s1 =	sadd.s32 s1, s30  }
0xc9: {  	s0 =	sor.u32 s4, s0;
	s1 =	sshll.u32 s1, $0x11  }
0xca: {  	s0 =	sor.u32 s1, s0  }
0xcb: {  	s0 =	sadd.s32 $0x8F2B, s0  }
0xcc: {  	[sflag:s0] =	ssyncadd.remote.s32 $0x1  }
0xcd: {  	_ =	sfence.sel $0xFFFF  }
0xce: {  	[dreg:$0x0] =	wrdreg $0xFFFFFFFF;
	(pc) =	sbr.abs _section_cstart, $3  }
0xcf: {  	[dreg:$0x1] =	wrdreg $0xFFFFFFFF  }
0xd0: {  	_ =	task.clear_ibuf [dreg:s22], $0x2FFFF;
	_ =	strace $0x9FFFFFFF  }
0xd1: {  	(tm) =	ssettm $0x7FFFFFFF  }
tec
execute0_lowered:
.L_overlay_start_1:
0x0: {  	(tag) =	ssettag $0x1  }
0x1: {  	s0 =	stileid.u32  }
0x2: {  	s8 =	smul.u32 $0x4E000, s0  }
0x3: {  	s16 =	smul.u32 $0x13800, s0  }
0x4: {  	s29 =	smul.u32 $0x140000, s0  }
0x5: {  	s1 =	srdreg.scid;
	s30 =	smul.u32 $0x50, s0  }
0x6: {  	s9 =	rddreg [dreg:$0x0];
	s13 =	sand.u32 $0x1, s1;
	s19 =	smul.u32 $0x28000, s0  }
0x7: {  	s2 =	rddreg [dreg:$0x1];
	s3 =	simm.s32 $0x0;
	s14 =	smul.u32 $0x138800, s13  }
0x8: {  	s4 =	sshll.u32 s0, $0x1;
	[smem:$0x7FF] =	sst s3;
	s17 =	smul.u32 $0xA0000, s13  }
0x9: {  	s15 =	sadd.s32 $0x57800, s9;
	s10 =	sadd.s32 $0x2C8800, s9;
	s31 =	smul.u32 $0x28, s13  }
0xa: {  	s20 =	sadd.s32 $0x124800, s2;
	s6 =	sor.u32 s13, s4;
	s21 =	smul.u32 $0x14000, s13  }
0xb: {  	_ =	strace $0x80000050;
	s5 =	ssub.s32 $0x2, s13;
	s4 =	smul.u32 $0x280, s6  }
0xc: {  	s25 =	sshrl.u32 s5, $0x1;
	p0 =	seq.s32 s6, $0x1F;
	s11 =	smul.u32 $0x14000, s6  }
0xd: {  	s6 =	simm.s32 $0x28;
	s26 =	sshrl.u32 s8, $0x2;
	s12 =	ssub.s32 s5, s25  }
0xe: {  	s28 =	sadd.s32 s16, s14;
	s14 =	sshrl.u32 s14, $0x3;
	s16 =	sadd.s32 s17, s29  }
0xf: {  	s13 =	sadd.s32 s31, s30;
	s17 =	simm.s32 $0x3;
	s7 =	sadd.s32 s4, s9  }
0x10: {  	s4 =	simm.s32 $0x9;
	s8 =	sadd.s32 s15, s11;
	s11 =	sshrl.u32 s28, $0x3  }
0x11: {  	s14 =	sadd.s32 s10, s14;
	s9 =	sadd.s32 $0x58000, s9;
	s12 =	smax.u32 s12, $0x1  }
0x12: {  	s18 =	sor.u32 $0x8000, s16;
	s16 =	sor.u32 $0x4000, s16;
	s5 =	sadd.s32 $0x4F0600, s7  }
0x13: {  	s4 =	simm.s32 @!p0 $0x27;
	p0 =	seq.s32 s0, $0xF;
	s7 =	sadd.s32 s26, s2  }
0x14: {  	s10 =	sadd.s32 s10, s11;
	s11 =	sadd.s32 $0x24900, s14;
	s18 =	sshrl.u32 s18, $0x3  }
0x15: {  	s16 =	sshrl.u32 s16, $0x3;
	s6 =	simm.s32 @!p0 $0x27;
	s18 =	sadd.s32 s18, s15  }
0x16: {  	s15 =	sadd.s32 s16, s15;
	s16 =	sadd.s32 s21, s19;
	s20 =	sshrl.u32 @p0 s20, $0x3  }
0x17: {  	v0 =	vimm.f32 $0.0e+00;
	s21 =	simm.s32 $0x0;
	s14 =	ssub.s32 $0x800, s18;
	s18 =	simm.s32 $0x9400  }
.LBB2_1:
0x18: {  	[tilespmem:s3], [sflag:$0x3] =	stream.linear.gather [hbm4b:s5+s3], $0x1400, $0x38;
	[tilespmem:$0x1D480] =	vst v63  }
0x19: {  	s22 =	sand.u32 $0x1E00, s3;
	s23 =	sand.u32 $0x70, s3;
	_ =	swait.ge [sflag:s17], $0x1400  }
0x1a: {  	s24 =	sshrl.u32 s22, $0x2;
	s22 =	simm.s32 $0x40;
	[sflag:s17] =	ssyncset.done $0x0  }
0x1b: {  	s24 =	sor.u32 s23, s24;
	s23 =	simm.s32 $0x0;
	[sflag:s17] =	ssyncadd.s32 $0xFFFFEC00  }
.LBB2_2:
0x1c: {  	p1 =	sne.s32 s22, $0x1FC0  }
0x1d: {  	[tilespmem:s24+$0x9400] =	vst v0;
	s23 =	sadd.s32 $0x10, s23;
	s24 =	smov.u32 s22;
	s22 =	sadd.s32 $0x40, s22  }
.Ltmp0:
0x1e: {  	(pc) =	sbr.rel @p1 .LBB2_2-.Ltmp0, $4  }
0x1f: {  	_ = 	snop  }
0x20: {  	s24 =	sand.u32 $0x1E00, s24  }
0x21: {  	s25 =	sand.u32 $0x70, s23;
	s24 =	sshrl.u32 s24, $0x2  }
0x22: {  	s24 =	sor.u32 s25, s24  }
0x23: {  	p1 =	sne.s32 s6, $0x1  }
.Ltmp1:
0x24: {  	_ = 	snop;
	(pc) =	sbr.rel @!p1 .LBB2_5-.Ltmp1, $4  }
0x25: {  	[tilespmem:s24+$0x9400] =	vst v0  }
0x26: {  	[spmem:s7] =	stream.linear.scatter [tilespmem:s18], [sflag:$0x3], $0x800, $0x38;
	[tilespmem:$0x1D480] =	vst v63  }
0x27: {  	_ =	swait.ge [sflag:s17], $0x800  }
0x28: {  	s22 =	sadd.s32 $0xFFFFFFFF, s6;
	s23 =	smov.u32 s7;
	[sflag:s17] =	ssyncset.done $0x0  }
.LBB2_4:
0x29: {  	p1 =	sne.s32 s22, $0x1;
	[sflag:s17] =	ssyncadd.s32 $0xFFFFF800;
	s23 =	sadd.s32 $0x800, s23  }
.Ltmp2:
0x2a: {  	s22 =	sadd.s32 $0xFFFFFFFF, s22;
	(pc) =	sbr.rel @p1 .LBB2_4-.Ltmp2, $4  }
0x2b: {  	_ = 	snop  }
0x2c: {  	[spmem:s23] =	stream.linear.scatter [tilespmem:s18], [sflag:$0x3], $0x800, $0x38;
	[tilespmem:$0x1D480] =	vst v63  }
0x2d: {  	_ =	swait.ge [sflag:s17], $0x800  }
0x2e: {  	[sflag:s17] =	ssyncset.done $0x0  }
.LBB2_5:
0x2f: {  	p2 =	sne.s32 s4, $0x1  }
.Ltmp3:
0x30: {  	_ = 	snop;
	(pc) =	sbr.rel @!p2 .LBB2_6-.Ltmp3, $4  }
0x31: {  	[sflag:s17] =	ssyncadd.s32 $0xFFFFF800  }
0x32: {  	s22 =	simm.s32 $0x0;
	s1 =	simm.s32 $0x1400;
	s24 =	simm.s32 $0x1  }
0x33: {  	p1 =	por $0x0, $0x0;
	[bflag:$0x0] =	sbarrier.arrive $0xFFFF;
	s30 =	sand.u32 $0x1, s22  }
0x34: {  	[tilespmem:s1], [sflag:$0x1] =	stream.linear.gather [hbm4b:s8+s22], $0x4000, $0x38;
	[tilespmem:$0x1D480] =	vst v63  }
0x35: {  	p1 =	seq.s32 s30, $0x1;
	s29 =	simm.s32 $0x2  }
0x36: {  	s23 =	simm.s32 @p1 $0x0;
	s25 =	simm.s32 @p1 $0x1400;
	s26 =	simm.s32 @p1 $0x2  }
0x37: {  	[tilespmem:s25], [sflag:$0x1] =	stream.linear.gather @p1 [hbm4b:s15+s23], $0x4000, $0x38;
	[tilespmem:$0x1D480] =	vst v63  }
0x38: {  	p2 =	sne.s32 s4, $0x2;
	s30 =	simm.s32 @!p1 $0x1;
	_ =	swait.ge @p1 [sflag:s26], $0x4000  }
0x39: {  	s28 =	simm.s32 @!p1 $0x4;
	s23 =	sand.u32 @!p1 $0x1FFFF000, s16;
	[sflag:s26] =	ssyncset.done @p1 $0x0  }
0x3a: {  	s25 =	simm.s32 @p1 $0x80;
	[sflag:s26] =	ssyncadd.s32 @p1 $0xFFFFC000;
	s26 =	simm.s32 @p1 $0x5400  }
0x3b: {  	[spmem:s2] =	stream.indirect.scatter.add.f32 @p1 [tilespmem:s26], [sflag:$0x3], $0x80, s22, s25, $0xb8;
	[tilespmem:$0x1D480] =	vst v63  }
0x3c: {  	s23 =	sadd.s32 @!p1 s23, s9;
	s25 =	simm.s32 @!p1 $0x0;
	s26 =	simm.s32 @!p1 $0x5400  }
0x3d: {  	[tilespmem:s26], [sflag:$0x2] =	stream.linear.gather @!p1 [hbm4b:s23+s25], $0x4000, $0x38;
	[tilespmem:$0x1D480] =	vst v63  }
0x3e: {  	s28 =	simm.s32 @p1 $0x3;
	s23 =	simm.s32 @!p1 $0x80;
	_ =	swait.ge @!p1 [sflag:s30], $0x4000  }
.Ltmp4:
0x3f: {  	s25 =	simm.s32 @!p1 $0x1400;
	[sflag:s30] =	ssyncset.done @!p1 $0x0;
	(pc) =	sbr.rel @!p2 .LBB2_8-.Ltmp4, $4  }
0x40: {  	s26 =	sadd.s32 $0x800, s15;
	[sflag:s30] =	ssyncadd.s32 @!p1 $0xFFFFC000;
	s30 =	sand.u32 $0x1, s24  }
0x41: {  	[spmem:s2] =	stream.indirect.scatter.add.f32 @!p1 [tilespmem:s25], [sflag:$0x4], $0x80, s22, s23, $0xb8;
	[tilespmem:$0x1D480] =	vst v63  }
0x42: {  	s25 =	sadd.s32 $0x800, s16;
	s22 =	simm.s32 $0x80;
	_ =	swait.ge [sflag:s28], $0x4000  }
0x43: {  	s23 =	sadd.s32 $0xFFFFF800, s14;
	p1 =	por $0x1, $0x1;
	[sflag:s28] =	ssyncset.done $0x0  }
.LBB2_9:
0x44: {  	p2 =	seq.s32 s30, $0x1  }
0x45: {  	[sflag:s28] =	ssyncadd.s32 $0xFFFFC000;
	s24 =	smov.u32 s29;
	s29 =	sadd.s32 $0x1, s29  }
0x46: {  	s28 =	simm.s32 @p2 $0x0;
	s30 =	simm.s32 @p2 $0x1400;
	s31 =	simm.s32 @p2 $0x2  }
0x47: {  	[tilespmem:s30], [sflag:$0x1] =	stream.linear.gather @p2 [hbm4b:s26+s28], $0x4000, $0x38;
	[tilespmem:$0x1D480] =	vst v63  }
0x48: {  	s30 =	sand.u32 @!p2 $0x1FFFF000, s25;
	s28 =	simm.s32 @!p2 $0x4;
	_ =	swait.ge @p2 [sflag:s31], $0x4000  }
0x49: {  	p3 =	sne.s32 s4, s29;
	s30 =	sadd.s32 @!p2 s30, s9;
	[sflag:s31] =	ssyncset.done @p2 $0x0  }
0x4a: {  	s1 =	simm.s32 @p2 $0x5400;
	[sflag:s31] =	ssyncadd.s32 @p2 $0xFFFFC000;
	s31 =	simm.s32 @p2 $0x80  }
0x4b: {  	[spmem:s2] =	stream.indirect.scatter.add.f32 @p2 [tilespmem:s1], [sflag:$0x3], $0x80, s22, s31, $0xb8;
	[tilespmem:$0x1D480] =	vst v63  }
0x4c: {  	s19 =	simm.s32 @!p2 $0x1;
	s1 =	simm.s32 @!p2 $0x0;
	s31 =	simm.s32 @!p2 $0x5400  }
0x4d: {  	[tilespmem:s31], [sflag:$0x2] =	stream.linear.gather @!p2 [hbm4b:s30+s1], $0x4000, $0x38;
	[tilespmem:$0x1D480] =	vst v63  }
0x4e: {  	s25 =	sadd.s32 $0x800, s25;
	_ =	swait.ge @!p2 [sflag:s19], $0x4000  }
.Ltmp5:
0x4f: {  	s28 =	simm.s32 @p2 $0x3;
	[sflag:s19] =	ssyncset.done @!p2 $0x0;
	(pc) =	sbr.rel @p3 .LBB2_9-.Ltmp5, $4  }
0x50: {  	s1 =	simm.s32 @!p2 $0x80;
	[sflag:s19] =	ssyncadd.s32 @!p2 $0xFFFFC000;
	s19 =	simm.s32 @!p2 $0x1400  }
0x51: {  	[spmem:s2] =	stream.indirect.scatter.add.f32 @!p2 [tilespmem:s19], [sflag:$0x4], $0x80, s22, s1, $0xb8;
	[tilespmem:$0x1D480] =	vst v63  }
0x52: {  	s26 =	sadd.s32 $0x800, s26;
	s22 =	sadd.s32 $0x80, s22;
	_ =	swait.ge [sflag:s28], $0x4000  }
0x53: {  	s23 =	sadd.s32 $0xFFFFF800, s23;
	s30 =	sand.u32 $0x1, s24;
	[sflag:s28] =	ssyncset.done $0x0  }
0x54: {  	s24 =	smov.u32 s29  }
.LBB2_11:
0x55: {  	p2 =	seq.s32 s30, $0x1;
	[sflag:s28] =	ssyncadd.s32 @p1 $0xFFFFC000  }
0x56: {  	s1 =	simm.s32 @p2 $0x0;
	s19 =	simm.s32 @p2 $0x1400;
	s28 =	simm.s32 @p2 $0x2  }
0x57: {  	[tilespmem:s19], [sflag:$0x1] =	stream.linear.gather @p2 [hbm4b:s26+s1], $0x4000, $0x38;
	[tilespmem:$0x1D480] =	vst v63  }
0x58: {  	_ =	swait.ge @p2 [sflag:s28], $0x4000  }
0x59: {  	s1 =	sand.u32 @!p2 $0x1FFFF000, s25;
	s19 =	simm.s32 @p2 $0x80;
	[sflag:s28] =	ssyncset.done @p2 $0x0  }
0x5a: {  	s25 =	simm.s32 @p2 $0x5400;
	s26 =	simm.s32 @!p2 $0x1;
	[sflag:s28] =	ssyncadd.s32 @p2 $0xFFFFC000  }
0x5b: {  	[spmem:s2] =	stream.indirect.scatter.add.f32 @p2 [tilespmem:s25], [sflag:$0x3], $0x80, s22, s19, $0xb8;
	[tilespmem:$0x1D480] =	vst v63  }
0x5c: {  	s1 =	sadd.s32 @!p2 s1, s9;
	s19 =	simm.s32 @!p2 $0x0;
	s25 =	simm.s32 @!p2 $0x5400  }
0x5d: {  	[tilespmem:s25], [sflag:$0x2] =	stream.linear.gather @!p2 [hbm4b:s1+s19], $0x4000, $0x38;
	[tilespmem:$0x1D480] =	vst v63  }
0x5e: {  	_ =	swait.ge @!p2 [sflag:s26], $0x4000  }
0x5f: {  	p1 =	sne.s32 s30, $0x0;
	[sflag:s26] =	ssyncset.done @!p2 $0x0  }
0x60: {  	s1 =	simm.s32 @!p2 $0x80;
	s19 =	simm.s32 @!p2 $0x1400;
	[sflag:s26] =	ssyncadd.s32 @!p2 $0xFFFFC000  }
0x61: {  	[spmem:s2] =	stream.indirect.scatter.add.f32 @!p2 [tilespmem:s19], [sflag:$0x4], $0x80, s22, s1, $0xb8;
	[tilespmem:$0x1D480] =	vst v63  }
0x62: {  	p3 =	sge.u32 @p1 s24, s4;
	s1 =	simm.s32 @!p2 $0x4  }
0x63: {  	s1 =	simm.s32 @p2 $0x3;
	p2 =	por p3, !p1  }
0x64: {  	_ =	swait.ge [sflag:s1], $0x4000;
	s19 =	sadd.s32 @!p2 s24, s13  }
0x65: {  	[sflag:s1] =	ssyncset.done $0x0;
	s19 =	sshll.u32 @!p2 s19, $0xB  }
0x66: {  	[sflag:s1] =	ssyncadd.s32 $0xFFFFC000;
	s1 =	sand.u32 @!p2 $0x1FFFF000, s19  }
0x67: {  	s25 =	simm.s32 @!p2 $0x5400;
	s19 =	simm.s32 @!p2 $0x0;
	s1 =	sadd.s32 @!p2 s1, s9  }
0x68: {  	[tilespmem:s25], [sflag:$0x2] =	stream.linear.gather @!p2 [hbm4b:s1+s19], $0x4000, $0x38;
	[tilespmem:$0x1D480] =	vst v63  }
0x69: {  	s1 =	simm.s32 @p1 $0x1  }
0x6a: {  	_ =	swait.ge @p1 [sflag:s1], $0x4000  }
0x6b: {  	s19 =	sadd.s32 $0x80, s22;
	s22 =	simm.s32 @p1 $0x1400;
	[sflag:s1] =	ssyncset.done @p1 $0x0  }
0x6c: {  	p2 =	sge.u32 @!p1 s24, s4;
	[sflag:s1] =	ssyncadd.s32 @p1 $0xFFFFC000;
	s1 =	simm.s32 @p1 $0x80  }
0x6d: {  	[spmem:s2] =	stream.indirect.scatter.add.f32 @p1 [tilespmem:s22], [sflag:$0x4], $0x80, s19, s1, $0xb8;
	[tilespmem:$0x1D480] =	vst v63  }
0x6e: {  	p2 =	por p2, p1;
	s1 =	sadd.s32 $0xFFFFF800, s23  }
0x6f: {  	s22 =	simm.s32 @!p2 $0x0;
	s23 =	simm.s32 @!p2 $0x1400;
	s1 =	ssub.s32 @!p2 $0x0, s1  }
0x70: {  	[tilespmem:s23], [sflag:$0x1] =	stream.linear.gather @!p2 [hbm4b:s1+s22], $0x4000, $0x38;
	[tilespmem:$0x1D480] =	vst v63  }
0x71: {  	s1 =	simm.s32 @!p1 $0x2  }
0x72: {  	_ =	swait.ge @!p1 [sflag:s1], $0x4000  }
0x73: {  	[sflag:s1] =	ssyncset.done @!p1 $0x0  }
0x74: {  	s22 =	simm.s32 @!p1 $0x5400;
	[sflag:s1] =	ssyncadd.s32 @!p1 $0xFFFFC000;
	s1 =	simm.s32 @!p1 $0x80  }
0x75: {  	[spmem:s2] =	stream.indirect.scatter.add.f32 @!p1 [tilespmem:s22], [sflag:$0x3], $0x80, s19, s1, $0xb8;
	[tilespmem:$0x1D480] =	vst v63  }
0x76: {  	s1 =	simm.s32 @!p1 $0x3  }
0x77: {  	s1 =	simm.s32 @p1 $0x4  }
0x78: {  	_ =	swait.ge [sflag:s1], $0x4000  }
0x79: {  	[sflag:s1] =	ssyncset.done $0x0  }
0x7a: {  	[sflag:s1] =	ssyncadd.s32 $0xFFFFC000  }
0x7b: {  	s1 =	simm.s32 @p0 $0x1FC3;
	[bflag:$0x0] =	sbarrier.arrive $0xFFFF  }
0x7c: {  	[hbm:s11], [sflag:s1] =	dma.local @p0 [spmem:s20], $0x2800  }
0x7d: {  	s1 =	simm.s32 @p0 $0x3  }
0x7e: {  	s21 =	sadd.s32 $0x1, s21;
	_ =	swait.ge @p0 [sflag:s1], $0x2800  }
0x7f: {  	s19 =	sshll.u32 @!p0 s0, $0x6;
	p1 =	sne.s32 s21, s12;
	[sflag:s1] =	ssyncset.done @p0 $0x0  }
0x80: {  	[sflag:s1] =	ssyncadd.s32 @p0 $0xFFFFD800;
	s1 =	sor.u32 @!p0 $0x1C03, s19;
	s19 =	sshrl.u32 @!p0 s7, $0x3  }
0x81: {  	[hbm:s10], [sflag:s1] =	dma.local @!p0 [spmem:s19], $0x2700  }
.Ltmp6:
0x82: {  	_ = 	snop;
	(pc) =	sbr.rel @p1 .LBB2_1-.Ltmp6, $4  }
.Ltmp7:
0x83: {  	s1 =	simm.s32 @!p0 $0x3;
	(pc) =	sbr.rel @!p1 .LBB2_12-.Ltmp7, $4  }
0x84: {  	_ =	swait.ge @!p0 [sflag:s1], $0x2700  }
0x85: {  	[sflag:s1] =	ssyncset.done @!p0 $0x0  }
0x86: {  	[sflag:s1] =	ssyncadd.s32 @!p0 $0xFFFFD900  }
0x87: {  	_ = 	snop  }
.LBB2_6:
.Ltmp8:
0x88: {  	(pc) =	sbr.rel .LBB2_11-.Ltmp8, $2  }
0x89: {  	_ =	sdelay $0x2  }
0x8a: {  	s26 =	smov.u32 s15;
	s25 =	smov.u32 s16;
	s23 =	smov.u32 s14  }
.LBB2_8:
.Ltmp9:
0x8b: {  	(pc) =	sbr.rel .LBB2_11-.Ltmp9, $2  }
0x8c: {  	_ =	sdelay $0x2  }
0x8d: {  	s24 =	simm.s32 $0x2  }
.LBB2_12:
0x8e: {  	_ =	sfence.sel $0x180000  }
0x8f: {  	[bflag:$0x0] =	sbarrier.arrive $0xFFFF  }
0x90: {  	_ =	strace $0x90000050  }
0x91: {  	[bflag:$0x2] =	sbarrier.arrive $0xFFFF  }
0x92: {  	p0 =	sne.s32 s0, $0x0;
	s0 =	rddreg [dreg:$0x2]  }
0x93: {  	s0 =	sadd.s32 @!p0 $0x100000, s0  }
0x94: {  	[sflag:s0] =	ssyncadd.tile.s32 @!p0 $0x1;
	_ =	shalt  }
.Lfunc_end2:
_tile_overlayer_lowered:
.L_overlay_start_2:
0x95: {  	(tag) =	ssettag $0x2  }
0x96: {  	s0 =	rddreg [dreg:$0x0];
	s2 =	stileid.u32  }
0x97: {  	s1 =	rddreg [dreg:$0x1];
	p0 =	sne.s32 s2, $0x0  }
0x98: {  	s3 =	rddreg [dreg:$0x2];
	[bflag:$0x3] =	sbarrier.arrive $0xFFFF;
	s2 =	simm.s32 @!p0 $0x1C03  }
0x99: {  	[timem:s3], [sflag:s2] =	dma.local @!p0 [hbm:s0], s1  }
0x9a: {  	s0 =	simm.s32 @!p0 $0x3  }
0x9b: {  	_ =	swait.ge @!p0 [sflag:s0], s1  }
0x9c: {  	s1 =	ssub.s32 @!p0 $0x0, s1;
	[sflag:s0] =	ssyncset.done @!p0 $0x0  }
0x9d: {  	[sflag:s0] =	ssyncadd.s32 @!p0 s1  }
0x9e: {  	[bflag:$0x3] =	sbarrier.arrive $0xFFFF  }
0x9f: {  	_ =	shalt  }

// kernel: kernel.19.cloned.1.call-start
scs
__scs_entry_jumppad:
0x0: {  	(pc) =	sbr.rel $0x88, $3  }
0x1: {  	(tag) =	ssettag $0x0;
	lr =	simm.s32 $0x1  }
0x2: {  	[smem:$0x3F8E] =	sst lr;
	_ =	strace $0xD0000000  }
0x3: {  	_ = 	snop  }
0x4: {  	_ = 	snop  }
0x5: {  	_ = 	snop  }
0x6: {  	_ = 	snop  }
0x7: {  	_ = 	snop  }
__scs_overlays_trampoline_lowered:
0x8: {  	[smem:$0x3F9D] =	sst s0  }
0x9: {  	[smem:$0x3F9E] =	sst s1  }
0xa: {  	[smem:$0x3F9F] =	sst s2  }
0xb: {  	[smem:$0x3FA0] =	sst s3  }
0xc: {  	[smem:$0x3FA1] =	sst s4  }
0xd: {  	[smem:$0x3FA2] =	sst s5  }
0xe: {  	[smem:$0x3FA3] =	sst s6  }
0xf: {  	[smem:$0x3FA4] =	sst s7  }
0x10: {  	[smem:$0x3FA5] =	sst s8  }
0x11: {  	[smem:$0x3FA6] =	sst s9;
	s0 =	simm.s32 @!p0 $0x0  }
0x12: {  	s1 =	sld [smem:$0x3F8C];
	s0 =	simm.s32 @p0 $0x1  }
0x13: {  	[smem:$0x3FA7] =	sst s0;
	s0 =	simm.s32 @!p1 $0x0  }
0x14: {  	s2 =	sld [smem:$0x3F8B];
	s0 =	simm.s32 @p1 $0x1  }
0x15: {  	[smem:$0x3FA8] =	sst s0;
	s0 =	simm.s32 @!p2 $0x0  }
0x16: {  	s3 =	sld [smem:$0x3FDB];
	s0 =	simm.s32 @p2 $0x1  }
0x17: {  	s4 =	simm.s32 $0x1BF5;
	[smem:$0x3FAA] =	sst s0  }
0x18: {  	s0 =	sld [smem:$0x3F8D];
	_ =	swait.ge [sflag:s4], $0x0  }
0x19: {  	s7 =	sld [smem:$0x3F8E]  }
0x1a: {  	s8 =	sadd.s32 $0xFFFFE003, lr  }
0x1b: {  	s9 =	sadd.s32 $0xFFFFFEF7, lr;
	s5 =	simm.s32 $0xFFFFFFFF;
	p2 =	slt.u32 s8, $0xFFFFF086  }
0x1c: {  	p1 =	slt.u32 s9, $0xF7A;
	s5 =	simm.s32 @!p2 $0x0  }
0x1d: {  	s5 =	simm.s32 @p1 $0x1;
	p0 =	seq.s32 s7, s2  }
0x1e: {  	s7 =	smul.u32 @!p0 $0xF7A, s2;
	p2 =	seq.s32 @!p0 s5, $0x0  }
0x1f: {  	s9 =	smul.u32 $0xF7A, s1;
	s8 =	simm.s32 @!p0 $0x1BF5;
	p2 =	por !p2, p0  }
0x20: {  	[sflag:s8] =	ssyncset.s32 @!p0 $0xFFFFF086;
	s6 =	sadd.s32 @!p0 s3, s7;
	s7 =	simm.s32 @!p0 $0x108  }
0x21: {  	s3 =	sadd.s32 s3, s9;
	s6 =	sadd.s32 @!p0 $0x88, s6;
	s7 =	simm.s32 @p2 $0x1082  }
0x22: {  	[simem:s7], [sflag:s8] =	dma.local @!p0 [hbm:s6], $0xF7A  }
0x23: {  	s9 =	sor.u32 $0xD0000000, s2;
	s6 =	simm.s32 $0x108;
	_ =	swait.ge @!p0 [sflag:s8], $0x0  }
0x24: {  	s3 =	sadd.s32 $0x88, s3;
	s6 =	simm.s32 @!p1 $0x1082;
	[sflag:s4] =	ssyncset.s32 $0xFFFFF086  }
0x25: {  	[simem:s6], [sflag:s4] =	dma.local [hbm:s3], $0xF7A  }
0x26: {  	[smem:$0x3F8E] =	sst s1;
	(tag) =	ssettag s2;
	_ =	strace s9  }
0x27: {  	s1 =	sld [smem:$0x3F9E]  }
0x28: {  	s2 =	sld [smem:$0x3F9F]  }
0x29: {  	s4 =	sld [smem:$0x3FA1]  }
0x2a: {  	p0 =	seq.s32 s5, $0x0;
	s5 =	sld [smem:$0x3FA2]  }
0x2b: {  	s6 =	sld [smem:$0x3FA3]  }
0x2c: {  	s7 =	sld [smem:$0x3FA4]  }
0x2d: {  	s3 =	simm.s32 $0x108;
	s8 =	sld [smem:$0x3FA5]  }
0x2e: {  	s3 =	simm.s32 @!p0 $0x1082;
	s9 =	sld [smem:$0x3FA6]  }
0x2f: {  	lr =	sadd.s32 s0, s3;
	s0 =	sld [smem:$0x3F9D]  }
0x30: {  	s3 =	sld [smem:$0x3FA0]  }
0x31: {  	[smem:$0x3FA9] =	sst s10  }
0x32: {  	s10 =	sld [smem:$0x3FA7];
	_ =	sdelay $0x3  }
0x33: {  	p0 =	seq.s32 s10, $0x1;
	s10 =	sld [smem:$0x3FA9];
	_ =	sdelay $0x3  }
0x34: {  	[smem:$0x3FA9] =	sst s10  }
0x35: {  	s10 =	sld [smem:$0x3FA8];
	_ =	sdelay $0x3  }
0x36: {  	p1 =	seq.s32 s10, $0x1;
	s10 =	sld [smem:$0x3FA9];
	_ =	sdelay $0x3  }
0x37: {  	[smem:$0x3FA9] =	sst s10  }
0x38: {  	s10 =	sld [smem:$0x3FAA]  }
0x39: {  	_ = 	snop;
	(pc) =	sbr.ind lr, $3  }
0x3a: {  	_ = 	snop  }
0x3b: {  	_ = 	snop  }
0x3c: {  	p2 =	seq.s32 s10, $0x1;
	s10 =	sld [smem:$0x3FA9]  }
0x3d: {  	_ =	shalt  }
0x3e: {  	_ =	shalt  }
0x3f: {  	_ =	shalt  }
0x40: {  	_ =	shalt  }
0x41: {  	_ =	shalt  }
0x42: {  	_ =	shalt  }
0x43: {  	_ =	shalt  }
0x44: {  	_ =	shalt  }
0x45: {  	_ =	shalt  }
0x46: {  	_ =	shalt  }
0x47: {  	_ =	shalt  }
0x48: {  	_ =	shalt  }
0x49: {  	_ =	shalt  }
0x4a: {  	_ =	shalt  }
0x4b: {  	_ =	shalt  }
0x4c: {  	_ =	shalt  }
0x4d: {  	_ =	shalt  }
0x4e: {  	_ =	shalt  }
0x4f: {  	_ =	shalt  }
0x50: {  	_ =	shalt  }
0x51: {  	_ =	shalt  }
0x52: {  	_ =	shalt  }
0x53: {  	_ =	shalt  }
0x54: {  	_ =	shalt  }
0x55: {  	_ =	shalt  }
0x56: {  	_ =	shalt  }
0x57: {  	_ =	shalt  }
0x58: {  	_ =	shalt  }
0x59: {  	_ =	shalt  }
0x5a: {  	_ =	shalt  }
0x5b: {  	_ =	shalt  }
0x5c: {  	_ =	shalt  }
0x5d: {  	_ =	shalt  }
0x5e: {  	_ =	shalt  }
0x5f: {  	_ =	shalt  }
0x60: {  	_ =	shalt  }
0x61: {  	_ =	shalt  }
0x62: {  	_ =	shalt  }
0x63: {  	_ =	shalt  }
0x64: {  	_ =	shalt  }
0x65: {  	_ =	shalt  }
0x66: {  	_ =	shalt  }
0x67: {  	_ =	shalt  }
0x68: {  	_ =	shalt  }
0x69: {  	_ =	shalt  }
0x6a: {  	_ =	shalt  }
0x6b: {  	_ =	shalt  }
0x6c: {  	_ =	shalt  }
0x6d: {  	_ =	shalt  }
0x6e: {  	_ =	shalt  }
0x6f: {  	_ =	shalt  }
0x70: {  	_ =	shalt  }
0x71: {  	_ =	shalt  }
0x72: {  	_ =	shalt  }
0x73: {  	_ =	shalt  }
0x74: {  	_ =	shalt  }
0x75: {  	_ =	shalt  }
0x76: {  	_ =	shalt  }
0x77: {  	_ =	shalt  }
0x78: {  	_ =	shalt  }
0x79: {  	_ =	shalt  }
0x7a: {  	_ =	shalt  }
0x7b: {  	_ =	shalt  }
0x7c: {  	_ =	shalt  }
0x7d: {  	_ =	shalt  }
0x7e: {  	_ =	shalt  }
0x7f: {  	_ =	shalt  }
0x80: {  	_ =	shalt  }
0x81: {  	_ =	shalt  }
0x82: {  	_ =	shalt  }
0x83: {  	_ =	shalt  }
0x84: {  	_ =	shalt  }
0x85: {  	_ =	shalt  }
0x86: {  	_ =	shalt  }
0x87: {  	_ =	shalt  }
.Lfunc_end0:
.L_simem_size_0:
called_computation.3_lowered:
.L_overlay_start_0:
0x88: {  	s2 =	sld [smem:$0x3FD9]  }
0x89: {  	s3 =	sld [smem:$0x3FFE];
	_ =	sdelay $0x1  }
0x8a: {  	s1 =	srdreg.scid  }
0x8b: {  	s0 =	sand.u32 $0x1, s1  }
0x8c: {  	s17 =	sshll.u32 s0, $0xA;
	s2 =	sadd.s32 s3, s2  }
0x8d: {  	s2 =	sadd.s32 s2, s17  }
0x8e: {  	[smem:$0x3FB5] =	sst s2  }
0x8f: {  	_ = 	snop  }
0x90: {  	(tm) =	ssettm $0x1  }
0x91: {  	s18 =	sld [smem:$0x3FFB];
	_ =	sdelay $0x3  }
0x92: {  	_ =	strace s18  }
0x93: {  	s2 =	sld [smem:$0x3FFC];
	_ =	sdelay $0x3  }
0x94: {  	_ =	strace s2  }
0x95: {  	s2 =	sld [smem:$0x3FFD];
	_ =	sdelay $0x3  }
0x96: {  	_ =	strace s2  }
0x97: {  	_ =	strace $0x8FFFFFFF  }
0x98: {  	s19 =	sld [smem:$0x3FDB];
	_ =	sdelay $0x1  }
0x99: {  	s20 =	simm.s32 $_scs_section_size  }
0x9a: {  	s4 =	simm.s32 $_size__tile_overlayer_lowered;
	s5 =	simm.s32 $_tile_overlayer_lowered  }
0x9b: {  	s6 =	simm.s32 $0x1BFF;
	s21 =	sshll.u32 s5, $0x1;
	s3 =	sadd.s32 s20, s19  }
0x9c: {  	s22 =	simm.s32 $0x0;
	s4 =	sshll.u32 s4, $0x1;
	s5 =	sadd.s32 s21, s3  }
0x9d: {  	[timem:s22], [sflag:s6] =	dma.local [hbm:s5], s4  }
0x9e: {  	_ =	swait.ge [sflag:s6], s4  }
0x9f: {  	s4 =	ssub.s32 $0x0, s4;
	[sflag:s6] =	ssyncset.done $0x0  }
0xa0: {  	[sflag:s6] =	ssyncadd.s32 s4;
	_ =	sdelay $0x1  }
0xa1: {  	s23 =	simm.s32 $0x1B8B  }
0xa2: {  	_ =	swait.ge [sflag:s23], $0x1  }
0xa3: {  	[sflag:s23] =	ssyncset.done $0x0  }
0xa4: {  	[sflag:s23] =	ssyncadd.s32 $0xFFFFFFFF  }
0xa5: {  	s4 =	sld [smem:$0x0]  }
0xa6: {  	s5 =	sand.u32 $0xFFFFFFFE, s1  }
0xa7: {  	p0 =	sne.s32 s1, s5  }
0xa8: {  	s5 =	sshll.u32 @p0 s5, $0xE  }
0xa9: {  	s5 =	sadd.s32 @p0 $0x11B8D, s5;
	s6 =	sshll.u32 @p0 s4, $0x11  }
0xaa: {  	s5 =	sor.u32 @p0 s6, s5  }
0xab: {  	[sflag:s5] =	ssyncadd.remote.s32 @p0 $0x1;
	_ =	sdelay $0x1  }
0xac: {  	s5 =	simm.s32 @p0 $0x1B8D  }
0xad: {  	_ =	swait.eq @p0 [sflag:s5], $0x1  }
0xae: {  	[sflag:s5] =	ssyncadd.s32 @p0 $0xFFFFFFFF  }
0xaf: {  	s6 =	sshll.u32 @!p0 s1, $0xE  }
0xb0: {  	s6 =	sor.u32 @!p0 $0x4000, s6;
	s5 =	simm.s32 @!p0 $0x1B8D  }
0xb1: {  	s4 =	sshll.u32 @!p0 s4, $0x11;
	s6 =	sadd.s32 @!p0 $0x11B8D, s6;
	_ =	swait.eq @!p0 [sflag:s5], $0x1  }
0xb2: {  	s4 =	sor.u32 @!p0 s4, s6;
	[sflag:s5] =	ssyncadd.s32 @!p0 $0xFFFFFFFF  }
0xb3: {  	s25 =	simm.s32 $0x1B8E;
	s24 =	sld [smem:$0x3FFE];
	[sflag:s4] =	ssyncadd.remote.s32 @!p0 $0x1  }
0xb4: {  	s26 =	simm.s32 $execute0_lowered;
	[smem:$0x3FD2] =	sst s25  }
0xb5: {  	s5 =	sshll.u32 s26, $0x1;
	_ =	strace $0x8000004C;
	[dreg:$0x1] =	wrdreg $0xFFFFFFFF  }
0xb6: {  	s28 =	simm.s32 $_size_execute0_lowered;
	s3 =	sadd.s32 s3, s5;
	[dreg:$0x0] =	wrdreg $0x0  }
0xb7: {  	s5 =	sshll.u32 s28, $0x1;
	[dreg:$0x2] =	wrdreg s3  }
0xb8: {  	[dreg:$0x3] =	wrdreg s5  }
0xb9: {  	[dreg:$0x4] =	wrdreg $0xC0  }
0xba: {  	_ =	task [dreg:s22], $0x5FFFF  }
0xbb: {  	[dreg:$0x1] =	wrdreg $0xFFFFFFFF  }
0xbc: {  	[dreg:$0x0] =	wrdreg $0x60  }
0xbd: {  	[dreg:$0x2] =	wrdreg s24  }
0xbe: {  	[dreg:$0x3] =	wrdreg $0x9C000  }
0xbf: {  	[dreg:$0x4] =	wrdreg $0xA  }
0xc0: {  	_ =	task.clear_ibuf [dreg:s22], $0x5FFFF;
	_ =	strace $0x9000004C  }
0xc1: {  	s29 =	simm.s32 $0xA;
	_ =	strace $0x8000004E  }
0xc2: {  	_ =	swait.ge [sflag:s29], $0x1  }
0xc3: {  	[sflag:s29] =	ssyncadd.s32 $0xFFFFFFFF  }
0xc4: {  	_ =	strace $0x9000004E  }
0xc5: {  	_ =	sfence  }
0xc6: {  	s30 =	sld [smem:$0x0];
	_ =	sdelay $0x2  }
0xc7: {  	s31 =	sshll.u32 s1, $0xD;
	s1 =	sshrl.u32 s1, $0x2  }
0xc8: {  	s4 =	sand.u32 $0x4000, s31;
	s1 =	sadd.s32 s1, s30  }
0xc9: {  	s0 =	sor.u32 s4, s0;
	s1 =	sshll.u32 s1, $0x11  }
0xca: {  	s0 =	sor.u32 s1, s0  }
0xcb: {  	s0 =	sadd.s32 $0x8F2B, s0  }
0xcc: {  	[sflag:s0] =	ssyncadd.remote.s32 $0x1  }
0xcd: {  	_ =	sfence.sel $0xFFFF  }
0xce: {  	[dreg:$0x0] =	wrdreg $0xFFFFFFFF;
	(pc) =	sbr.abs _section_cstart, $3  }
0xcf: {  	[dreg:$0x1] =	wrdreg $0xFFFFFFFF  }
0xd0: {  	_ =	task.clear_ibuf [dreg:s22], $0x2FFFF;
	_ =	strace $0x9FFFFFFF  }
0xd1: {  	(tm) =	ssettm $0x7FFFFFFF  }
tec
execute0_lowered:
.L_overlay_start_1:
0x0: {  	(tag) =	ssettag $0x1  }
0x1: {  	s0 =	stileid.u32  }
0x2: {  	s11 =	smul.u32 $0x4E000, s0  }
0x3: {  	s29 =	smul.u32 $0x13800, s0  }
0x4: {  	s16 =	smul.u32 $0x140000, s0  }
0x5: {  	s1 =	srdreg.scid;
	s30 =	smul.u32 $0x50, s0  }
0x6: {  	s9 =	rddreg [dreg:$0x0];
	s13 =	sand.u32 $0x1, s1;
	s19 =	smul.u32 $0x28000, s0  }
0x7: {  	s2 =	rddreg [dreg:$0x1];
	s3 =	simm.s32 $0x0;
	s14 =	smul.u32 $0x138800, s13  }
0x8: {  	s4 =	sshll.u32 s0, $0x1;
	[smem:$0x7FF] =	sst s3;
	s17 =	smul.u32 $0xA0000, s13  }
0x9: {  	s15 =	sadd.s32 $0x13A0800, s9;
	s10 =	sadd.s32 $0x9600, s9;
	s31 =	smul.u32 $0x28, s13  }
0xa: {  	s20 =	sadd.s32 $0x124800, s2;
	s5 =	sor.u32 s13, s4;
	s21 =	smul.u32 $0x14000, s13  }
0xb: {  	_ =	strace $0x8000004D;
	s6 =	ssub.s32 $0x2, s13;
	s4 =	smul.u32 $0x280, s5  }
0xc: {  	s8 =	sshrl.u32 s6, $0x1;
	p0 =	seq.s32 s5, $0x1F;
	s26 =	smul.u32 $0x14000, s5  }
0xd: {  	s28 =	sshrl.u32 s11, $0x2;
	s12 =	ssub.s32 s6, s8;
	s6 =	simm.s32 $0x28  }
0xe: {  	s11 =	sadd.s32 s29, s14;
	s14 =	sshrl.u32 s14, $0x3;
	s16 =	sadd.s32 s17, s16  }
0xf: {  	s13 =	sadd.s32 s31, s30;
	s17 =	simm.s32 $0x3;
	s7 =	sadd.s32 s4, s9  }
0x10: {  	s4 =	simm.s32 $0x9;
	s8 =	sadd.s32 s15, s26;
	s11 =	sshrl.u32 s11, $0x3  }
0x11: {  	s14 =	sadd.s32 s10, s14;
	s9 =	sadd.s32 $0x13A1000, s9;
	s12 =	smax.u32 s12, $0x1  }
0x12: {  	s18 =	sor.u32 $0x8000, s16;
	s16 =	sor.u32 $0x4000, s16;
	s4 =	simm.s32 @!p0 $0x27  }
0x13: {  	s5 =	sadd.s32 $0x4600, s7;
	p0 =	seq.s32 s0, $0xF;
	s7 =	sadd.s32 s28, s2  }
0x14: {  	s10 =	sadd.s32 s10, s11;
	s11 =	sadd.s32 $0x24900, s14;
	s18 =	sshrl.u32 s18, $0x3  }
0x15: {  	s16 =	sshrl.u32 s16, $0x3;
	s6 =	simm.s32 @!p0 $0x27;
	s18 =	sadd.s32 s18, s15  }
0x16: {  	s15 =	sadd.s32 s16, s15;
	s16 =	sadd.s32 s21, s19;
	s20 =	sshrl.u32 @p0 s20, $0x3  }
0x17: {  	v0 =	vimm.f32 $0.0e+00;
	s21 =	simm.s32 $0x0;
	s14 =	ssub.s32 $0x800, s18;
	s18 =	simm.s32 $0x9400  }
.LBB2_1:
0x18: {  	[tilespmem:s3], [sflag:$0x3] =	stream.linear.gather [hbm4b:s5+s3], $0x1400, $0x38;
	[tilespmem:$0x1D480] =	vst v63  }
0x19: {  	s22 =	sand.u32 $0x1E00, s3;
	s23 =	sand.u32 $0x70, s3;
	_ =	swait.ge [sflag:s17], $0x1400  }
0x1a: {  	s24 =	sshrl.u32 s22, $0x2;
	s22 =	simm.s32 $0x40;
	[sflag:s17] =	ssyncset.done $0x0  }
0x1b: {  	s24 =	sor.u32 s23, s24;
	s23 =	simm.s32 $0x0;
	[sflag:s17] =	ssyncadd.s32 $0xFFFFEC00  }
.LBB2_2:
0x1c: {  	p1 =	sne.s32 s22, $0x1FC0  }
0x1d: {  	[tilespmem:s24+$0x9400] =	vst v0;
	s23 =	sadd.s32 $0x10, s23;
	s24 =	smov.u32 s22;
	s22 =	sadd.s32 $0x40, s22  }
.Ltmp0:
0x1e: {  	(pc) =	sbr.rel @p1 .LBB2_2-.Ltmp0, $4  }
0x1f: {  	_ = 	snop  }
0x20: {  	s24 =	sand.u32 $0x1E00, s24  }
0x21: {  	s25 =	sand.u32 $0x70, s23;
	s24 =	sshrl.u32 s24, $0x2  }
0x22: {  	s24 =	sor.u32 s25, s24  }
0x23: {  	p1 =	sne.s32 s6, $0x1  }
.Ltmp1:
0x24: {  	_ = 	snop;
	(pc) =	sbr.rel @!p1 .LBB2_5-.Ltmp1, $4  }
0x25: {  	[tilespmem:s24+$0x9400] =	vst v0  }
0x26: {  	[spmem:s7] =	stream.linear.scatter [tilespmem:s18], [sflag:$0x3], $0x800, $0x38;
	[tilespmem:$0x1D480] =	vst v63  }
0x27: {  	_ =	swait.ge [sflag:s17], $0x800  }
0x28: {  	s22 =	sadd.s32 $0xFFFFFFFF, s6;
	s23 =	smov.u32 s7;
	[sflag:s17] =	ssyncset.done $0x0  }
.LBB2_4:
0x29: {  	p1 =	sne.s32 s22, $0x1;
	[sflag:s17] =	ssyncadd.s32 $0xFFFFF800;
	s23 =	sadd.s32 $0x800, s23  }
.Ltmp2:
0x2a: {  	s22 =	sadd.s32 $0xFFFFFFFF, s22;
	(pc) =	sbr.rel @p1 .LBB2_4-.Ltmp2, $4  }
0x2b: {  	_ = 	snop  }
0x2c: {  	[spmem:s23] =	stream.linear.scatter [tilespmem:s18], [sflag:$0x3], $0x800, $0x38;
	[tilespmem:$0x1D480] =	vst v63  }
0x2d: {  	_ =	swait.ge [sflag:s17], $0x800  }
0x2e: {  	[sflag:s17] =	ssyncset.done $0x0  }
.LBB2_5:
0x2f: {  	p2 =	sne.s32 s4, $0x1  }
.Ltmp3:
0x30: {  	_ = 	snop;
	(pc) =	sbr.rel @!p2 .LBB2_6-.Ltmp3, $4  }
0x31: {  	[sflag:s17] =	ssyncadd.s32 $0xFFFFF800  }
0x32: {  	s22 =	simm.s32 $0x0;
	s1 =	simm.s32 $0x1400;
	s24 =	simm.s32 $0x1  }
0x33: {  	p1 =	por $0x0, $0x0;
	[bflag:$0x0] =	sbarrier.arrive $0xFFFF;
	s30 =	sand.u32 $0x1, s22  }
0x34: {  	[tilespmem:s1], [sflag:$0x1] =	stream.linear.gather [hbm4b:s8+s22], $0x4000, $0x38;
	[tilespmem:$0x1D480] =	vst v63  }
0x35: {  	p1 =	seq.s32 s30, $0x1;
	s29 =	simm.s32 $0x2  }
0x36: {  	s23 =	simm.s32 @p1 $0x0;
	s25 =	simm.s32 @p1 $0x1400;
	s26 =	simm.s32 @p1 $0x2  }
0x37: {  	[tilespmem:s25], [sflag:$0x1] =	stream.linear.gather @p1 [hbm4b:s15+s23], $0x4000, $0x38;
	[tilespmem:$0x1D480] =	vst v63  }
0x38: {  	p2 =	sne.s32 s4, $0x2;
	s30 =	simm.s32 @!p1 $0x1;
	_ =	swait.ge @p1 [sflag:s26], $0x4000  }
0x39: {  	s28 =	simm.s32 @!p1 $0x4;
	s23 =	sand.u32 @!p1 $0x1FFFF000, s16;
	[sflag:s26] =	ssyncset.done @p1 $0x0  }
0x3a: {  	s25 =	simm.s32 @p1 $0x80;
	[sflag:s26] =	ssyncadd.s32 @p1 $0xFFFFC000;
	s26 =	simm.s32 @p1 $0x5400  }
0x3b: {  	[spmem:s2] =	stream.indirect.scatter.add.f32 @p1 [tilespmem:s26], [sflag:$0x3], $0x80, s22, s25, $0xb8;
	[tilespmem:$0x1D480] =	vst v63  }
0x3c: {  	s23 =	sadd.s32 @!p1 s23, s9;
	s25 =	simm.s32 @!p1 $0x0;
	s26 =	simm.s32 @!p1 $0x5400  }
0x3d: {  	[tilespmem:s26], [sflag:$0x2] =	stream.linear.gather @!p1 [hbm4b:s23+s25], $0x4000, $0x38;
	[tilespmem:$0x1D480] =	vst v63  }
0x3e: {  	s28 =	simm.s32 @p1 $0x3;
	s23 =	simm.s32 @!p1 $0x80;
	_ =	swait.ge @!p1 [sflag:s30], $0x4000  }
.Ltmp4:
0x3f: {  	s25 =	simm.s32 @!p1 $0x1400;
	[sflag:s30] =	ssyncset.done @!p1 $0x0;
	(pc) =	sbr.rel @!p2 .LBB2_8-.Ltmp4, $4  }
0x40: {  	s26 =	sadd.s32 $0x800, s15;
	[sflag:s30] =	ssyncadd.s32 @!p1 $0xFFFFC000;
	s30 =	sand.u32 $0x1, s24  }
0x41: {  	[spmem:s2] =	stream.indirect.scatter.add.f32 @!p1 [tilespmem:s25], [sflag:$0x4], $0x80, s22, s23, $0xb8;
	[tilespmem:$0x1D480] =	vst v63  }
0x42: {  	s25 =	sadd.s32 $0x800, s16;
	s22 =	simm.s32 $0x80;
	_ =	swait.ge [sflag:s28], $0x4000  }
0x43: {  	s23 =	sadd.s32 $0xFFFFF800, s14;
	p1 =	por $0x1, $0x1;
	[sflag:s28] =	ssyncset.done $0x0  }
.LBB2_9:
0x44: {  	p2 =	seq.s32 s30, $0x1  }
0x45: {  	[sflag:s28] =	ssyncadd.s32 $0xFFFFC000;
	s24 =	smov.u32 s29;
	s29 =	sadd.s32 $0x1, s29  }
0x46: {  	s28 =	simm.s32 @p2 $0x0;
	s30 =	simm.s32 @p2 $0x1400;
	s31 =	simm.s32 @p2 $0x2  }
0x47: {  	[tilespmem:s30], [sflag:$0x1] =	stream.linear.gather @p2 [hbm4b:s26+s28], $0x4000, $0x38;
	[tilespmem:$0x1D480] =	vst v63  }
0x48: {  	s30 =	sand.u32 @!p2 $0x1FFFF000, s25;
	s28 =	simm.s32 @!p2 $0x4;
	_ =	swait.ge @p2 [sflag:s31], $0x4000  }
0x49: {  	p3 =	sne.s32 s4, s29;
	s30 =	sadd.s32 @!p2 s30, s9;
	[sflag:s31] =	ssyncset.done @p2 $0x0  }
0x4a: {  	s1 =	simm.s32 @p2 $0x5400;
	[sflag:s31] =	ssyncadd.s32 @p2 $0xFFFFC000;
	s31 =	simm.s32 @p2 $0x80  }
0x4b: {  	[spmem:s2] =	stream.indirect.scatter.add.f32 @p2 [tilespmem:s1], [sflag:$0x3], $0x80, s22, s31, $0xb8;
	[tilespmem:$0x1D480] =	vst v63  }
0x4c: {  	s19 =	simm.s32 @!p2 $0x1;
	s1 =	simm.s32 @!p2 $0x0;
	s31 =	simm.s32 @!p2 $0x5400  }
0x4d: {  	[tilespmem:s31], [sflag:$0x2] =	stream.linear.gather @!p2 [hbm4b:s30+s1], $0x4000, $0x38;
	[tilespmem:$0x1D480] =	vst v63  }
0x4e: {  	s25 =	sadd.s32 $0x800, s25;
	_ =	swait.ge @!p2 [sflag:s19], $0x4000  }
.Ltmp5:
0x4f: {  	s28 =	simm.s32 @p2 $0x3;
	[sflag:s19] =	ssyncset.done @!p2 $0x0;
	(pc) =	sbr.rel @p3 .LBB2_9-.Ltmp5, $4  }
0x50: {  	s1 =	simm.s32 @!p2 $0x80;
	[sflag:s19] =	ssyncadd.s32 @!p2 $0xFFFFC000;
	s19 =	simm.s32 @!p2 $0x1400  }
0x51: {  	[spmem:s2] =	stream.indirect.scatter.add.f32 @!p2 [tilespmem:s19], [sflag:$0x4], $0x80, s22, s1, $0xb8;
	[tilespmem:$0x1D480] =	vst v63  }
0x52: {  	s26 =	sadd.s32 $0x800, s26;
	s22 =	sadd.s32 $0x80, s22;
	_ =	swait.ge [sflag:s28], $0x4000  }
0x53: {  	s23 =	sadd.s32 $0xFFFFF800, s23;
	s30 =	sand.u32 $0x1, s24;
	[sflag:s28] =	ssyncset.done $0x0  }
0x54: {  	s24 =	smov.u32 s29  }
.LBB2_11:
0x55: {  	p2 =	seq.s32 s30, $0x1;
	[sflag:s28] =	ssyncadd.s32 @p1 $0xFFFFC000  }
0x56: {  	s1 =	simm.s32 @p2 $0x0;
	s19 =	simm.s32 @p2 $0x1400;
	s28 =	simm.s32 @p2 $0x2  }
0x57: {  	[tilespmem:s19], [sflag:$0x1] =	stream.linear.gather @p2 [hbm4b:s26+s1], $0x4000, $0x38;
	[tilespmem:$0x1D480] =	vst v63  }
0x58: {  	_ =	swait.ge @p2 [sflag:s28], $0x4000  }
0x59: {  	s1 =	sand.u32 @!p2 $0x1FFFF000, s25;
	s19 =	simm.s32 @p2 $0x80;
	[sflag:s28] =	ssyncset.done @p2 $0x0  }
0x5a: {  	s25 =	simm.s32 @p2 $0x5400;
	s26 =	simm.s32 @!p2 $0x1;
	[sflag:s28] =	ssyncadd.s32 @p2 $0xFFFFC000  }
0x5b: {  	[spmem:s2] =	stream.indirect.scatter.add.f32 @p2 [tilespmem:s25], [sflag:$0x3], $0x80, s22, s19, $0xb8;
	[tilespmem:$0x1D480] =	vst v63  }
0x5c: {  	s1 =	sadd.s32 @!p2 s1, s9;
	s19 =	simm.s32 @!p2 $0x0;
	s25 =	simm.s32 @!p2 $0x5400  }
0x5d: {  	[tilespmem:s25], [sflag:$0x2] =	stream.linear.gather @!p2 [hbm4b:s1+s19], $0x4000, $0x38;
	[tilespmem:$0x1D480] =	vst v63  }
0x5e: {  	_ =	swait.ge @!p2 [sflag:s26], $0x4000  }
0x5f: {  	p1 =	sne.s32 s30, $0x0;
	[sflag:s26] =	ssyncset.done @!p2 $0x0  }
0x60: {  	s1 =	simm.s32 @!p2 $0x80;
	s19 =	simm.s32 @!p2 $0x1400;
	[sflag:s26] =	ssyncadd.s32 @!p2 $0xFFFFC000  }
0x61: {  	[spmem:s2] =	stream.indirect.scatter.add.f32 @!p2 [tilespmem:s19], [sflag:$0x4], $0x80, s22, s1, $0xb8;
	[tilespmem:$0x1D480] =	vst v63  }
0x62: {  	p3 =	sge.u32 @p1 s24, s4;
	s1 =	simm.s32 @!p2 $0x4  }
0x63: {  	s1 =	simm.s32 @p2 $0x3;
	p2 =	por p3, !p1  }
0x64: {  	_ =	swait.ge [sflag:s1], $0x4000;
	s19 =	sadd.s32 @!p2 s24, s13  }
0x65: {  	[sflag:s1] =	ssyncset.done $0x0;
	s19 =	sshll.u32 @!p2 s19, $0xB  }
0x66: {  	[sflag:s1] =	ssyncadd.s32 $0xFFFFC000;
	s1 =	sand.u32 @!p2 $0x1FFFF000, s19  }
0x67: {  	s25 =	simm.s32 @!p2 $0x5400;
	s19 =	simm.s32 @!p2 $0x0;
	s1 =	sadd.s32 @!p2 s1, s9  }
0x68: {  	[tilespmem:s25], [sflag:$0x2] =	stream.linear.gather @!p2 [hbm4b:s1+s19], $0x4000, $0x38;
	[tilespmem:$0x1D480] =	vst v63  }
0x69: {  	s1 =	simm.s32 @p1 $0x1  }
0x6a: {  	_ =	swait.ge @p1 [sflag:s1], $0x4000  }
0x6b: {  	s19 =	sadd.s32 $0x80, s22;
	s22 =	simm.s32 @p1 $0x1400;
	[sflag:s1] =	ssyncset.done @p1 $0x0  }
0x6c: {  	p2 =	sge.u32 @!p1 s24, s4;
	[sflag:s1] =	ssyncadd.s32 @p1 $0xFFFFC000;
	s1 =	simm.s32 @p1 $0x80  }
0x6d: {  	[spmem:s2] =	stream.indirect.scatter.add.f32 @p1 [tilespmem:s22], [sflag:$0x4], $0x80, s19, s1, $0xb8;
	[tilespmem:$0x1D480] =	vst v63  }
0x6e: {  	p2 =	por p2, p1;
	s1 =	sadd.s32 $0xFFFFF800, s23  }
0x6f: {  	s22 =	simm.s32 @!p2 $0x0;
	s23 =	simm.s32 @!p2 $0x1400;
	s1 =	ssub.s32 @!p2 $0x0, s1  }
0x70: {  	[tilespmem:s23], [sflag:$0x1] =	stream.linear.gather @!p2 [hbm4b:s1+s22], $0x4000, $0x38;
	[tilespmem:$0x1D480] =	vst v63  }
0x71: {  	s1 =	simm.s32 @!p1 $0x2  }
0x72: {  	_ =	swait.ge @!p1 [sflag:s1], $0x4000  }
0x73: {  	[sflag:s1] =	ssyncset.done @!p1 $0x0  }
0x74: {  	s22 =	simm.s32 @!p1 $0x5400;
	[sflag:s1] =	ssyncadd.s32 @!p1 $0xFFFFC000;
	s1 =	simm.s32 @!p1 $0x80  }
0x75: {  	[spmem:s2] =	stream.indirect.scatter.add.f32 @!p1 [tilespmem:s22], [sflag:$0x3], $0x80, s19, s1, $0xb8;
	[tilespmem:$0x1D480] =	vst v63  }
0x76: {  	s1 =	simm.s32 @!p1 $0x3  }
0x77: {  	s1 =	simm.s32 @p1 $0x4  }
0x78: {  	_ =	swait.ge [sflag:s1], $0x4000  }
0x79: {  	[sflag:s1] =	ssyncset.done $0x0  }
0x7a: {  	[sflag:s1] =	ssyncadd.s32 $0xFFFFC000  }
0x7b: {  	s1 =	simm.s32 @p0 $0x1FC3;
	[bflag:$0x0] =	sbarrier.arrive $0xFFFF  }
0x7c: {  	[hbm:s11], [sflag:s1] =	dma.local @p0 [spmem:s20], $0x2800  }
0x7d: {  	s1 =	simm.s32 @p0 $0x3  }
0x7e: {  	s21 =	sadd.s32 $0x1, s21;
	_ =	swait.ge @p0 [sflag:s1], $0x2800  }
0x7f: {  	s19 =	sshll.u32 @!p0 s0, $0x6;
	p1 =	sne.s32 s21, s12;
	[sflag:s1] =	ssyncset.done @p0 $0x0  }
0x80: {  	[sflag:s1] =	ssyncadd.s32 @p0 $0xFFFFD800;
	s1 =	sor.u32 @!p0 $0x1C03, s19;
	s19 =	sshrl.u32 @!p0 s7, $0x3  }
0x81: {  	[hbm:s10], [sflag:s1] =	dma.local @!p0 [spmem:s19], $0x2700  }
.Ltmp6:
0x82: {  	_ = 	snop;
	(pc) =	sbr.rel @p1 .LBB2_1-.Ltmp6, $4  }
.Ltmp7:
0x83: {  	s1 =	simm.s32 @!p0 $0x3;
	(pc) =	sbr.rel @!p1 .LBB2_12-.Ltmp7, $4  }
0x84: {  	_ =	swait.ge @!p0 [sflag:s1], $0x2700  }
0x85: {  	[sflag:s1] =	ssyncset.done @!p0 $0x0  }
0x86: {  	[sflag:s1] =	ssyncadd.s32 @!p0 $0xFFFFD900  }
0x87: {  	_ = 	snop  }
.LBB2_6:
.Ltmp8:
0x88: {  	(pc) =	sbr.rel .LBB2_11-.Ltmp8, $2  }
0x89: {  	_ =	sdelay $0x2  }
0x8a: {  	s26 =	smov.u32 s15;
	s25 =	smov.u32 s16;
	s23 =	smov.u32 s14  }
.LBB2_8:
.Ltmp9:
0x8b: {  	(pc) =	sbr.rel .LBB2_11-.Ltmp9, $2  }
0x8c: {  	_ =	sdelay $0x2  }
0x8d: {  	s24 =	simm.s32 $0x2  }
.LBB2_12:
0x8e: {  	_ =	sfence.sel $0x180000  }
0x8f: {  	[bflag:$0x0] =	sbarrier.arrive $0xFFFF  }
0x90: {  	_ =	strace $0x9000004D  }
0x91: {  	[bflag:$0x2] =	sbarrier.arrive $0xFFFF  }
0x92: {  	p0 =	sne.s32 s0, $0x0;
	s0 =	rddreg [dreg:$0x2]  }
0x93: {  	s0 =	sadd.s32 @!p0 $0x100000, s0  }
0x94: {  	[sflag:s0] =	ssyncadd.tile.s32 @!p0 $0x1;
	_ =	shalt  }
.Lfunc_end2:
_tile_overlayer_lowered:
.L_overlay_start_2:
0x95: {  	(tag) =	ssettag $0x2  }
0x96: {  	s0 =	rddreg [dreg:$0x0];
	s2 =	stileid.u32  }
0x97: {  	s1 =	rddreg [dreg:$0x1];
	p0 =	sne.s32 s2, $0x0  }
0x98: {  	s3 =	rddreg [dreg:$0x2];
	[bflag:$0x3] =	sbarrier.arrive $0xFFFF;
	s2 =	simm.s32 @!p0 $0x1C03  }
0x99: {  	[timem:s3], [sflag:s2] =	dma.local @!p0 [hbm:s0], s1  }
0x9a: {  	s0 =	simm.s32 @!p0 $0x3  }
0x9b: {  	_ =	swait.ge @!p0 [sflag:s0], s1  }
0x9c: {  	s1 =	ssub.s32 @!p0 $0x0, s1;
	[sflag:s0] =	ssyncset.done @!p0 $0x0  }
0x9d: {  	[sflag:s0] =	ssyncadd.s32 @!p0 s1  }
0x9e: {  	[bflag:$0x3] =	sbarrier.arrive $0xFFFF  }
0x9f: {  	_ =	shalt  }

</sc_bundles>
